<compile_context>
chip_gen: v7x
topology: tpu7x:2x2x1
jax: 0.10.2.dev20260603
libtpu: 0.0.44.dev20260713+nightly
codegen_flags: <defaults>
</compile_context>

<pallas_src>
import functools

import jax
import jax.numpy as jnp
from jax import lax
from jax.experimental import pallas as pl
from jax.experimental.pallas import tpu as pltpu
from jax.experimental.pallas import tpu_sc as plsc

N = 10000
B = 8
F = 20000
NC = 2
NS = 16
NW = NC * NS
RPT = 640
NPAD = NS * RPT
FPT = 640
FPAD = NW * FPT
KCH = 30
NIDX = 15
RPD = FPT // 128
CHW = 128
NRING = 4
RB = (0, 1, 2, 1, 2, 0)
CB = (1, 2, 0, 0, 1, 2)
SPERM = tuple(5 * RB[j // RPD] + j % RPD for j in range(KCH))
GPERM = tuple(5 * CB[j // RPD] + j % RPD for j in range(KCH))

NR = NPAD // 8


def _sig_body(pred_ref, out_ref):
    x = pred_ref[...]
    riota = lax.broadcasted_iota(jnp.int32, (B, NR), 1)
    parts = []
    for m in range(8):
        xm = x[:, m * NR:(m + 1) * NR]
        sm = 1.0 / (1.0 + jnp.exp(-xm))
        v = riota < (N - NR * m)
        parts.append(jnp.where(v, sm, 0.0))
        parts.append(jnp.where(v, 1.0 - sm, 0.0))
    val = jnp.concatenate(parts, axis=0)
    out_ref[...] = val.T


def _sc_body(pc_hbm, idx_hbm, out_hbm,
             gbuf, idx, pc16_s, acc_s, sem0, sem1):
    c = lax.axis_index("c")
    s = lax.axis_index("s")
    w = c * NS + s
    r0 = s * RPT

    pltpu.sync_copy(pc_hbm.at[pl.ds(r0, RPT)], pc16_s.at[pl.ds(r0, RPT)])
    pltpu.sync_copy(pc_hbm.at[pl.ds(r0, RPT)], acc_s.at[pl.ds(r0, RPT)])
    pltpu.sync_copy(idx_hbm.at[w], idx)
    plsc.subcore_barrier()

    pltpu.async_copy(pc16_s.at[idx.at[GPERM[0]]], gbuf.at[0], sem0)
    for j in range(0, KCH, 2):
        pltpu.async_copy(
            pc16_s.at[idx.at[GPERM[j + 1]]], gbuf.at[(j + 1) % NRING], sem1)
        pltpu.make_async_copy(
            pc16_s.at[idx.at[GPERM[j]]], gbuf.at[j % NRING], sem0).wait()
        pltpu.sync_copy(gbuf.at[j % NRING],
                        acc_s.at[idx.at[SPERM[j]]], add=True)
        if j + 2 < KCH:
            pltpu.async_copy(
                pc16_s.at[idx.at[GPERM[j + 2]]], gbuf.at[(j + 2) % NRING],
                sem0)
        pltpu.make_async_copy(
            pc16_s.at[idx.at[GPERM[j + 1]]], gbuf.at[(j + 1) % NRING],
            sem1).wait()
        pltpu.sync_copy(gbuf.at[(j + 1) % NRING],
                        acc_s.at[idx.at[SPERM[j + 1]]], add=True)
    plsc.subcore_barrier()

    pltpu.sync_copy(acc_s.at[pl.ds(r0, RPT)], out_hbm.at[c, pl.ds(r0, RPT)])


def _reduce_body(part_ref, pc_ref, out_ref):
    pc = pc_ref[...]
    t = part_ref[0:NR] + part_ref[NR:2 * NR] - pc
    lane = lax.broadcasted_iota(jnp.int32, (NR, 128), 1)
    q = lax.broadcasted_iota(jnp.int32, (NR, 128), 0)
    rowv = q < (N - NR * (lane // 16))
    tm = jnp.where(rowv, t, 0.0)
    pcm = jnp.where(rowv, pc, 0.0)

    def fold(x, op):
        m = x[:, 0:16]
        for k in range(1, 8):
            m = op(m, x[:, 16 * k:16 * (k + 1)])
        return m

    def widen(x16):
        return jnp.concatenate([x16] * 8, axis=1)

    m16 = fold(jnp.max(tm, axis=0, keepdims=True), jnp.maximum)
    sum16 = fold(jnp.sum(tm, axis=0, keepdims=True), jnp.add)
    m128 = widen(m16)

    iso128 = jnp.sum(jnp.abs(pcm - tm / (m128 + 1e-6)),
                     axis=0, keepdims=True)
    iso16 = fold(iso128, jnp.add)

    isoc = iso16[:, 0:8] + iso16[:, 8:16]
    norm = sum16[:, 0:8] + sum16[:, 8:16] + 0.001
    pen = jnp.log1p(isoc / norm)
    out_ref[...] = (jnp.sum(pen) / B).reshape(1, 1)


@jax.jit
def kernel(pred, faces):
    pred_pad = jnp.pad(pred, ((0, 0), (0, NPAD - N)))
    faces_pad = jnp.concatenate(
        [faces, jnp.full((FPAD - F, 3), N, jnp.int32)]).reshape(NW, FPT, 3)
    ids = jnp.stack(
        [faces_pad[:, :, k].reshape(NW, RPD, CHW) for k in range(3)],
        axis=1).reshape(NW, NIDX, CHW)
    idx = 8 * (ids % NR) + ids // NR

    pc128 = pl.pallas_call(
        _sig_body,
        out_shape=jax.ShapeDtypeStruct((NR, 128), jnp.float32),
    )(pred_pad)

    mesh = plsc.VectorSubcoreMesh(
        core_axis_name="c", subcore_axis_name="s",
        num_cores=NC, num_subcores=NS)
    part = pl.kernel(
        _sc_body,
        out_type=jax.ShapeDtypeStruct((NC, NPAD, 16), jnp.float32),
        mesh=mesh,
        scratch_types=[
            pltpu.VMEM((NRING, CHW, 16), jnp.float32),
            pltpu.VMEM((NIDX, CHW), jnp.int32),
            pltpu.VMEM_SHARED((NPAD, 16), jnp.float32),
            pltpu.VMEM_SHARED((NPAD, 16), jnp.float32),
            pltpu.SemaphoreType.DMA,
            pltpu.SemaphoreType.DMA,
        ],
        compiler_params=pltpu.CompilerParams(
            use_tc_tiling_on_sc=False, needs_layout_passes=False),
    )(pc128.reshape(NPAD, 16), idx)

    loss = pl.pallas_call(
        _reduce_body,
        out_shape=jax.ShapeDtypeStruct((1, 1), jnp.float32),
    )(part.reshape(NC * NR, 128), pc128)
    return loss[0, 0]

# --- scband reference (transcript-rebuilt; emitter-appended) ---
"""Pipeline reference for scband-smooth-reg-loss-86672440033387 (READ-ONLY COPY).

The authoritative reference and input builder live on the scoring server;
editing this copy changes nothing except your own understanding.
"""

import jax, jax.numpy as jnp
import numpy as np

NUM_VERTS = 10000
NUM_FACES = 20000
BATCH = 8


def setup_inputs(seed: int = 0) -> dict:
    key = jax.random.key(seed)
    k1, k2 = jax.random.split(key)
    pred = jax.random.normal(k1, (BATCH, NUM_VERTS), dtype=jnp.float32)
    faces = jax.random.randint(k2, (NUM_FACES, 3), 0, NUM_VERTS, dtype=jnp.int32)
    return {"pred": pred, "faces": faces}


def reference(pred, faces):
    B, N = pred.shape
    pred_contact = jax.nn.sigmoid(pred)
    pred_non_contact = 1.0 - pred_contact
    f0, f1, f2 = faces[:, 0], faces[:, 1], faces[:, 2]
    row_idx = jnp.concatenate([f0, f1, f2, f1, f2, f0])
    col_idx = jnp.concatenate([f1, f2, f0, f0, f1, f2])

    def propagate(v):
        # sparse adjacency matmul: out[row] += v[col]; identity (self loops) adds v
        gathered = v[:, col_idx]  # [B, E] gather
        out = jnp.zeros_like(v).at[:, row_idx].add(gathered)  # scatter-add
        return out + v

    propagated_contact = propagate(pred_contact)
    propagated_non_contact = propagate(pred_non_contact)

    normalized_propagated_contact = propagated_contact / (
        propagated_contact.max(axis=1, keepdims=True) + 1e-06)
    normalized_propagated_non_contact = propagated_non_contact / (
        propagated_non_contact.max(axis=1, keepdims=True) + 1e-06)

    isolation_score_contact = jnp.abs(pred_contact - normalized_propagated_contact)
    isolation_score_non_contact = jnp.abs(pred_non_contact - normalized_propagated_non_contact)

    approx_total_contact_size = propagated_contact.sum(axis=1)
    approx_total_non_contact_size = propagated_non_contact.sum(axis=1)

    isolated_cluster_score = (isolation_score_contact.sum(axis=1)
                              + isolation_score_non_contact.sum(axis=1))
    norm_factor = approx_total_contact_size + approx_total_non_contact_size + 0.001
    penalty_ratio = isolated_cluster_score / norm_factor
    loss_isolation = jnp.log1p(penalty_ratio).mean()
    return loss_isolation

if __name__ == "__main__":
    import jax
    _d = setup_inputs()
    print(jax.jit(kernel)(*tuple(_d.values())))

</pallas_src>

<mosaic_0001>
#map = affine_map<(d0, d1) -> (0, 0)>
#map1 = affine_map<(d0, d1) -> (0, 0, 0)>
module attributes {stable_mosaic.version = 14 : i64} {
  func.func @_sc_body(%arg0: i32, %arg1: i32, %arg2: memref<10240x16xf32, #tpu.memory_space<hbm>>, %arg3: memref<32x15x128xi32, #tpu.memory_space<hbm>>, %arg4: memref<2x10240x16xf32, #tpu.memory_space<hbm>>, %arg5: memref<4x128x16xf32, #tpu.memory_space<vmem>>, %arg6: memref<15x128xi32, #tpu.memory_space<vmem>>, %arg7: memref<10240x16xf32, #tpu.memory_space<vmem_shared>>, %arg8: memref<10240x16xf32, #tpu.memory_space<vmem_shared>>, %arg9: memref<!tpu.dma_semaphore, #tpu.memory_space<semaphore_mem>>, %arg10: memref<!tpu.dma_semaphore, #tpu.memory_space<semaphore_mem>>) attributes {dimension_semantics = [#tpu.dimension_semantics<core_parallel>, #tpu.dimension_semantics<subcore_parallel>], iteration_bounds = array<i64: 2, 16>, scalar_prefetch = 0 : i64, scratch_operands = 6 : i64, tpu.core_type = #tpu.core_type<sc_vector_subcore>, window_params = [{transform_indices = #map}, {transform_indices = #map1}, {transform_indices = #map1}]} {
    %mul3A = arith.constant 16 : i32
    %mul3A_0 = arith.muli %arg0, %mul3A : i32
    %add3A = arith.addi %mul3A_0, %arg1 : i32
    %mul3A_1 = arith.constant 640 : i32
    %mul3A_2 = arith.muli %arg1, %mul3A_1 : i32
    "tpu.region"() ({
      %run_scoped3A_781 = tpu.sem_alloc : memref<!tpu.dma_semaphore, #tpu.memory_space<semaphore_mem>>
      %dma_start3A_782 = arith.constant 0 : i32
      %dma_start3A_783 = tpu.memref_slice %arg7[%mul3A_2, %dma_start3A_782] : memref<10240x16xf32, #tpu.memory_space<vmem_shared>> -> memref<640x16xf32, #tpu.memory_space<vmem_shared>>
      %dma_start3A_784 = arith.constant 0 : i32
      %dma_start3A_785 = tpu.memref_slice %arg2[%mul3A_2, %dma_start3A_784] : memref<10240x16xf32, #tpu.memory_space<hbm>> -> memref<640x16xf32, #tpu.memory_space<hbm>>
      tpu.enqueue_dma source(%dma_start3A_785 : memref<640x16xf32, #tpu.memory_space<hbm>>) target(%dma_start3A_783 : memref<640x16xf32, #tpu.memory_space<vmem_shared>>) target_semaphore(%run_scoped3A_781 : memref<!tpu.dma_semaphore, #tpu.memory_space<semaphore_mem>>)
      %dma_wait3A_786 = arith.constant 0 : i32
      %dma_wait3A_787 = tpu.memref_slice %arg7[%mul3A_2, %dma_wait3A_786] : memref<10240x16xf32, #tpu.memory_space<vmem_shared>> -> memref<640x16xf32, #tpu.memory_space<vmem_shared>>
      %dma_wait3A_788 = arith.constant 0 : i32
      %dma_wait3A_789 = tpu.memref_slice %arg2[%mul3A_2, %dma_wait3A_788] : memref<10240x16xf32, #tpu.memory_space<hbm>> -> memref<640x16xf32, #tpu.memory_space<hbm>>
      tpu.wait_dma2 semaphore(%run_scoped3A_781 : memref<!tpu.dma_semaphore, #tpu.memory_space<semaphore_mem>>) src(%dma_wait3A_789 : memref<640x16xf32, #tpu.memory_space<hbm>>) dst(%dma_wait3A_787 : memref<640x16xf32, #tpu.memory_space<vmem_shared>>)
      tpu.yield
    }) : () -> ()
    "tpu.region"() ({
      %run_scoped3A_781 = tpu.sem_alloc : memref<!tpu.dma_semaphore, #tpu.memory_space<semaphore_mem>>
      %dma_start3A_782 = arith.constant 0 : i32
      %dma_start3A_783 = tpu.memref_slice %arg8[%mul3A_2, %dma_start3A_782] : memref<10240x16xf32, #tpu.memory_space<vmem_shared>> -> memref<640x16xf32, #tpu.memory_space<vmem_shared>>
      %dma_start3A_784 = arith.constant 0 : i32
      %dma_start3A_785 = tpu.memref_slice %arg2[%mul3A_2, %dma_start3A_784] : memref<10240x16xf32, #tpu.memory_space<hbm>> -> memref<640x16xf32, #tpu.memory_space<hbm>>
      tpu.enqueue_dma source(%dma_start3A_785 : memref<640x16xf32, #tpu.memory_space<hbm>>) target(%dma_start3A_783 : memref<640x16xf32, #tpu.memory_space<vmem_shared>>) target_semaphore(%run_scoped3A_781 : memref<!tpu.dma_semaphore, #tpu.memory_space<semaphore_mem>>)
      %dma_wait3A_786 = arith.constant 0 : i32
      %dma_wait3A_787 = tpu.memref_slice %arg8[%mul3A_2, %dma_wait3A_786] : memref<10240x16xf32, #tpu.memory_space<vmem_shared>> -> memref<640x16xf32, #tpu.memory_space<vmem_shared>>
      %dma_wait3A_788 = arith.constant 0 : i32
      %dma_wait3A_789 = tpu.memref_slice %arg2[%mul3A_2, %dma_wait3A_788] : memref<10240x16xf32, #tpu.memory_space<hbm>> -> memref<640x16xf32, #tpu.memory_space<hbm>>
      tpu.wait_dma2 semaphore(%run_scoped3A_781 : memref<!tpu.dma_semaphore, #tpu.memory_space<semaphore_mem>>) src(%dma_wait3A_789 : memref<640x16xf32, #tpu.memory_space<hbm>>) dst(%dma_wait3A_787 : memref<640x16xf32, #tpu.memory_space<vmem_shared>>)
      tpu.yield
    }) : () -> ()
    "tpu.region"() ({
      %run_scoped3A_781 = tpu.sem_alloc : memref<!tpu.dma_semaphore, #tpu.memory_space<semaphore_mem>>
      %dma_start3A_782 = arith.constant 0 : i32
      %dma_start3A_783 = arith.constant 0 : i32
      %dma_start3A_784 = tpu.memref_slice %arg3[%add3A, %dma_start3A_782, %dma_start3A_783] : memref<32x15x128xi32, #tpu.memory_space<hbm>> -> memref<1x15x128xi32, #tpu.memory_space<hbm>>
      %dma_start3A_785 = tpu.memref_squeeze %dma_start3A_784 : memref<1x15x128xi32, #tpu.memory_space<hbm>> -> memref<15x128xi32, #tpu.memory_space<hbm>>
      %dma_start3A_786 = arith.constant 0 : i32
      %dma_start3A_787 = arith.constant 0 : i32
      %dma_start3A_788 = tpu.memref_slice %arg3[%add3A, %dma_start3A_786, %dma_start3A_787] : memref<32x15x128xi32, #tpu.memory_space<hbm>> -> memref<1x15x128xi32, #tpu.memory_space<hbm>>
      %dma_start3A_789 = tpu.memref_squeeze %dma_start3A_788 : memref<1x15x128xi32, #tpu.memory_space<hbm>> -> memref<15x128xi32, #tpu.memory_space<hbm>>
      tpu.enqueue_dma source(%dma_start3A_789 : memref<15x128xi32, #tpu.memory_space<hbm>>) target(%arg6 : memref<15x128xi32, #tpu.memory_space<vmem>>) target_semaphore(%run_scoped3A_781 : memref<!tpu.dma_semaphore, #tpu.memory_space<semaphore_mem>>)
      %dma_wait3A_790 = arith.constant 0 : i32
      %dma_wait3A_791 = arith.constant 0 : i32
      %dma_wait3A_792 = tpu.memref_slice %arg3[%add3A, %dma_wait3A_790, %dma_wait3A_791] : memref<32x15x128xi32, #tpu.memory_space<hbm>> -> memref<1x15x128xi32, #tpu.memory_space<hbm>>
      %dma_wait3A_793 = tpu.memref_squeeze %dma_wait3A_792 : memref<1x15x128xi32, #tpu.memory_space<hbm>> -> memref<15x128xi32, #tpu.memory_space<hbm>>
      %dma_wait3A_794 = arith.constant 0 : i32
      %dma_wait3A_795 = arith.constant 0 : i32
      %dma_wait3A_796 = tpu.memref_slice %arg3[%add3A, %dma_wait3A_794, %dma_wait3A_795] : memref<32x15x128xi32, #tpu.memory_space<hbm>> -> memref<1x15x128xi32, #tpu.memory_space<hbm>>
      %dma_wait3A_797 = tpu.memref_squeeze %dma_wait3A_796 : memref<1x15x128xi32, #tpu.memory_space<hbm>> -> memref<15x128xi32, #tpu.memory_space<hbm>>
      tpu.wait_dma2 semaphore(%run_scoped3A_781 : memref<!tpu.dma_semaphore, #tpu.memory_space<semaphore_mem>>) src(%dma_wait3A_797 : memref<15x128xi32, #tpu.memory_space<hbm>>) dst(%arg6 : memref<15x128xi32, #tpu.memory_space<vmem>>)
      tpu.yield
    }) : () -> ()
    %barrier3A = arith.constant 0 : index
    tpu.barrier barrier_id(%barrier3A)
    %dma_start3A = arith.constant 5 : i32
    %dma_start3A_3 = arith.constant 0 : i32
    %dma_start3A_4 = arith.constant 0 : i32
    %dma_start3A_5 = arith.constant 0 : i32
    %dma_start3A_6 = tpu.memref_slice %arg5[%dma_start3A_3, %dma_start3A_4, %dma_start3A_5] : memref<4x128x16xf32, #tpu.memory_space<vmem>> -> memref<1x128x16xf32, #tpu.memory_space<vmem>>
    %dma_start3A_7 = tpu.memref_squeeze %dma_start3A_6 : memref<1x128x16xf32, #tpu.memory_space<vmem>> -> memref<128x16xf32, #tpu.memory_space<vmem>>
    %dma_start3A_8 = arith.constant 0 : i32
    %dma_start3A_9 = tpu.memref_slice %arg6[%dma_start3A, %dma_start3A_8] : memref<15x128xi32, #tpu.memory_space<vmem>> -> memref<1x128xi32, #tpu.memory_space<vmem>>
    %dma_start3A_10 = tpu.memref_squeeze %dma_start3A_9 : memref<1x128xi32, #tpu.memory_space<vmem>> -> memref<128xi32, #tpu.memory_space<vmem>>
    %dma_start3A_11 = arith.constant 0 : i32
    %dma_start3A_12 = arith.constant 0 : i32
    %dma_start3A_13 = tpu.memref_slice %arg7[%dma_start3A_11, %dma_start3A_12] : memref<10240x16xf32, #tpu.memory_space<vmem_shared>> -> memref<10240x16xf32, #tpu.memory_space<vmem_shared>>
    tpu.enqueue_indirect_dma source(%dma_start3A_13 : memref<10240x16xf32, #tpu.memory_space<vmem_shared>>) target(%dma_start3A_7 : memref<128x16xf32, #tpu.memory_space<vmem>>) offsets(%dma_start3A_10 : memref<128xi32, #tpu.memory_space<vmem>>) semaphore(%arg9 : memref<!tpu.dma_semaphore, #tpu.memory_space<semaphore_mem>>)
    %dma_start3A_14 = arith.constant 6 : i32
    %dma_start3A_15 = arith.constant 1 : i32
    %dma_start3A_16 = arith.constant 0 : i32
    %dma_start3A_17 = arith.constant 0 : i32
    %dma_start3A_18 = tpu.memref_slice %arg5[%dma_start3A_15, %dma_start3A_16, %dma_start3A_17] : memref<4x128x16xf32, #tpu.memory_space<vmem>> -> memref<1x128x16xf32, #tpu.memory_space<vmem>>
    %dma_start3A_19 = tpu.memref_squeeze %dma_start3A_18 : memref<1x128x16xf32, #tpu.memory_space<vmem>> -> memref<128x16xf32, #tpu.memory_space<vmem>>
    %dma_start3A_20 = arith.constant 0 : i32
    %dma_start3A_21 = tpu.memref_slice %arg6[%dma_start3A_14, %dma_start3A_20] : memref<15x128xi32, #tpu.memory_space<vmem>> -> memref<1x128xi32, #tpu.memory_space<vmem>>
    %dma_start3A_22 = tpu.memref_squeeze %dma_start3A_21 : memref<1x128xi32, #tpu.memory_space<vmem>> -> memref<128xi32, #tpu.memory_space<vmem>>
    %dma_start3A_23 = arith.constant 0 : i32
    %dma_start3A_24 = arith.constant 0 : i32
    %dma_start3A_25 = tpu.memref_slice %arg7[%dma_start3A_23, %dma_start3A_24] : memref<10240x16xf32, #tpu.memory_space<vmem_shared>> -> memref<10240x16xf32, #tpu.memory_space<vmem_shared>>
    tpu.enqueue_indirect_dma source(%dma_start3A_25 : memref<10240x16xf32, #tpu.memory_space<vmem_shared>>) target(%dma_start3A_19 : memref<128x16xf32, #tpu.memory_space<vmem>>) offsets(%dma_start3A_22 : memref<128xi32, #tpu.memory_space<vmem>>) semaphore(%arg10 : memref<!tpu.dma_semaphore, #tpu.memory_space<semaphore_mem>>)
    %dma_wait3A = arith.constant 5 : i32
    %dma_wait3A_26 = arith.constant 0 : i32
    %dma_wait3A_27 = arith.constant 0 : i32
    %dma_wait3A_28 = arith.constant 0 : i32
    %dma_wait3A_29 = tpu.memref_slice %arg5[%dma_wait3A_26, %dma_wait3A_27, %dma_wait3A_28] : memref<4x128x16xf32, #tpu.memory_space<vmem>> -> memref<1x128x16xf32, #tpu.memory_space<vmem>>
    %dma_wait3A_30 = tpu.memref_squeeze %dma_wait3A_29 : memref<1x128x16xf32, #tpu.memory_space<vmem>> -> memref<128x16xf32, #tpu.memory_space<vmem>>
    %dma_wait3A_31 = arith.constant 0 : i32
    %dma_wait3A_32 = tpu.memref_slice %arg6[%dma_wait3A, %dma_wait3A_31] : memref<15x128xi32, #tpu.memory_space<vmem>> -> memref<1x128xi32, #tpu.memory_space<vmem>>
    %dma_wait3A_33 = tpu.memref_squeeze %dma_wait3A_32 : memref<1x128xi32, #tpu.memory_space<vmem>> -> memref<128xi32, #tpu.memory_space<vmem>>
    %dma_wait3A_34 = arith.constant 0 : i32
    %dma_wait3A_35 = arith.constant 0 : i32
    %dma_wait3A_36 = tpu.memref_slice %arg7[%dma_wait3A_34, %dma_wait3A_35] : memref<10240x16xf32, #tpu.memory_space<vmem_shared>> -> memref<10240x16xf32, #tpu.memory_space<vmem_shared>>
    tpu.wait_indirect_dma semaphore(%arg9 : memref<!tpu.dma_semaphore, #tpu.memory_space<semaphore_mem>>) src(%dma_wait3A_36 : memref<10240x16xf32, #tpu.memory_space<vmem_shared>>) dst(%dma_wait3A_30 : memref<128x16xf32, #tpu.memory_space<vmem>>)
    %run_scoped3A = arith.constant 0 : i32
    %run_scoped3A_37 = arith.constant 0 : i32
    "tpu.region"() ({
      %run_scoped3A_781 = tpu.sem_alloc : memref<!tpu.dma_semaphore, #tpu.memory_space<semaphore_mem>>
      %dma_start3A_782 = arith.constant 0 : i32
      %dma_start3A_783 = arith.constant 0 : i32
      %dma_start3A_784 = tpu.memref_slice %arg5[%run_scoped3A, %dma_start3A_782, %dma_start3A_783] : memref<4x128x16xf32, #tpu.memory_space<vmem>> -> memref<1x128x16xf32, #tpu.memory_space<vmem>>
      %dma_start3A_785 = tpu.memref_squeeze %dma_start3A_784 : memref<1x128x16xf32, #tpu.memory_space<vmem>> -> memref<128x16xf32, #tpu.memory_space<vmem>>
      %dma_start3A_786 = arith.constant 0 : i32
      %dma_start3A_787 = tpu.memref_slice %arg6[%run_scoped3A_37, %dma_start3A_786] : memref<15x128xi32, #tpu.memory_space<vmem>> -> memref<1x128xi32, #tpu.memory_space<vmem>>
      %dma_start3A_788 = tpu.memref_squeeze %dma_start3A_787 : memref<1x128xi32, #tpu.memory_space<vmem>> -> memref<128xi32, #tpu.memory_space<vmem>>
      %dma_start3A_789 = arith.constant 0 : i32
      %dma_start3A_790 = arith.constant 0 : i32
      %dma_start3A_791 = tpu.memref_slice %arg8[%dma_start3A_789, %dma_start3A_790] : memref<10240x16xf32, #tpu.memory_space<vmem_shared>> -> memref<10240x16xf32, #tpu.memory_space<vmem_shared>>
      tpu.enqueue_indirect_dma source(%dma_start3A_785 : memref<128x16xf32, #tpu.memory_space<vmem>>) target(%dma_start3A_791 : memref<10240x16xf32, #tpu.memory_space<vmem_shared>>) offsets(%dma_start3A_788 : memref<128xi32, #tpu.memory_space<vmem>>) semaphore(%run_scoped3A_781 : memref<!tpu.dma_semaphore, #tpu.memory_space<semaphore_mem>>) {add = true}
      %dma_wait3A_792 = arith.constant 0 : i32
      %dma_wait3A_793 = arith.constant 0 : i32
      %dma_wait3A_794 = tpu.memref_slice %arg5[%run_scoped3A, %dma_wait3A_792, %dma_wait3A_793] : memref<4x128x16xf32, #tpu.memory_space<vmem>> -> memref<1x128x16xf32, #tpu.memory_space<vmem>>
      %dma_wait3A_795 = tpu.memref_squeeze %dma_wait3A_794 : memref<1x128x16xf32, #tpu.memory_space<vmem>> -> memref<128x16xf32, #tpu.memory_space<vmem>>
      %dma_wait3A_796 = arith.constant 0 : i32
      %dma_wait3A_797 = tpu.memref_slice %arg6[%run_scoped3A_37, %dma_wait3A_796] : memref<15x128xi32, #tpu.memory_space<vmem>> -> memref<1x128xi32, #tpu.memory_space<vmem>>
      %dma_wait3A_798 = tpu.memref_squeeze %dma_wait3A_797 : memref<1x128xi32, #tpu.memory_space<vmem>> -> memref<128xi32, #tpu.memory_space<vmem>>
      %dma_wait3A_799 = arith.constant 0 : i32
      %dma_wait3A_800 = arith.constant 0 : i32
      %dma_wait3A_801 = tpu.memref_slice %arg8[%dma_wait3A_799, %dma_wait3A_800] : memref<10240x16xf32, #tpu.memory_space<vmem_shared>> -> memref<10240x16xf32, #tpu.memory_space<vmem_shared>>
      tpu.wait_indirect_dma semaphore(%run_scoped3A_781 : memref<!tpu.dma_semaphore, #tpu.memory_space<semaphore_mem>>) src(%dma_wait3A_795 : memref<128x16xf32, #tpu.memory_space<vmem>>) dst(%dma_wait3A_801 : memref<10240x16xf32, #tpu.memory_space<vmem_shared>>)
      tpu.yield
    }) : () -> ()
    %dma_start3A_38 = arith.constant 7 : i32
    %dma_start3A_39 = arith.constant 2 : i32
    %dma_start3A_40 = arith.constant 0 : i32
    %dma_start3A_41 = arith.constant 0 : i32
    %dma_start3A_42 = tpu.memref_slice %arg5[%dma_start3A_39, %dma_start3A_40, %dma_start3A_41] : memref<4x128x16xf32, #tpu.memory_space<vmem>> -> memref<1x128x16xf32, #tpu.memory_space<vmem>>
    %dma_start3A_43 = tpu.memref_squeeze %dma_start3A_42 : memref<1x128x16xf32, #tpu.memory_space<vmem>> -> memref<128x16xf32, #tpu.memory_space<vmem>>
    %dma_start3A_44 = arith.constant 0 : i32
    %dma_start3A_45 = tpu.memref_slice %arg6[%dma_start3A_38, %dma_start3A_44] : memref<15x128xi32, #tpu.memory_space<vmem>> -> memref<1x128xi32, #tpu.memory_space<vmem>>
    %dma_start3A_46 = tpu.memref_squeeze %dma_start3A_45 : memref<1x128xi32, #tpu.memory_space<vmem>> -> memref<128xi32, #tpu.memory_space<vmem>>
    %dma_start3A_47 = arith.constant 0 : i32
    %dma_start3A_48 = arith.constant 0 : i32
    %dma_start3A_49 = tpu.memref_slice %arg7[%dma_start3A_47, %dma_start3A_48] : memref<10240x16xf32, #tpu.memory_space<vmem_shared>> -> memref<10240x16xf32, #tpu.memory_space<vmem_shared>>
    tpu.enqueue_indirect_dma source(%dma_start3A_49 : memref<10240x16xf32, #tpu.memory_space<vmem_shared>>) target(%dma_start3A_43 : memref<128x16xf32, #tpu.memory_space<vmem>>) offsets(%dma_start3A_46 : memref<128xi32, #tpu.memory_space<vmem>>) semaphore(%arg9 : memref<!tpu.dma_semaphore, #tpu.memory_space<semaphore_mem>>)
    %dma_wait3A_50 = arith.constant 6 : i32
    %dma_wait3A_51 = arith.constant 1 : i32
    %dma_wait3A_52 = arith.constant 0 : i32
    %dma_wait3A_53 = arith.constant 0 : i32
    %dma_wait3A_54 = tpu.memref_slice %arg5[%dma_wait3A_51, %dma_wait3A_52, %dma_wait3A_53] : memref<4x128x16xf32, #tpu.memory_space<vmem>> -> memref<1x128x16xf32, #tpu.memory_space<vmem>>
    %dma_wait3A_55 = tpu.memref_squeeze %dma_wait3A_54 : memref<1x128x16xf32, #tpu.memory_space<vmem>> -> memref<128x16xf32, #tpu.memory_space<vmem>>
    %dma_wait3A_56 = arith.constant 0 : i32
    %dma_wait3A_57 = tpu.memref_slice %arg6[%dma_wait3A_50, %dma_wait3A_56] : memref<15x128xi32, #tpu.memory_space<vmem>> -> memref<1x128xi32, #tpu.memory_space<vmem>>
    %dma_wait3A_58 = tpu.memref_squeeze %dma_wait3A_57 : memref<1x128xi32, #tpu.memory_space<vmem>> -> memref<128xi32, #tpu.memory_space<vmem>>
    %dma_wait3A_59 = arith.constant 0 : i32
    %dma_wait3A_60 = arith.constant 0 : i32
    %dma_wait3A_61 = tpu.memref_slice %arg7[%dma_wait3A_59, %dma_wait3A_60] : memref<10240x16xf32, #tpu.memory_space<vmem_shared>> -> memref<10240x16xf32, #tpu.memory_space<vmem_shared>>
    tpu.wait_indirect_dma semaphore(%arg10 : memref<!tpu.dma_semaphore, #tpu.memory_space<semaphore_mem>>) src(%dma_wait3A_61 : memref<10240x16xf32, #tpu.memory_space<vmem_shared>>) dst(%dma_wait3A_55 : memref<128x16xf32, #tpu.memory_space<vmem>>)
    %run_scoped3A_62 = arith.constant 1 : i32
    %run_scoped3A_63 = arith.constant 1 : i32
    "tpu.region"() ({
      %run_scoped3A_781 = tpu.sem_alloc : memref<!tpu.dma_semaphore, #tpu.memory_space<semaphore_mem>>
      %dma_start3A_782 = arith.constant 0 : i32
      %dma_start3A_783 = arith.constant 0 : i32
      %dma_start3A_784 = tpu.memref_slice %arg5[%run_scoped3A_62, %dma_start3A_782, %dma_start3A_783] : memref<4x128x16xf32, #tpu.memory_space<vmem>> -> memref<1x128x16xf32, #tpu.memory_space<vmem>>
      %dma_start3A_785 = tpu.memref_squeeze %dma_start3A_784 : memref<1x128x16xf32, #tpu.memory_space<vmem>> -> memref<128x16xf32, #tpu.memory_space<vmem>>
      %dma_start3A_786 = arith.constant 0 : i32
      %dma_start3A_787 = tpu.memref_slice %arg6[%run_scoped3A_63, %dma_start3A_786] : memref<15x128xi32, #tpu.memory_space<vmem>> -> memref<1x128xi32, #tpu.memory_space<vmem>>
      %dma_start3A_788 = tpu.memref_squeeze %dma_start3A_787 : memref<1x128xi32, #tpu.memory_space<vmem>> -> memref<128xi32, #tpu.memory_space<vmem>>
      %dma_start3A_789 = arith.constant 0 : i32
      %dma_start3A_790 = arith.constant 0 : i32
      %dma_start3A_791 = tpu.memref_slice %arg8[%dma_start3A_789, %dma_start3A_790] : memref<10240x16xf32, #tpu.memory_space<vmem_shared>> -> memref<10240x16xf32, #tpu.memory_space<vmem_shared>>
      tpu.enqueue_indirect_dma source(%dma_start3A_785 : memref<128x16xf32, #tpu.memory_space<vmem>>) target(%dma_start3A_791 : memref<10240x16xf32, #tpu.memory_space<vmem_shared>>) offsets(%dma_start3A_788 : memref<128xi32, #tpu.memory_space<vmem>>) semaphore(%run_scoped3A_781 : memref<!tpu.dma_semaphore, #tpu.memory_space<semaphore_mem>>) {add = true}
      %dma_wait3A_792 = arith.constant 0 : i32
      %dma_wait3A_793 = arith.constant 0 : i32
      %dma_wait3A_794 = tpu.memref_slice %arg5[%run_scoped3A_62, %dma_wait3A_792, %dma_wait3A_793] : memref<4x128x16xf32, #tpu.memory_space<vmem>> -> memref<1x128x16xf32, #tpu.memory_space<vmem>>
      %dma_wait3A_795 = tpu.memref_squeeze %dma_wait3A_794 : memref<1x128x16xf32, #tpu.memory_space<vmem>> -> memref<128x16xf32, #tpu.memory_space<vmem>>
      %dma_wait3A_796 = arith.constant 0 : i32
      %dma_wait3A_797 = tpu.memref_slice %arg6[%run_scoped3A_63, %dma_wait3A_796] : memref<15x128xi32, #tpu.memory_space<vmem>> -> memref<1x128xi32, #tpu.memory_space<vmem>>
      %dma_wait3A_798 = tpu.memref_squeeze %dma_wait3A_797 : memref<1x128xi32, #tpu.memory_space<vmem>> -> memref<128xi32, #tpu.memory_space<vmem>>
      %dma_wait3A_799 = arith.constant 0 : i32
      %dma_wait3A_800 = arith.constant 0 : i32
      %dma_wait3A_801 = tpu.memref_slice %arg8[%dma_wait3A_799, %dma_wait3A_800] : memref<10240x16xf32, #tpu.memory_space<vmem_shared>> -> memref<10240x16xf32, #tpu.memory_space<vmem_shared>>
      tpu.wait_indirect_dma semaphore(%run_scoped3A_781 : memref<!tpu.dma_semaphore, #tpu.memory_space<semaphore_mem>>) src(%dma_wait3A_795 : memref<128x16xf32, #tpu.memory_space<vmem>>) dst(%dma_wait3A_801 : memref<10240x16xf32, #tpu.memory_space<vmem_shared>>)
      tpu.yield
    }) : () -> ()
    %dma_start3A_64 = arith.constant 8 : i32
    %dma_start3A_65 = arith.constant 3 : i32
    %dma_start3A_66 = arith.constant 0 : i32
    %dma_start3A_67 = arith.constant 0 : i32
    %dma_start3A_68 = tpu.memref_slice %arg5[%dma_start3A_65, %dma_start3A_66, %dma_start3A_67] : memref<4x128x16xf32, #tpu.memory_space<vmem>> -> memref<1x128x16xf32, #tpu.memory_space<vmem>>
    %dma_start3A_69 = tpu.memref_squeeze %dma_start3A_68 : memref<1x128x16xf32, #tpu.memory_space<vmem>> -> memref<128x16xf32, #tpu.memory_space<vmem>>
    %dma_start3A_70 = arith.constant 0 : i32
    %dma_start3A_71 = tpu.memref_slice %arg6[%dma_start3A_64, %dma_start3A_70] : memref<15x128xi32, #tpu.memory_space<vmem>> -> memref<1x128xi32, #tpu.memory_space<vmem>>
    %dma_start3A_72 = tpu.memref_squeeze %dma_start3A_71 : memref<1x128xi32, #tpu.memory_space<vmem>> -> memref<128xi32, #tpu.memory_space<vmem>>
    %dma_start3A_73 = arith.constant 0 : i32
    %dma_start3A_74 = arith.constant 0 : i32
    %dma_start3A_75 = tpu.memref_slice %arg7[%dma_start3A_73, %dma_start3A_74] : memref<10240x16xf32, #tpu.memory_space<vmem_shared>> -> memref<10240x16xf32, #tpu.memory_space<vmem_shared>>
    tpu.enqueue_indirect_dma source(%dma_start3A_75 : memref<10240x16xf32, #tpu.memory_space<vmem_shared>>) target(%dma_start3A_69 : memref<128x16xf32, #tpu.memory_space<vmem>>) offsets(%dma_start3A_72 : memref<128xi32, #tpu.memory_space<vmem>>) semaphore(%arg10 : memref<!tpu.dma_semaphore, #tpu.memory_space<semaphore_mem>>)
    %dma_wait3A_76 = arith.constant 7 : i32
    %dma_wait3A_77 = arith.constant 2 : i32
    %dma_wait3A_78 = arith.constant 0 : i32
    %dma_wait3A_79 = arith.constant 0 : i32
    %dma_wait3A_80 = tpu.memref_slice %arg5[%dma_wait3A_77, %dma_wait3A_78, %dma_wait3A_79] : memref<4x128x16xf32, #tpu.memory_space<vmem>> -> memref<1x128x16xf32, #tpu.memory_space<vmem>>
    %dma_wait3A_81 = tpu.memref_squeeze %dma_wait3A_80 : memref<1x128x16xf32, #tpu.memory_space<vmem>> -> memref<128x16xf32, #tpu.memory_space<vmem>>
    %dma_wait3A_82 = arith.constant 0 : i32
    %dma_wait3A_83 = tpu.memref_slice %arg6[%dma_wait3A_76, %dma_wait3A_82] : memref<15x128xi32, #tpu.memory_space<vmem>> -> memref<1x128xi32, #tpu.memory_space<vmem>>
    %dma_wait3A_84 = tpu.memref_squeeze %dma_wait3A_83 : memref<1x128xi32, #tpu.memory_space<vmem>> -> memref<128xi32, #tpu.memory_space<vmem>>
    %dma_wait3A_85 = arith.constant 0 : i32
    %dma_wait3A_86 = arith.constant 0 : i32
    %dma_wait3A_87 = tpu.memref_slice %arg7[%dma_wait3A_85, %dma_wait3A_86] : memref<10240x16xf32, #tpu.memory_space<vmem_shared>> -> memref<10240x16xf32, #tpu.memory_space<vmem_shared>>
    tpu.wait_indirect_dma semaphore(%arg9 : memref<!tpu.dma_semaphore, #tpu.memory_space<semaphore_mem>>) src(%dma_wait3A_87 : memref<10240x16xf32, #tpu.memory_space<vmem_shared>>) dst(%dma_wait3A_81 : memref<128x16xf32, #tpu.memory_space<vmem>>)
    %run_scoped3A_88 = arith.constant 2 : i32
    %run_scoped3A_89 = arith.constant 2 : i32
    "tpu.region"() ({
      %run_scoped3A_781 = tpu.sem_alloc : memref<!tpu.dma_semaphore, #tpu.memory_space<semaphore_mem>>
      %dma_start3A_782 = arith.constant 0 : i32
      %dma_start3A_783 = arith.constant 0 : i32
      %dma_start3A_784 = tpu.memref_slice %arg5[%run_scoped3A_88, %dma_start3A_782, %dma_start3A_783] : memref<4x128x16xf32, #tpu.memory_space<vmem>> -> memref<1x128x16xf32, #tpu.memory_space<vmem>>
      %dma_start3A_785 = tpu.memref_squeeze %dma_start3A_784 : memref<1x128x16xf32, #tpu.memory_space<vmem>> -> memref<128x16xf32, #tpu.memory_space<vmem>>
      %dma_start3A_786 = arith.constant 0 : i32
      %dma_start3A_787 = tpu.memref_slice %arg6[%run_scoped3A_89, %dma_start3A_786] : memref<15x128xi32, #tpu.memory_space<vmem>> -> memref<1x128xi32, #tpu.memory_space<vmem>>
      %dma_start3A_788 = tpu.memref_squeeze %dma_start3A_787 : memref<1x128xi32, #tpu.memory_space<vmem>> -> memref<128xi32, #tpu.memory_space<vmem>>
      %dma_start3A_789 = arith.constant 0 : i32
      %dma_start3A_790 = arith.constant 0 : i32
      %dma_start3A_791 = tpu.memref_slice %arg8[%dma_start3A_789, %dma_start3A_790] : memref<10240x16xf32, #tpu.memory_space<vmem_shared>> -> memref<10240x16xf32, #tpu.memory_space<vmem_shared>>
      tpu.enqueue_indirect_dma source(%dma_start3A_785 : memref<128x16xf32, #tpu.memory_space<vmem>>) target(%dma_start3A_791 : memref<10240x16xf32, #tpu.memory_space<vmem_shared>>) offsets(%dma_start3A_788 : memref<128xi32, #tpu.memory_space<vmem>>) semaphore(%run_scoped3A_781 : memref<!tpu.dma_semaphore, #tpu.memory_space<semaphore_mem>>) {add = true}
      %dma_wait3A_792 = arith.constant 0 : i32
      %dma_wait3A_793 = arith.constant 0 : i32
      %dma_wait3A_794 = tpu.memref_slice %arg5[%run_scoped3A_88, %dma_wait3A_792, %dma_wait3A_793] : memref<4x128x16xf32, #tpu.memory_space<vmem>> -> memref<1x128x16xf32, #tpu.memory_space<vmem>>
      %dma_wait3A_795 = tpu.memref_squeeze %dma_wait3A_794 : memref<1x128x16xf32, #tpu.memory_space<vmem>> -> memref<128x16xf32, #tpu.memory_space<vmem>>
      %dma_wait3A_796 = arith.constant 0 : i32
      %dma_wait3A_797 = tpu.memref_slice %arg6[%run_scoped3A_89, %dma_wait3A_796] : memref<15x128xi32, #tpu.memory_space<vmem>> -> memref<1x128xi32, #tpu.memory_space<vmem>>
      %dma_wait3A_798 = tpu.memref_squeeze %dma_wait3A_797 : memref<1x128xi32, #tpu.memory_space<vmem>> -> memref<128xi32, #tpu.memory_space<vmem>>
      %dma_wait3A_799 = arith.constant 0 : i32
      %dma_wait3A_800 = arith.constant 0 : i32
      %dma_wait3A_801 = tpu.memref_slice %arg8[%dma_wait3A_799, %dma_wait3A_800] : memref<10240x16xf32, #tpu.memory_space<vmem_shared>> -> memref<10240x16xf32, #tpu.memory_space<vmem_shared>>
      tpu.wait_indirect_dma semaphore(%run_scoped3A_781 : memref<!tpu.dma_semaphore, #tpu.memory_space<semaphore_mem>>) src(%dma_wait3A_795 : memref<128x16xf32, #tpu.memory_space<vmem>>) dst(%dma_wait3A_801 : memref<10240x16xf32, #tpu.memory_space<vmem_shared>>)
      tpu.yield
    }) : () -> ()
    %dma_start3A_90 = arith.constant 9 : i32
    %dma_start3A_91 = arith.constant 0 : i32
    %dma_start3A_92 = arith.constant 0 : i32
    %dma_start3A_93 = arith.constant 0 : i32
    %dma_start3A_94 = tpu.memref_slice %arg5[%dma_start3A_91, %dma_start3A_92, %dma_start3A_93] : memref<4x128x16xf32, #tpu.memory_space<vmem>> -> memref<1x128x16xf32, #tpu.memory_space<vmem>>
    %dma_start3A_95 = tpu.memref_squeeze %dma_start3A_94 : memref<1x128x16xf32, #tpu.memory_space<vmem>> -> memref<128x16xf32, #tpu.memory_space<vmem>>
    %dma_start3A_96 = arith.constant 0 : i32
    %dma_start3A_97 = tpu.memref_slice %arg6[%dma_start3A_90, %dma_start3A_96] : memref<15x128xi32, #tpu.memory_space<vmem>> -> memref<1x128xi32, #tpu.memory_space<vmem>>
    %dma_start3A_98 = tpu.memref_squeeze %dma_start3A_97 : memref<1x128xi32, #tpu.memory_space<vmem>> -> memref<128xi32, #tpu.memory_space<vmem>>
    %dma_start3A_99 = arith.constant 0 : i32
    %dma_start3A_100 = arith.constant 0 : i32
    %dma_start3A_101 = tpu.memref_slice %arg7[%dma_start3A_99, %dma_start3A_100] : memref<10240x16xf32, #tpu.memory_space<vmem_shared>> -> memref<10240x16xf32, #tpu.memory_space<vmem_shared>>
    tpu.enqueue_indirect_dma source(%dma_start3A_101 : memref<10240x16xf32, #tpu.memory_space<vmem_shared>>) target(%dma_start3A_95 : memref<128x16xf32, #tpu.memory_space<vmem>>) offsets(%dma_start3A_98 : memref<128xi32, #tpu.memory_space<vmem>>) semaphore(%arg9 : memref<!tpu.dma_semaphore, #tpu.memory_space<semaphore_mem>>)
    %dma_wait3A_102 = arith.constant 8 : i32
    %dma_wait3A_103 = arith.constant 3 : i32
    %dma_wait3A_104 = arith.constant 0 : i32
    %dma_wait3A_105 = arith.constant 0 : i32
    %dma_wait3A_106 = tpu.memref_slice %arg5[%dma_wait3A_103, %dma_wait3A_104, %dma_wait3A_105] : memref<4x128x16xf32, #tpu.memory_space<vmem>> -> memref<1x128x16xf32, #tpu.memory_space<vmem>>
    %dma_wait3A_107 = tpu.memref_squeeze %dma_wait3A_106 : memref<1x128x16xf32, #tpu.memory_space<vmem>> -> memref<128x16xf32, #tpu.memory_space<vmem>>
    %dma_wait3A_108 = arith.constant 0 : i32
    %dma_wait3A_109 = tpu.memref_slice %arg6[%dma_wait3A_102, %dma_wait3A_108] : memref<15x128xi32, #tpu.memory_space<vmem>> -> memref<1x128xi32, #tpu.memory_space<vmem>>
    %dma_wait3A_110 = tpu.memref_squeeze %dma_wait3A_109 : memref<1x128xi32, #tpu.memory_space<vmem>> -> memref<128xi32, #tpu.memory_space<vmem>>
    %dma_wait3A_111 = arith.constant 0 : i32
    %dma_wait3A_112 = arith.constant 0 : i32
    %dma_wait3A_113 = tpu.memref_slice %arg7[%dma_wait3A_111, %dma_wait3A_112] : memref<10240x16xf32, #tpu.memory_space<vmem_shared>> -> memref<10240x16xf32, #tpu.memory_space<vmem_shared>>
    tpu.wait_indirect_dma semaphore(%arg10 : memref<!tpu.dma_semaphore, #tpu.memory_space<semaphore_mem>>) src(%dma_wait3A_113 : memref<10240x16xf32, #tpu.memory_space<vmem_shared>>) dst(%dma_wait3A_107 : memref<128x16xf32, #tpu.memory_space<vmem>>)
    %run_scoped3A_114 = arith.constant 3 : i32
    %run_scoped3A_115 = arith.constant 3 : i32
    "tpu.region"() ({
      %run_scoped3A_781 = tpu.sem_alloc : memref<!tpu.dma_semaphore, #tpu.memory_space<semaphore_mem>>
      %dma_start3A_782 = arith.constant 0 : i32
      %dma_start3A_783 = arith.constant 0 : i32
      %dma_start3A_784 = tpu.memref_slice %arg5[%run_scoped3A_114, %dma_start3A_782, %dma_start3A_783] : memref<4x128x16xf32, #tpu.memory_space<vmem>> -> memref<1x128x16xf32, #tpu.memory_space<vmem>>
      %dma_start3A_785 = tpu.memref_squeeze %dma_start3A_784 : memref<1x128x16xf32, #tpu.memory_space<vmem>> -> memref<128x16xf32, #tpu.memory_space<vmem>>
      %dma_start3A_786 = arith.constant 0 : i32
      %dma_start3A_787 = tpu.memref_slice %arg6[%run_scoped3A_115, %dma_start3A_786] : memref<15x128xi32, #tpu.memory_space<vmem>> -> memref<1x128xi32, #tpu.memory_space<vmem>>
      %dma_start3A_788 = tpu.memref_squeeze %dma_start3A_787 : memref<1x128xi32, #tpu.memory_space<vmem>> -> memref<128xi32, #tpu.memory_space<vmem>>
      %dma_start3A_789 = arith.constant 0 : i32
      %dma_start3A_790 = arith.constant 0 : i32
      %dma_start3A_791 = tpu.memref_slice %arg8[%dma_start3A_789, %dma_start3A_790] : memref<10240x16xf32, #tpu.memory_space<vmem_shared>> -> memref<10240x16xf32, #tpu.memory_space<vmem_shared>>
      tpu.enqueue_indirect_dma source(%dma_start3A_785 : memref<128x16xf32, #tpu.memory_space<vmem>>) target(%dma_start3A_791 : memref<10240x16xf32, #tpu.memory_space<vmem_shared>>) offsets(%dma_start3A_788 : memref<128xi32, #tpu.memory_space<vmem>>) semaphore(%run_scoped3A_781 : memref<!tpu.dma_semaphore, #tpu.memory_space<semaphore_mem>>) {add = true}
      %dma_wait3A_792 = arith.constant 0 : i32
      %dma_wait3A_793 = arith.constant 0 : i32
      %dma_wait3A_794 = tpu.memref_slice %arg5[%run_scoped3A_114, %dma_wait3A_792, %dma_wait3A_793] : memref<4x128x16xf32, #tpu.memory_space<vmem>> -> memref<1x128x16xf32, #tpu.memory_space<vmem>>
      %dma_wait3A_795 = tpu.memref_squeeze %dma_wait3A_794 : memref<1x128x16xf32, #tpu.memory_space<vmem>> -> memref<128x16xf32, #tpu.memory_space<vmem>>
      %dma_wait3A_796 = arith.constant 0 : i32
      %dma_wait3A_797 = tpu.memref_slice %arg6[%run_scoped3A_115, %dma_wait3A_796] : memref<15x128xi32, #tpu.memory_space<vmem>> -> memref<1x128xi32, #tpu.memory_space<vmem>>
      %dma_wait3A_798 = tpu.memref_squeeze %dma_wait3A_797 : memref<1x128xi32, #tpu.memory_space<vmem>> -> memref<128xi32, #tpu.memory_space<vmem>>
      %dma_wait3A_799 = arith.constant 0 : i32
      %dma_wait3A_800 = arith.constant 0 : i32
      %dma_wait3A_801 = tpu.memref_slice %arg8[%dma_wait3A_799, %dma_wait3A_800] : memref<10240x16xf32, #tpu.memory_space<vmem_shared>> -> memref<10240x16xf32, #tpu.memory_space<vmem_shared>>
      tpu.wait_indirect_dma semaphore(%run_scoped3A_781 : memref<!tpu.dma_semaphore, #tpu.memory_space<semaphore_mem>>) src(%dma_wait3A_795 : memref<128x16xf32, #tpu.memory_space<vmem>>) dst(%dma_wait3A_801 : memref<10240x16xf32, #tpu.memory_space<vmem_shared>>)
      tpu.yield
    }) : () -> ()
    %dma_start3A_116 = arith.constant 10 : i32
    %dma_start3A_117 = arith.constant 1 : i32
    %dma_start3A_118 = arith.constant 0 : i32
    %dma_start3A_119 = arith.constant 0 : i32
    %dma_start3A_120 = tpu.memref_slice %arg5[%dma_start3A_117, %dma_start3A_118, %dma_start3A_119] : memref<4x128x16xf32, #tpu.memory_space<vmem>> -> memref<1x128x16xf32, #tpu.memory_space<vmem>>
    %dma_start3A_121 = tpu.memref_squeeze %dma_start3A_120 : memref<1x128x16xf32, #tpu.memory_space<vmem>> -> memref<128x16xf32, #tpu.memory_space<vmem>>
    %dma_start3A_122 = arith.constant 0 : i32
    %dma_start3A_123 = tpu.memref_slice %arg6[%dma_start3A_116, %dma_start3A_122] : memref<15x128xi32, #tpu.memory_space<vmem>> -> memref<1x128xi32, #tpu.memory_space<vmem>>
    %dma_start3A_124 = tpu.memref_squeeze %dma_start3A_123 : memref<1x128xi32, #tpu.memory_space<vmem>> -> memref<128xi32, #tpu.memory_space<vmem>>
    %dma_start3A_125 = arith.constant 0 : i32
    %dma_start3A_126 = arith.constant 0 : i32
    %dma_start3A_127 = tpu.memref_slice %arg7[%dma_start3A_125, %dma_start3A_126] : memref<10240x16xf32, #tpu.memory_space<vmem_shared>> -> memref<10240x16xf32, #tpu.memory_space<vmem_shared>>
    tpu.enqueue_indirect_dma source(%dma_start3A_127 : memref<10240x16xf32, #tpu.memory_space<vmem_shared>>) target(%dma_start3A_121 : memref<128x16xf32, #tpu.memory_space<vmem>>) offsets(%dma_start3A_124 : memref<128xi32, #tpu.memory_space<vmem>>) semaphore(%arg10 : memref<!tpu.dma_semaphore, #tpu.memory_space<semaphore_mem>>)
    %dma_wait3A_128 = arith.constant 9 : i32
    %dma_wait3A_129 = arith.constant 0 : i32
    %dma_wait3A_130 = arith.constant 0 : i32
    %dma_wait3A_131 = arith.constant 0 : i32
    %dma_wait3A_132 = tpu.memref_slice %arg5[%dma_wait3A_129, %dma_wait3A_130, %dma_wait3A_131] : memref<4x128x16xf32, #tpu.memory_space<vmem>> -> memref<1x128x16xf32, #tpu.memory_space<vmem>>
    %dma_wait3A_133 = tpu.memref_squeeze %dma_wait3A_132 : memref<1x128x16xf32, #tpu.memory_space<vmem>> -> memref<128x16xf32, #tpu.memory_space<vmem>>
    %dma_wait3A_134 = arith.constant 0 : i32
    %dma_wait3A_135 = tpu.memref_slice %arg6[%dma_wait3A_128, %dma_wait3A_134] : memref<15x128xi32, #tpu.memory_space<vmem>> -> memref<1x128xi32, #tpu.memory_space<vmem>>
    %dma_wait3A_136 = tpu.memref_squeeze %dma_wait3A_135 : memref<1x128xi32, #tpu.memory_space<vmem>> -> memref<128xi32, #tpu.memory_space<vmem>>
    %dma_wait3A_137 = arith.constant 0 : i32
    %dma_wait3A_138 = arith.constant 0 : i32
    %dma_wait3A_139 = tpu.memref_slice %arg7[%dma_wait3A_137, %dma_wait3A_138] : memref<10240x16xf32, #tpu.memory_space<vmem_shared>> -> memref<10240x16xf32, #tpu.memory_space<vmem_shared>>
    tpu.wait_indirect_dma semaphore(%arg9 : memref<!tpu.dma_semaphore, #tpu.memory_space<semaphore_mem>>) src(%dma_wait3A_139 : memref<10240x16xf32, #tpu.memory_space<vmem_shared>>) dst(%dma_wait3A_133 : memref<128x16xf32, #tpu.memory_space<vmem>>)
    %run_scoped3A_140 = arith.constant 0 : i32
    %run_scoped3A_141 = arith.constant 4 : i32
    "tpu.region"() ({
      %run_scoped3A_781 = tpu.sem_alloc : memref<!tpu.dma_semaphore, #tpu.memory_space<semaphore_mem>>
      %dma_start3A_782 = arith.constant 0 : i32
      %dma_start3A_783 = arith.constant 0 : i32
      %dma_start3A_784 = tpu.memref_slice %arg5[%run_scoped3A_140, %dma_start3A_782, %dma_start3A_783] : memref<4x128x16xf32, #tpu.memory_space<vmem>> -> memref<1x128x16xf32, #tpu.memory_space<vmem>>
      %dma_start3A_785 = tpu.memref_squeeze %dma_start3A_784 : memref<1x128x16xf32, #tpu.memory_space<vmem>> -> memref<128x16xf32, #tpu.memory_space<vmem>>
      %dma_start3A_786 = arith.constant 0 : i32
      %dma_start3A_787 = tpu.memref_slice %arg6[%run_scoped3A_141, %dma_start3A_786] : memref<15x128xi32, #tpu.memory_space<vmem>> -> memref<1x128xi32, #tpu.memory_space<vmem>>
      %dma_start3A_788 = tpu.memref_squeeze %dma_start3A_787 : memref<1x128xi32, #tpu.memory_space<vmem>> -> memref<128xi32, #tpu.memory_space<vmem>>
      %dma_start3A_789 = arith.constant 0 : i32
      %dma_start3A_790 = arith.constant 0 : i32
      %dma_start3A_791 = tpu.memref_slice %arg8[%dma_start3A_789, %dma_start3A_790] : memref<10240x16xf32, #tpu.memory_space<vmem_shared>> -> memref<10240x16xf32, #tpu.memory_space<vmem_shared>>
      tpu.enqueue_indirect_dma source(%dma_start3A_785 : memref<128x16xf32, #tpu.memory_space<vmem>>) target(%dma_start3A_791 : memref<10240x16xf32, #tpu.memory_space<vmem_shared>>) offsets(%dma_start3A_788 : memref<128xi32, #tpu.memory_space<vmem>>) semaphore(%run_scoped3A_781 : memref<!tpu.dma_semaphore, #tpu.memory_space<semaphore_mem>>) {add = true}
      %dma_wait3A_792 = arith.constant 0 : i32
      %dma_wait3A_793 = arith.constant 0 : i32
      %dma_wait3A_794 = tpu.memref_slice %arg5[%run_scoped3A_140, %dma_wait3A_792, %dma_wait3A_793] : memref<4x128x16xf32, #tpu.memory_space<vmem>> -> memref<1x128x16xf32, #tpu.memory_space<vmem>>
      %dma_wait3A_795 = tpu.memref_squeeze %dma_wait3A_794 : memref<1x128x16xf32, #tpu.memory_space<vmem>> -> memref<128x16xf32, #tpu.memory_space<vmem>>
      %dma_wait3A_796 = arith.constant 0 : i32
      %dma_wait3A_797 = tpu.memref_slice %arg6[%run_scoped3A_141, %dma_wait3A_796] : memref<15x128xi32, #tpu.memory_space<vmem>> -> memref<1x128xi32, #tpu.memory_space<vmem>>
      %dma_wait3A_798 = tpu.memref_squeeze %dma_wait3A_797 : memref<1x128xi32, #tpu.memory_space<vmem>> -> memref<128xi32, #tpu.memory_space<vmem>>
      %dma_wait3A_799 = arith.constant 0 : i32
      %dma_wait3A_800 = arith.constant 0 : i32
      %dma_wait3A_801 = tpu.memref_slice %arg8[%dma_wait3A_799, %dma_wait3A_800] : memref<10240x16xf32, #tpu.memory_space<vmem_shared>> -> memref<10240x16xf32, #tpu.memory_space<vmem_shared>>
      tpu.wait_indirect_dma semaphore(%run_scoped3A_781 : memref<!tpu.dma_semaphore, #tpu.memory_space<semaphore_mem>>) src(%dma_wait3A_795 : memref<128x16xf32, #tpu.memory_space<vmem>>) dst(%dma_wait3A_801 : memref<10240x16xf32, #tpu.memory_space<vmem_shared>>)
      tpu.yield
    }) : () -> ()
    %dma_start3A_142 = arith.constant 11 : i32
    %dma_start3A_143 = arith.constant 2 : i32
    %dma_start3A_144 = arith.constant 0 : i32
    %dma_start3A_145 = arith.constant 0 : i32
    %dma_start3A_146 = tpu.memref_slice %arg5[%dma_start3A_143, %dma_start3A_144, %dma_start3A_145] : memref<4x128x16xf32, #tpu.memory_space<vmem>> -> memref<1x128x16xf32, #tpu.memory_space<vmem>>
    %dma_start3A_147 = tpu.memref_squeeze %dma_start3A_146 : memref<1x128x16xf32, #tpu.memory_space<vmem>> -> memref<128x16xf32, #tpu.memory_space<vmem>>
    %dma_start3A_148 = arith.constant 0 : i32
    %dma_start3A_149 = tpu.memref_slice %arg6[%dma_start3A_142, %dma_start3A_148] : memref<15x128xi32, #tpu.memory_space<vmem>> -> memref<1x128xi32, #tpu.memory_space<vmem>>
    %dma_start3A_150 = tpu.memref_squeeze %dma_start3A_149 : memref<1x128xi32, #tpu.memory_space<vmem>> -> memref<128xi32, #tpu.memory_space<vmem>>
    %dma_start3A_151 = arith.constant 0 : i32
    %dma_start3A_152 = arith.constant 0 : i32
    %dma_start3A_153 = tpu.memref_slice %arg7[%dma_start3A_151, %dma_start3A_152] : memref<10240x16xf32, #tpu.memory_space<vmem_shared>> -> memref<10240x16xf32, #tpu.memory_space<vmem_shared>>
    tpu.enqueue_indirect_dma source(%dma_start3A_153 : memref<10240x16xf32, #tpu.memory_space<vmem_shared>>) target(%dma_start3A_147 : memref<128x16xf32, #tpu.memory_space<vmem>>) offsets(%dma_start3A_150 : memref<128xi32, #tpu.memory_space<vmem>>) semaphore(%arg9 : memref<!tpu.dma_semaphore, #tpu.memory_space<semaphore_mem>>)
    %dma_wait3A_154 = arith.constant 10 : i32
    %dma_wait3A_155 = arith.constant 1 : i32
    %dma_wait3A_156 = arith.constant 0 : i32
    %dma_wait3A_157 = arith.constant 0 : i32
    %dma_wait3A_158 = tpu.memref_slice %arg5[%dma_wait3A_155, %dma_wait3A_156, %dma_wait3A_157] : memref<4x128x16xf32, #tpu.memory_space<vmem>> -> memref<1x128x16xf32, #tpu.memory_space<vmem>>
    %dma_wait3A_159 = tpu.memref_squeeze %dma_wait3A_158 : memref<1x128x16xf32, #tpu.memory_space<vmem>> -> memref<128x16xf32, #tpu.memory_space<vmem>>
    %dma_wait3A_160 = arith.constant 0 : i32
    %dma_wait3A_161 = tpu.memref_slice %arg6[%dma_wait3A_154, %dma_wait3A_160] : memref<15x128xi32, #tpu.memory_space<vmem>> -> memref<1x128xi32, #tpu.memory_space<vmem>>
    %dma_wait3A_162 = tpu.memref_squeeze %dma_wait3A_161 : memref<1x128xi32, #tpu.memory_space<vmem>> -> memref<128xi32, #tpu.memory_space<vmem>>
    %dma_wait3A_163 = arith.constant 0 : i32
    %dma_wait3A_164 = arith.constant 0 : i32
    %dma_wait3A_165 = tpu.memref_slice %arg7[%dma_wait3A_163, %dma_wait3A_164] : memref<10240x16xf32, #tpu.memory_space<vmem_shared>> -> memref<10240x16xf32, #tpu.memory_space<vmem_shared>>
    tpu.wait_indirect_dma semaphore(%arg10 : memref<!tpu.dma_semaphore, #tpu.memory_space<semaphore_mem>>) src(%dma_wait3A_165 : memref<10240x16xf32, #tpu.memory_space<vmem_shared>>) dst(%dma_wait3A_159 : memref<128x16xf32, #tpu.memory_space<vmem>>)
    %run_scoped3A_166 = arith.constant 1 : i32
    %run_scoped3A_167 = arith.constant 5 : i32
    "tpu.region"() ({
      %run_scoped3A_781 = tpu.sem_alloc : memref<!tpu.dma_semaphore, #tpu.memory_space<semaphore_mem>>
      %dma_start3A_782 = arith.constant 0 : i32
      %dma_start3A_783 = arith.constant 0 : i32
      %dma_start3A_784 = tpu.memref_slice %arg5[%run_scoped3A_166, %dma_start3A_782, %dma_start3A_783] : memref<4x128x16xf32, #tpu.memory_space<vmem>> -> memref<1x128x16xf32, #tpu.memory_space<vmem>>
      %dma_start3A_785 = tpu.memref_squeeze %dma_start3A_784 : memref<1x128x16xf32, #tpu.memory_space<vmem>> -> memref<128x16xf32, #tpu.memory_space<vmem>>
      %dma_start3A_786 = arith.constant 0 : i32
      %dma_start3A_787 = tpu.memref_slice %arg6[%run_scoped3A_167, %dma_start3A_786] : memref<15x128xi32, #tpu.memory_space<vmem>> -> memref<1x128xi32, #tpu.memory_space<vmem>>
      %dma_start3A_788 = tpu.memref_squeeze %dma_start3A_787 : memref<1x128xi32, #tpu.memory_space<vmem>> -> memref<128xi32, #tpu.memory_space<vmem>>
      %dma_start3A_789 = arith.constant 0 : i32
      %dma_start3A_790 = arith.constant 0 : i32
      %dma_start3A_791 = tpu.memref_slice %arg8[%dma_start3A_789, %dma_start3A_790] : memref<10240x16xf32, #tpu.memory_space<vmem_shared>> -> memref<10240x16xf32, #tpu.memory_space<vmem_shared>>
      tpu.enqueue_indirect_dma source(%dma_start3A_785 : memref<128x16xf32, #tpu.memory_space<vmem>>) target(%dma_start3A_791 : memref<10240x16xf32, #tpu.memory_space<vmem_shared>>) offsets(%dma_start3A_788 : memref<128xi32, #tpu.memory_space<vmem>>) semaphore(%run_scoped3A_781 : memref<!tpu.dma_semaphore, #tpu.memory_space<semaphore_mem>>) {add = true}
      %dma_wait3A_792 = arith.constant 0 : i32
      %dma_wait3A_793 = arith.constant 0 : i32
      %dma_wait3A_794 = tpu.memref_slice %arg5[%run_scoped3A_166, %dma_wait3A_792, %dma_wait3A_793] : memref<4x128x16xf32, #tpu.memory_space<vmem>> -> memref<1x128x16xf32, #tpu.memory_space<vmem>>
      %dma_wait3A_795 = tpu.memref_squeeze %dma_wait3A_794 : memref<1x128x16xf32, #tpu.memory_space<vmem>> -> memref<128x16xf32, #tpu.memory_space<vmem>>
      %dma_wait3A_796 = arith.constant 0 : i32
      %dma_wait3A_797 = tpu.memref_slice %arg6[%run_scoped3A_167, %dma_wait3A_796] : memref<15x128xi32, #tpu.memory_space<vmem>> -> memref<1x128xi32, #tpu.memory_space<vmem>>
      %dma_wait3A_798 = tpu.memref_squeeze %dma_wait3A_797 : memref<1x128xi32, #tpu.memory_space<vmem>> -> memref<128xi32, #tpu.memory_space<vmem>>
      %dma_wait3A_799 = arith.constant 0 : i32
      %dma_wait3A_800 = arith.constant 0 : i32
      %dma_wait3A_801 = tpu.memref_slice %arg8[%dma_wait3A_799, %dma_wait3A_800] : memref<10240x16xf32, #tpu.memory_space<vmem_shared>> -> memref<10240x16xf32, #tpu.memory_space<vmem_shared>>
      tpu.wait_indirect_dma semaphore(%run_scoped3A_781 : memref<!tpu.dma_semaphore, #tpu.memory_space<semaphore_mem>>) src(%dma_wait3A_795 : memref<128x16xf32, #tpu.memory_space<vmem>>) dst(%dma_wait3A_801 : memref<10240x16xf32, #tpu.memory_space<vmem_shared>>)
      tpu.yield
    }) : () -> ()
    %dma_start3A_168 = arith.constant 12 : i32
    %dma_start3A_169 = arith.constant 3 : i32
    %dma_start3A_170 = arith.constant 0 : i32
    %dma_start3A_171 = arith.constant 0 : i32
    %dma_start3A_172 = tpu.memref_slice %arg5[%dma_start3A_169, %dma_start3A_170, %dma_start3A_171] : memref<4x128x16xf32, #tpu.memory_space<vmem>> -> memref<1x128x16xf32, #tpu.memory_space<vmem>>
    %dma_start3A_173 = tpu.memref_squeeze %dma_start3A_172 : memref<1x128x16xf32, #tpu.memory_space<vmem>> -> memref<128x16xf32, #tpu.memory_space<vmem>>
    %dma_start3A_174 = arith.constant 0 : i32
    %dma_start3A_175 = tpu.memref_slice %arg6[%dma_start3A_168, %dma_start3A_174] : memref<15x128xi32, #tpu.memory_space<vmem>> -> memref<1x128xi32, #tpu.memory_space<vmem>>
    %dma_start3A_176 = tpu.memref_squeeze %dma_start3A_175 : memref<1x128xi32, #tpu.memory_space<vmem>> -> memref<128xi32, #tpu.memory_space<vmem>>
    %dma_start3A_177 = arith.constant 0 : i32
    %dma_start3A_178 = arith.constant 0 : i32
    %dma_start3A_179 = tpu.memref_slice %arg7[%dma_start3A_177, %dma_start3A_178] : memref<10240x16xf32, #tpu.memory_space<vmem_shared>> -> memref<10240x16xf32, #tpu.memory_space<vmem_shared>>
    tpu.enqueue_indirect_dma source(%dma_start3A_179 : memref<10240x16xf32, #tpu.memory_space<vmem_shared>>) target(%dma_start3A_173 : memref<128x16xf32, #tpu.memory_space<vmem>>) offsets(%dma_start3A_176 : memref<128xi32, #tpu.memory_space<vmem>>) semaphore(%arg10 : memref<!tpu.dma_semaphore, #tpu.memory_space<semaphore_mem>>)
    %dma_wait3A_180 = arith.constant 11 : i32
    %dma_wait3A_181 = arith.constant 2 : i32
    %dma_wait3A_182 = arith.constant 0 : i32
    %dma_wait3A_183 = arith.constant 0 : i32
    %dma_wait3A_184 = tpu.memref_slice %arg5[%dma_wait3A_181, %dma_wait3A_182, %dma_wait3A_183] : memref<4x128x16xf32, #tpu.memory_space<vmem>> -> memref<1x128x16xf32, #tpu.memory_space<vmem>>
    %dma_wait3A_185 = tpu.memref_squeeze %dma_wait3A_184 : memref<1x128x16xf32, #tpu.memory_space<vmem>> -> memref<128x16xf32, #tpu.memory_space<vmem>>
    %dma_wait3A_186 = arith.constant 0 : i32
    %dma_wait3A_187 = tpu.memref_slice %arg6[%dma_wait3A_180, %dma_wait3A_186] : memref<15x128xi32, #tpu.memory_space<vmem>> -> memref<1x128xi32, #tpu.memory_space<vmem>>
    %dma_wait3A_188 = tpu.memref_squeeze %dma_wait3A_187 : memref<1x128xi32, #tpu.memory_space<vmem>> -> memref<128xi32, #tpu.memory_space<vmem>>
    %dma_wait3A_189 = arith.constant 0 : i32
    %dma_wait3A_190 = arith.constant 0 : i32
    %dma_wait3A_191 = tpu.memref_slice %arg7[%dma_wait3A_189, %dma_wait3A_190] : memref<10240x16xf32, #tpu.memory_space<vmem_shared>> -> memref<10240x16xf32, #tpu.memory_space<vmem_shared>>
    tpu.wait_indirect_dma semaphore(%arg9 : memref<!tpu.dma_semaphore, #tpu.memory_space<semaphore_mem>>) src(%dma_wait3A_191 : memref<10240x16xf32, #tpu.memory_space<vmem_shared>>) dst(%dma_wait3A_185 : memref<128x16xf32, #tpu.memory_space<vmem>>)
    %run_scoped3A_192 = arith.constant 2 : i32
    %run_scoped3A_193 = arith.constant 6 : i32
    "tpu.region"() ({
      %run_scoped3A_781 = tpu.sem_alloc : memref<!tpu.dma_semaphore, #tpu.memory_space<semaphore_mem>>
      %dma_start3A_782 = arith.constant 0 : i32
      %dma_start3A_783 = arith.constant 0 : i32
      %dma_start3A_784 = tpu.memref_slice %arg5[%run_scoped3A_192, %dma_start3A_782, %dma_start3A_783] : memref<4x128x16xf32, #tpu.memory_space<vmem>> -> memref<1x128x16xf32, #tpu.memory_space<vmem>>
      %dma_start3A_785 = tpu.memref_squeeze %dma_start3A_784 : memref<1x128x16xf32, #tpu.memory_space<vmem>> -> memref<128x16xf32, #tpu.memory_space<vmem>>
      %dma_start3A_786 = arith.constant 0 : i32
      %dma_start3A_787 = tpu.memref_slice %arg6[%run_scoped3A_193, %dma_start3A_786] : memref<15x128xi32, #tpu.memory_space<vmem>> -> memref<1x128xi32, #tpu.memory_space<vmem>>
      %dma_start3A_788 = tpu.memref_squeeze %dma_start3A_787 : memref<1x128xi32, #tpu.memory_space<vmem>> -> memref<128xi32, #tpu.memory_space<vmem>>
      %dma_start3A_789 = arith.constant 0 : i32
      %dma_start3A_790 = arith.constant 0 : i32
      %dma_start3A_791 = tpu.memref_slice %arg8[%dma_start3A_789, %dma_start3A_790] : memref<10240x16xf32, #tpu.memory_space<vmem_shared>> -> memref<10240x16xf32, #tpu.memory_space<vmem_shared>>
      tpu.enqueue_indirect_dma source(%dma_start3A_785 : memref<128x16xf32, #tpu.memory_space<vmem>>) target(%dma_start3A_791 : memref<10240x16xf32, #tpu.memory_space<vmem_shared>>) offsets(%dma_start3A_788 : memref<128xi32, #tpu.memory_space<vmem>>) semaphore(%run_scoped3A_781 : memref<!tpu.dma_semaphore, #tpu.memory_space<semaphore_mem>>) {add = true}
      %dma_wait3A_792 = arith.constant 0 : i32
      %dma_wait3A_793 = arith.constant 0 : i32
      %dma_wait3A_794 = tpu.memref_slice %arg5[%run_scoped3A_192, %dma_wait3A_792, %dma_wait3A_793] : memref<4x128x16xf32, #tpu.memory_space<vmem>> -> memref<1x128x16xf32, #tpu.memory_space<vmem>>
      %dma_wait3A_795 = tpu.memref_squeeze %dma_wait3A_794 : memref<1x128x16xf32, #tpu.memory_space<vmem>> -> memref<128x16xf32, #tpu.memory_space<vmem>>
      %dma_wait3A_796 = arith.constant 0 : i32
      %dma_wait3A_797 = tpu.memref_slice %arg6[%run_scoped3A_193, %dma_wait3A_796] : memref<15x128xi32, #tpu.memory_space<vmem>> -> memref<1x128xi32, #tpu.memory_space<vmem>>
      %dma_wait3A_798 = tpu.memref_squeeze %dma_wait3A_797 : memref<1x128xi32, #tpu.memory_space<vmem>> -> memref<128xi32, #tpu.memory_space<vmem>>
      %dma_wait3A_799 = arith.constant 0 : i32
      %dma_wait3A_800 = arith.constant 0 : i32
      %dma_wait3A_801 = tpu.memref_slice %arg8[%dma_wait3A_799, %dma_wait3A_800] : memref<10240x16xf32, #tpu.memory_space<vmem_shared>> -> memref<10240x16xf32, #tpu.memory_space<vmem_shared>>
      tpu.wait_indirect_dma semaphore(%run_scoped3A_781 : memref<!tpu.dma_semaphore, #tpu.memory_space<semaphore_mem>>) src(%dma_wait3A_795 : memref<128x16xf32, #tpu.memory_space<vmem>>) dst(%dma_wait3A_801 : memref<10240x16xf32, #tpu.memory_space<vmem_shared>>)
      tpu.yield
    }) : () -> ()
    %dma_start3A_194 = arith.constant 13 : i32
    %dma_start3A_195 = arith.constant 0 : i32
    %dma_start3A_196 = arith.constant 0 : i32
    %dma_start3A_197 = arith.constant 0 : i32
    %dma_start3A_198 = tpu.memref_slice %arg5[%dma_start3A_195, %dma_start3A_196, %dma_start3A_197] : memref<4x128x16xf32, #tpu.memory_space<vmem>> -> memref<1x128x16xf32, #tpu.memory_space<vmem>>
    %dma_start3A_199 = tpu.memref_squeeze %dma_start3A_198 : memref<1x128x16xf32, #tpu.memory_space<vmem>> -> memref<128x16xf32, #tpu.memory_space<vmem>>
    %dma_start3A_200 = arith.constant 0 : i32
    %dma_start3A_201 = tpu.memref_slice %arg6[%dma_start3A_194, %dma_start3A_200] : memref<15x128xi32, #tpu.memory_space<vmem>> -> memref<1x128xi32, #tpu.memory_space<vmem>>
    %dma_start3A_202 = tpu.memref_squeeze %dma_start3A_201 : memref<1x128xi32, #tpu.memory_space<vmem>> -> memref<128xi32, #tpu.memory_space<vmem>>
    %dma_start3A_203 = arith.constant 0 : i32
    %dma_start3A_204 = arith.constant 0 : i32
    %dma_start3A_205 = tpu.memref_slice %arg7[%dma_start3A_203, %dma_start3A_204] : memref<10240x16xf32, #tpu.memory_space<vmem_shared>> -> memref<10240x16xf32, #tpu.memory_space<vmem_shared>>
    tpu.enqueue_indirect_dma source(%dma_start3A_205 : memref<10240x16xf32, #tpu.memory_space<vmem_shared>>) target(%dma_start3A_199 : memref<128x16xf32, #tpu.memory_space<vmem>>) offsets(%dma_start3A_202 : memref<128xi32, #tpu.memory_space<vmem>>) semaphore(%arg9 : memref<!tpu.dma_semaphore, #tpu.memory_space<semaphore_mem>>)
    %dma_wait3A_206 = arith.constant 12 : i32
    %dma_wait3A_207 = arith.constant 3 : i32
    %dma_wait3A_208 = arith.constant 0 : i32
    %dma_wait3A_209 = arith.constant 0 : i32
    %dma_wait3A_210 = tpu.memref_slice %arg5[%dma_wait3A_207, %dma_wait3A_208, %dma_wait3A_209] : memref<4x128x16xf32, #tpu.memory_space<vmem>> -> memref<1x128x16xf32, #tpu.memory_space<vmem>>
    %dma_wait3A_211 = tpu.memref_squeeze %dma_wait3A_210 : memref<1x128x16xf32, #tpu.memory_space<vmem>> -> memref<128x16xf32, #tpu.memory_space<vmem>>
    %dma_wait3A_212 = arith.constant 0 : i32
    %dma_wait3A_213 = tpu.memref_slice %arg6[%dma_wait3A_206, %dma_wait3A_212] : memref<15x128xi32, #tpu.memory_space<vmem>> -> memref<1x128xi32, #tpu.memory_space<vmem>>
    %dma_wait3A_214 = tpu.memref_squeeze %dma_wait3A_213 : memref<1x128xi32, #tpu.memory_space<vmem>> -> memref<128xi32, #tpu.memory_space<vmem>>
    %dma_wait3A_215 = arith.constant 0 : i32
    %dma_wait3A_216 = arith.constant 0 : i32
    %dma_wait3A_217 = tpu.memref_slice %arg7[%dma_wait3A_215, %dma_wait3A_216] : memref<10240x16xf32, #tpu.memory_space<vmem_shared>> -> memref<10240x16xf32, #tpu.memory_space<vmem_shared>>
    tpu.wait_indirect_dma semaphore(%arg10 : memref<!tpu.dma_semaphore, #tpu.memory_space<semaphore_mem>>) src(%dma_wait3A_217 : memref<10240x16xf32, #tpu.memory_space<vmem_shared>>) dst(%dma_wait3A_211 : memref<128x16xf32, #tpu.memory_space<vmem>>)
    %run_scoped3A_218 = arith.constant 3 : i32
    %run_scoped3A_219 = arith.constant 7 : i32
    "tpu.region"() ({
      %run_scoped3A_781 = tpu.sem_alloc : memref<!tpu.dma_semaphore, #tpu.memory_space<semaphore_mem>>
      %dma_start3A_782 = arith.constant 0 : i32
      %dma_start3A_783 = arith.constant 0 : i32
      %dma_start3A_784 = tpu.memref_slice %arg5[%run_scoped3A_218, %dma_start3A_782, %dma_start3A_783] : memref<4x128x16xf32, #tpu.memory_space<vmem>> -> memref<1x128x16xf32, #tpu.memory_space<vmem>>
      %dma_start3A_785 = tpu.memref_squeeze %dma_start3A_784 : memref<1x128x16xf32, #tpu.memory_space<vmem>> -> memref<128x16xf32, #tpu.memory_space<vmem>>
      %dma_start3A_786 = arith.constant 0 : i32
      %dma_start3A_787 = tpu.memref_slice %arg6[%run_scoped3A_219, %dma_start3A_786] : memref<15x128xi32, #tpu.memory_space<vmem>> -> memref<1x128xi32, #tpu.memory_space<vmem>>
      %dma_start3A_788 = tpu.memref_squeeze %dma_start3A_787 : memref<1x128xi32, #tpu.memory_space<vmem>> -> memref<128xi32, #tpu.memory_space<vmem>>
      %dma_start3A_789 = arith.constant 0 : i32
      %dma_start3A_790 = arith.constant 0 : i32
      %dma_start3A_791 = tpu.memref_slice %arg8[%dma_start3A_789, %dma_start3A_790] : memref<10240x16xf32, #tpu.memory_space<vmem_shared>> -> memref<10240x16xf32, #tpu.memory_space<vmem_shared>>
      tpu.enqueue_indirect_dma source(%dma_start3A_785 : memref<128x16xf32, #tpu.memory_space<vmem>>) target(%dma_start3A_791 : memref<10240x16xf32, #tpu.memory_space<vmem_shared>>) offsets(%dma_start3A_788 : memref<128xi32, #tpu.memory_space<vmem>>) semaphore(%run_scoped3A_781 : memref<!tpu.dma_semaphore, #tpu.memory_space<semaphore_mem>>) {add = true}
      %dma_wait3A_792 = arith.constant 0 : i32
      %dma_wait3A_793 = arith.constant 0 : i32
      %dma_wait3A_794 = tpu.memref_slice %arg5[%run_scoped3A_218, %dma_wait3A_792, %dma_wait3A_793] : memref<4x128x16xf32, #tpu.memory_space<vmem>> -> memref<1x128x16xf32, #tpu.memory_space<vmem>>
      %dma_wait3A_795 = tpu.memref_squeeze %dma_wait3A_794 : memref<1x128x16xf32, #tpu.memory_space<vmem>> -> memref<128x16xf32, #tpu.memory_space<vmem>>
      %dma_wait3A_796 = arith.constant 0 : i32
      %dma_wait3A_797 = tpu.memref_slice %arg6[%run_scoped3A_219, %dma_wait3A_796] : memref<15x128xi32, #tpu.memory_space<vmem>> -> memref<1x128xi32, #tpu.memory_space<vmem>>
      %dma_wait3A_798 = tpu.memref_squeeze %dma_wait3A_797 : memref<1x128xi32, #tpu.memory_space<vmem>> -> memref<128xi32, #tpu.memory_space<vmem>>
      %dma_wait3A_799 = arith.constant 0 : i32
      %dma_wait3A_800 = arith.constant 0 : i32
      %dma_wait3A_801 = tpu.memref_slice %arg8[%dma_wait3A_799, %dma_wait3A_800] : memref<10240x16xf32, #tpu.memory_space<vmem_shared>> -> memref<10240x16xf32, #tpu.memory_space<vmem_shared>>
      tpu.wait_indirect_dma semaphore(%run_scoped3A_781 : memref<!tpu.dma_semaphore, #tpu.memory_space<semaphore_mem>>) src(%dma_wait3A_795 : memref<128x16xf32, #tpu.memory_space<vmem>>) dst(%dma_wait3A_801 : memref<10240x16xf32, #tpu.memory_space<vmem_shared>>)
      tpu.yield
    }) : () -> ()
    %dma_start3A_220 = arith.constant 14 : i32
    %dma_start3A_221 = arith.constant 1 : i32
    %dma_start3A_222 = arith.constant 0 : i32
    %dma_start3A_223 = arith.constant 0 : i32
    %dma_start3A_224 = tpu.memref_slice %arg5[%dma_start3A_221, %dma_start3A_222, %dma_start3A_223] : memref<4x128x16xf32, #tpu.memory_space<vmem>> -> memref<1x128x16xf32, #tpu.memory_space<vmem>>
    %dma_start3A_225 = tpu.memref_squeeze %dma_start3A_224 : memref<1x128x16xf32, #tpu.memory_space<vmem>> -> memref<128x16xf32, #tpu.memory_space<vmem>>
    %dma_start3A_226 = arith.constant 0 : i32
    %dma_start3A_227 = tpu.memref_slice %arg6[%dma_start3A_220, %dma_start3A_226] : memref<15x128xi32, #tpu.memory_space<vmem>> -> memref<1x128xi32, #tpu.memory_space<vmem>>
    %dma_start3A_228 = tpu.memref_squeeze %dma_start3A_227 : memref<1x128xi32, #tpu.memory_space<vmem>> -> memref<128xi32, #tpu.memory_space<vmem>>
    %dma_start3A_229 = arith.constant 0 : i32
    %dma_start3A_230 = arith.constant 0 : i32
    %dma_start3A_231 = tpu.memref_slice %arg7[%dma_start3A_229, %dma_start3A_230] : memref<10240x16xf32, #tpu.memory_space<vmem_shared>> -> memref<10240x16xf32, #tpu.memory_space<vmem_shared>>
    tpu.enqueue_indirect_dma source(%dma_start3A_231 : memref<10240x16xf32, #tpu.memory_space<vmem_shared>>) target(%dma_start3A_225 : memref<128x16xf32, #tpu.memory_space<vmem>>) offsets(%dma_start3A_228 : memref<128xi32, #tpu.memory_space<vmem>>) semaphore(%arg10 : memref<!tpu.dma_semaphore, #tpu.memory_space<semaphore_mem>>)
    %dma_wait3A_232 = arith.constant 13 : i32
    %dma_wait3A_233 = arith.constant 0 : i32
    %dma_wait3A_234 = arith.constant 0 : i32
    %dma_wait3A_235 = arith.constant 0 : i32
    %dma_wait3A_236 = tpu.memref_slice %arg5[%dma_wait3A_233, %dma_wait3A_234, %dma_wait3A_235] : memref<4x128x16xf32, #tpu.memory_space<vmem>> -> memref<1x128x16xf32, #tpu.memory_space<vmem>>
    %dma_wait3A_237 = tpu.memref_squeeze %dma_wait3A_236 : memref<1x128x16xf32, #tpu.memory_space<vmem>> -> memref<128x16xf32, #tpu.memory_space<vmem>>
    %dma_wait3A_238 = arith.constant 0 : i32
    %dma_wait3A_239 = tpu.memref_slice %arg6[%dma_wait3A_232, %dma_wait3A_238] : memref<15x128xi32, #tpu.memory_space<vmem>> -> memref<1x128xi32, #tpu.memory_space<vmem>>
    %dma_wait3A_240 = tpu.memref_squeeze %dma_wait3A_239 : memref<1x128xi32, #tpu.memory_space<vmem>> -> memref<128xi32, #tpu.memory_space<vmem>>
    %dma_wait3A_241 = arith.constant 0 : i32
    %dma_wait3A_242 = arith.constant 0 : i32
    %dma_wait3A_243 = tpu.memref_slice %arg7[%dma_wait3A_241, %dma_wait3A_242] : memref<10240x16xf32, #tpu.memory_space<vmem_shared>> -> memref<10240x16xf32, #tpu.memory_space<vmem_shared>>
    tpu.wait_indirect_dma semaphore(%arg9 : memref<!tpu.dma_semaphore, #tpu.memory_space<semaphore_mem>>) src(%dma_wait3A_243 : memref<10240x16xf32, #tpu.memory_space<vmem_shared>>) dst(%dma_wait3A_237 : memref<128x16xf32, #tpu.memory_space<vmem>>)
    %run_scoped3A_244 = arith.constant 0 : i32
    %run_scoped3A_245 = arith.constant 8 : i32
    "tpu.region"() ({
      %run_scoped3A_781 = tpu.sem_alloc : memref<!tpu.dma_semaphore, #tpu.memory_space<semaphore_mem>>
      %dma_start3A_782 = arith.constant 0 : i32
      %dma_start3A_783 = arith.constant 0 : i32
      %dma_start3A_784 = tpu.memref_slice %arg5[%run_scoped3A_244, %dma_start3A_782, %dma_start3A_783] : memref<4x128x16xf32, #tpu.memory_space<vmem>> -> memref<1x128x16xf32, #tpu.memory_space<vmem>>
      %dma_start3A_785 = tpu.memref_squeeze %dma_start3A_784 : memref<1x128x16xf32, #tpu.memory_space<vmem>> -> memref<128x16xf32, #tpu.memory_space<vmem>>
      %dma_start3A_786 = arith.constant 0 : i32
      %dma_start3A_787 = tpu.memref_slice %arg6[%run_scoped3A_245, %dma_start3A_786] : memref<15x128xi32, #tpu.memory_space<vmem>> -> memref<1x128xi32, #tpu.memory_space<vmem>>
      %dma_start3A_788 = tpu.memref_squeeze %dma_start3A_787 : memref<1x128xi32, #tpu.memory_space<vmem>> -> memref<128xi32, #tpu.memory_space<vmem>>
      %dma_start3A_789 = arith.constant 0 : i32
      %dma_start3A_790 = arith.constant 0 : i32
      %dma_start3A_791 = tpu.memref_slice %arg8[%dma_start3A_789, %dma_start3A_790] : memref<10240x16xf32, #tpu.memory_space<vmem_shared>> -> memref<10240x16xf32, #tpu.memory_space<vmem_shared>>
      tpu.enqueue_indirect_dma source(%dma_start3A_785 : memref<128x16xf32, #tpu.memory_space<vmem>>) target(%dma_start3A_791 : memref<10240x16xf32, #tpu.memory_space<vmem_shared>>) offsets(%dma_start3A_788 : memref<128xi32, #tpu.memory_space<vmem>>) semaphore(%run_scoped3A_781 : memref<!tpu.dma_semaphore, #tpu.memory_space<semaphore_mem>>) {add = true}
      %dma_wait3A_792 = arith.constant 0 : i32
      %dma_wait3A_793 = arith.constant 0 : i32
      %dma_wait3A_794 = tpu.memref_slice %arg5[%run_scoped3A_244, %dma_wait3A_792, %dma_wait3A_793] : memref<4x128x16xf32, #tpu.memory_space<vmem>> -> memref<1x128x16xf32, #tpu.memory_space<vmem>>
      %dma_wait3A_795 = tpu.memref_squeeze %dma_wait3A_794 : memref<1x128x16xf32, #tpu.memory_space<vmem>> -> memref<128x16xf32, #tpu.memory_space<vmem>>
      %dma_wait3A_796 = arith.constant 0 : i32
      %dma_wait3A_797 = tpu.memref_slice %arg6[%run_scoped3A_245, %dma_wait3A_796] : memref<15x128xi32, #tpu.memory_space<vmem>> -> memref<1x128xi32, #tpu.memory_space<vmem>>
      %dma_wait3A_798 = tpu.memref_squeeze %dma_wait3A_797 : memref<1x128xi32, #tpu.memory_space<vmem>> -> memref<128xi32, #tpu.memory_space<vmem>>
      %dma_wait3A_799 = arith.constant 0 : i32
      %dma_wait3A_800 = arith.constant 0 : i32
      %dma_wait3A_801 = tpu.memref_slice %arg8[%dma_wait3A_799, %dma_wait3A_800] : memref<10240x16xf32, #tpu.memory_space<vmem_shared>> -> memref<10240x16xf32, #tpu.memory_space<vmem_shared>>
      tpu.wait_indirect_dma semaphore(%run_scoped3A_781 : memref<!tpu.dma_semaphore, #tpu.memory_space<semaphore_mem>>) src(%dma_wait3A_795 : memref<128x16xf32, #tpu.memory_space<vmem>>) dst(%dma_wait3A_801 : memref<10240x16xf32, #tpu.memory_space<vmem_shared>>)
      tpu.yield
    }) : () -> ()
    %dma_start3A_246 = arith.constant 0 : i32
    %dma_start3A_247 = arith.constant 2 : i32
    %dma_start3A_248 = arith.constant 0 : i32
    %dma_start3A_249 = arith.constant 0 : i32
    %dma_start3A_250 = tpu.memref_slice %arg5[%dma_start3A_247, %dma_start3A_248, %dma_start3A_249] : memref<4x128x16xf32, #tpu.memory_space<vmem>> -> memref<1x128x16xf32, #tpu.memory_space<vmem>>
    %dma_start3A_251 = tpu.memref_squeeze %dma_start3A_250 : memref<1x128x16xf32, #tpu.memory_space<vmem>> -> memref<128x16xf32, #tpu.memory_space<vmem>>
    %dma_start3A_252 = arith.constant 0 : i32
    %dma_start3A_253 = tpu.memref_slice %arg6[%dma_start3A_246, %dma_start3A_252] : memref<15x128xi32, #tpu.memory_space<vmem>> -> memref<1x128xi32, #tpu.memory_space<vmem>>
    %dma_start3A_254 = tpu.memref_squeeze %dma_start3A_253 : memref<1x128xi32, #tpu.memory_space<vmem>> -> memref<128xi32, #tpu.memory_space<vmem>>
    %dma_start3A_255 = arith.constant 0 : i32
    %dma_start3A_256 = arith.constant 0 : i32
    %dma_start3A_257 = tpu.memref_slice %arg7[%dma_start3A_255, %dma_start3A_256] : memref<10240x16xf32, #tpu.memory_space<vmem_shared>> -> memref<10240x16xf32, #tpu.memory_space<vmem_shared>>
    tpu.enqueue_indirect_dma source(%dma_start3A_257 : memref<10240x16xf32, #tpu.memory_space<vmem_shared>>) target(%dma_start3A_251 : memref<128x16xf32, #tpu.memory_space<vmem>>) offsets(%dma_start3A_254 : memref<128xi32, #tpu.memory_space<vmem>>) semaphore(%arg9 : memref<!tpu.dma_semaphore, #tpu.memory_space<semaphore_mem>>)
    %dma_wait3A_258 = arith.constant 14 : i32
    %dma_wait3A_259 = arith.constant 1 : i32
    %dma_wait3A_260 = arith.constant 0 : i32
    %dma_wait3A_261 = arith.constant 0 : i32
    %dma_wait3A_262 = tpu.memref_slice %arg5[%dma_wait3A_259, %dma_wait3A_260, %dma_wait3A_261] : memref<4x128x16xf32, #tpu.memory_space<vmem>> -> memref<1x128x16xf32, #tpu.memory_space<vmem>>
    %dma_wait3A_263 = tpu.memref_squeeze %dma_wait3A_262 : memref<1x128x16xf32, #tpu.memory_space<vmem>> -> memref<128x16xf32, #tpu.memory_space<vmem>>
    %dma_wait3A_264 = arith.constant 0 : i32
    %dma_wait3A_265 = tpu.memref_slice %arg6[%dma_wait3A_258, %dma_wait3A_264] : memref<15x128xi32, #tpu.memory_space<vmem>> -> memref<1x128xi32, #tpu.memory_space<vmem>>
    %dma_wait3A_266 = tpu.memref_squeeze %dma_wait3A_265 : memref<1x128xi32, #tpu.memory_space<vmem>> -> memref<128xi32, #tpu.memory_space<vmem>>
    %dma_wait3A_267 = arith.constant 0 : i32
    %dma_wait3A_268 = arith.constant 0 : i32
    %dma_wait3A_269 = tpu.memref_slice %arg7[%dma_wait3A_267, %dma_wait3A_268] : memref<10240x16xf32, #tpu.memory_space<vmem_shared>> -> memref<10240x16xf32, #tpu.memory_space<vmem_shared>>
    tpu.wait_indirect_dma semaphore(%arg10 : memref<!tpu.dma_semaphore, #tpu.memory_space<semaphore_mem>>) src(%dma_wait3A_269 : memref<10240x16xf32, #tpu.memory_space<vmem_shared>>) dst(%dma_wait3A_263 : memref<128x16xf32, #tpu.memory_space<vmem>>)
    %run_scoped3A_270 = arith.constant 1 : i32
    %run_scoped3A_271 = arith.constant 9 : i32
    "tpu.region"() ({
      %run_scoped3A_781 = tpu.sem_alloc : memref<!tpu.dma_semaphore, #tpu.memory_space<semaphore_mem>>
      %dma_start3A_782 = arith.constant 0 : i32
      %dma_start3A_783 = arith.constant 0 : i32
      %dma_start3A_784 = tpu.memref_slice %arg5[%run_scoped3A_270, %dma_start3A_782, %dma_start3A_783] : memref<4x128x16xf32, #tpu.memory_space<vmem>> -> memref<1x128x16xf32, #tpu.memory_space<vmem>>
      %dma_start3A_785 = tpu.memref_squeeze %dma_start3A_784 : memref<1x128x16xf32, #tpu.memory_space<vmem>> -> memref<128x16xf32, #tpu.memory_space<vmem>>
      %dma_start3A_786 = arith.constant 0 : i32
      %dma_start3A_787 = tpu.memref_slice %arg6[%run_scoped3A_271, %dma_start3A_786] : memref<15x128xi32, #tpu.memory_space<vmem>> -> memref<1x128xi32, #tpu.memory_space<vmem>>
      %dma_start3A_788 = tpu.memref_squeeze %dma_start3A_787 : memref<1x128xi32, #tpu.memory_space<vmem>> -> memref<128xi32, #tpu.memory_space<vmem>>
      %dma_start3A_789 = arith.constant 0 : i32
      %dma_start3A_790 = arith.constant 0 : i32
      %dma_start3A_791 = tpu.memref_slice %arg8[%dma_start3A_789, %dma_start3A_790] : memref<10240x16xf32, #tpu.memory_space<vmem_shared>> -> memref<10240x16xf32, #tpu.memory_space<vmem_shared>>
      tpu.enqueue_indirect_dma source(%dma_start3A_785 : memref<128x16xf32, #tpu.memory_space<vmem>>) target(%dma_start3A_791 : memref<10240x16xf32, #tpu.memory_space<vmem_shared>>) offsets(%dma_start3A_788 : memref<128xi32, #tpu.memory_space<vmem>>) semaphore(%run_scoped3A_781 : memref<!tpu.dma_semaphore, #tpu.memory_space<semaphore_mem>>) {add = true}
      %dma_wait3A_792 = arith.constant 0 : i32
      %dma_wait3A_793 = arith.constant 0 : i32
      %dma_wait3A_794 = tpu.memref_slice %arg5[%run_scoped3A_270, %dma_wait3A_792, %dma_wait3A_793] : memref<4x128x16xf32, #tpu.memory_space<vmem>> -> memref<1x128x16xf32, #tpu.memory_space<vmem>>
      %dma_wait3A_795 = tpu.memref_squeeze %dma_wait3A_794 : memref<1x128x16xf32, #tpu.memory_space<vmem>> -> memref<128x16xf32, #tpu.memory_space<vmem>>
      %dma_wait3A_796 = arith.constant 0 : i32
      %dma_wait3A_797 = tpu.memref_slice %arg6[%run_scoped3A_271, %dma_wait3A_796] : memref<15x128xi32, #tpu.memory_space<vmem>> -> memref<1x128xi32, #tpu.memory_space<vmem>>
      %dma_wait3A_798 = tpu.memref_squeeze %dma_wait3A_797 : memref<1x128xi32, #tpu.memory_space<vmem>> -> memref<128xi32, #tpu.memory_space<vmem>>
      %dma_wait3A_799 = arith.constant 0 : i32
      %dma_wait3A_800 = arith.constant 0 : i32
      %dma_wait3A_801 = tpu.memref_slice %arg8[%dma_wait3A_799, %dma_wait3A_800] : memref<10240x16xf32, #tpu.memory_space<vmem_shared>> -> memref<10240x16xf32, #tpu.memory_space<vmem_shared>>
      tpu.wait_indirect_dma semaphore(%run_scoped3A_781 : memref<!tpu.dma_semaphore, #tpu.memory_space<semaphore_mem>>) src(%dma_wait3A_795 : memref<128x16xf32, #tpu.memory_space<vmem>>) dst(%dma_wait3A_801 : memref<10240x16xf32, #tpu.memory_space<vmem_shared>>)
      tpu.yield
    }) : () -> ()
    %dma_start3A_272 = arith.constant 1 : i32
    %dma_start3A_273 = arith.constant 3 : i32
    %dma_start3A_274 = arith.constant 0 : i32
    %dma_start3A_275 = arith.constant 0 : i32
    %dma_start3A_276 = tpu.memref_slice %arg5[%dma_start3A_273, %dma_start3A_274, %dma_start3A_275] : memref<4x128x16xf32, #tpu.memory_space<vmem>> -> memref<1x128x16xf32, #tpu.memory_space<vmem>>
    %dma_start3A_277 = tpu.memref_squeeze %dma_start3A_276 : memref<1x128x16xf32, #tpu.memory_space<vmem>> -> memref<128x16xf32, #tpu.memory_space<vmem>>
    %dma_start3A_278 = arith.constant 0 : i32
    %dma_start3A_279 = tpu.memref_slice %arg6[%dma_start3A_272, %dma_start3A_278] : memref<15x128xi32, #tpu.memory_space<vmem>> -> memref<1x128xi32, #tpu.memory_space<vmem>>
    %dma_start3A_280 = tpu.memref_squeeze %dma_start3A_279 : memref<1x128xi32, #tpu.memory_space<vmem>> -> memref<128xi32, #tpu.memory_space<vmem>>
    %dma_start3A_281 = arith.constant 0 : i32
    %dma_start3A_282 = arith.constant 0 : i32
    %dma_start3A_283 = tpu.memref_slice %arg7[%dma_start3A_281, %dma_start3A_282] : memref<10240x16xf32, #tpu.memory_space<vmem_shared>> -> memref<10240x16xf32, #tpu.memory_space<vmem_shared>>
    tpu.enqueue_indirect_dma source(%dma_start3A_283 : memref<10240x16xf32, #tpu.memory_space<vmem_shared>>) target(%dma_start3A_277 : memref<128x16xf32, #tpu.memory_space<vmem>>) offsets(%dma_start3A_280 : memref<128xi32, #tpu.memory_space<vmem>>) semaphore(%arg10 : memref<!tpu.dma_semaphore, #tpu.memory_space<semaphore_mem>>)
    %dma_wait3A_284 = arith.constant 0 : i32
    %dma_wait3A_285 = arith.constant 2 : i32
    %dma_wait3A_286 = arith.constant 0 : i32
    %dma_wait3A_287 = arith.constant 0 : i32
    %dma_wait3A_288 = tpu.memref_slice %arg5[%dma_wait3A_285, %dma_wait3A_286, %dma_wait3A_287] : memref<4x128x16xf32, #tpu.memory_space<vmem>> -> memref<1x128x16xf32, #tpu.memory_space<vmem>>
    %dma_wait3A_289 = tpu.memref_squeeze %dma_wait3A_288 : memref<1x128x16xf32, #tpu.memory_space<vmem>> -> memref<128x16xf32, #tpu.memory_space<vmem>>
    %dma_wait3A_290 = arith.constant 0 : i32
    %dma_wait3A_291 = tpu.memref_slice %arg6[%dma_wait3A_284, %dma_wait3A_290] : memref<15x128xi32, #tpu.memory_space<vmem>> -> memref<1x128xi32, #tpu.memory_space<vmem>>
    %dma_wait3A_292 = tpu.memref_squeeze %dma_wait3A_291 : memref<1x128xi32, #tpu.memory_space<vmem>> -> memref<128xi32, #tpu.memory_space<vmem>>
    %dma_wait3A_293 = arith.constant 0 : i32
    %dma_wait3A_294 = arith.constant 0 : i32
    %dma_wait3A_295 = tpu.memref_slice %arg7[%dma_wait3A_293, %dma_wait3A_294] : memref<10240x16xf32, #tpu.memory_space<vmem_shared>> -> memref<10240x16xf32, #tpu.memory_space<vmem_shared>>
    tpu.wait_indirect_dma semaphore(%arg9 : memref<!tpu.dma_semaphore, #tpu.memory_space<semaphore_mem>>) src(%dma_wait3A_295 : memref<10240x16xf32, #tpu.memory_space<vmem_shared>>) dst(%dma_wait3A_289 : memref<128x16xf32, #tpu.memory_space<vmem>>)
    %run_scoped3A_296 = arith.constant 2 : i32
    %run_scoped3A_297 = arith.constant 10 : i32
    "tpu.region"() ({
      %run_scoped3A_781 = tpu.sem_alloc : memref<!tpu.dma_semaphore, #tpu.memory_space<semaphore_mem>>
      %dma_start3A_782 = arith.constant 0 : i32
      %dma_start3A_783 = arith.constant 0 : i32
      %dma_start3A_784 = tpu.memref_slice %arg5[%run_scoped3A_296, %dma_start3A_782, %dma_start3A_783] : memref<4x128x16xf32, #tpu.memory_space<vmem>> -> memref<1x128x16xf32, #tpu.memory_space<vmem>>
      %dma_start3A_785 = tpu.memref_squeeze %dma_start3A_784 : memref<1x128x16xf32, #tpu.memory_space<vmem>> -> memref<128x16xf32, #tpu.memory_space<vmem>>
      %dma_start3A_786 = arith.constant 0 : i32
      %dma_start3A_787 = tpu.memref_slice %arg6[%run_scoped3A_297, %dma_start3A_786] : memref<15x128xi32, #tpu.memory_space<vmem>> -> memref<1x128xi32, #tpu.memory_space<vmem>>
      %dma_start3A_788 = tpu.memref_squeeze %dma_start3A_787 : memref<1x128xi32, #tpu.memory_space<vmem>> -> memref<128xi32, #tpu.memory_space<vmem>>
      %dma_start3A_789 = arith.constant 0 : i32
      %dma_start3A_790 = arith.constant 0 : i32
      %dma_start3A_791 = tpu.memref_slice %arg8[%dma_start3A_789, %dma_start3A_790] : memref<10240x16xf32, #tpu.memory_space<vmem_shared>> -> memref<10240x16xf32, #tpu.memory_space<vmem_shared>>
      tpu.enqueue_indirect_dma source(%dma_start3A_785 : memref<128x16xf32, #tpu.memory_space<vmem>>) target(%dma_start3A_791 : memref<10240x16xf32, #tpu.memory_space<vmem_shared>>) offsets(%dma_start3A_788 : memref<128xi32, #tpu.memory_space<vmem>>) semaphore(%run_scoped3A_781 : memref<!tpu.dma_semaphore, #tpu.memory_space<semaphore_mem>>) {add = true}
      %dma_wait3A_792 = arith.constant 0 : i32
      %dma_wait3A_793 = arith.constant 0 : i32
      %dma_wait3A_794 = tpu.memref_slice %arg5[%run_scoped3A_296, %dma_wait3A_792, %dma_wait3A_793] : memref<4x128x16xf32, #tpu.memory_space<vmem>> -> memref<1x128x16xf32, #tpu.memory_space<vmem>>
      %dma_wait3A_795 = tpu.memref_squeeze %dma_wait3A_794 : memref<1x128x16xf32, #tpu.memory_space<vmem>> -> memref<128x16xf32, #tpu.memory_space<vmem>>
      %dma_wait3A_796 = arith.constant 0 : i32
      %dma_wait3A_797 = tpu.memref_slice %arg6[%run_scoped3A_297, %dma_wait3A_796] : memref<15x128xi32, #tpu.memory_space<vmem>> -> memref<1x128xi32, #tpu.memory_space<vmem>>
      %dma_wait3A_798 = tpu.memref_squeeze %dma_wait3A_797 : memref<1x128xi32, #tpu.memory_space<vmem>> -> memref<128xi32, #tpu.memory_space<vmem>>
      %dma_wait3A_799 = arith.constant 0 : i32
      %dma_wait3A_800 = arith.constant 0 : i32
      %dma_wait3A_801 = tpu.memref_slice %arg8[%dma_wait3A_799, %dma_wait3A_800] : memref<10240x16xf32, #tpu.memory_space<vmem_shared>> -> memref<10240x16xf32, #tpu.memory_space<vmem_shared>>
      tpu.wait_indirect_dma semaphore(%run_scoped3A_781 : memref<!tpu.dma_semaphore, #tpu.memory_space<semaphore_mem>>) src(%dma_wait3A_795 : memref<128x16xf32, #tpu.memory_space<vmem>>) dst(%dma_wait3A_801 : memref<10240x16xf32, #tpu.memory_space<vmem_shared>>)
      tpu.yield
    }) : () -> ()
    %dma_start3A_298 = arith.constant 2 : i32
    %dma_start3A_299 = arith.constant 0 : i32
    %dma_start3A_300 = arith.constant 0 : i32
    %dma_start3A_301 = arith.constant 0 : i32
    %dma_start3A_302 = tpu.memref_slice %arg5[%dma_start3A_299, %dma_start3A_300, %dma_start3A_301] : memref<4x128x16xf32, #tpu.memory_space<vmem>> -> memref<1x128x16xf32, #tpu.memory_space<vmem>>
    %dma_start3A_303 = tpu.memref_squeeze %dma_start3A_302 : memref<1x128x16xf32, #tpu.memory_space<vmem>> -> memref<128x16xf32, #tpu.memory_space<vmem>>
    %dma_start3A_304 = arith.constant 0 : i32
    %dma_start3A_305 = tpu.memref_slice %arg6[%dma_start3A_298, %dma_start3A_304] : memref<15x128xi32, #tpu.memory_space<vmem>> -> memref<1x128xi32, #tpu.memory_space<vmem>>
    %dma_start3A_306 = tpu.memref_squeeze %dma_start3A_305 : memref<1x128xi32, #tpu.memory_space<vmem>> -> memref<128xi32, #tpu.memory_space<vmem>>
    %dma_start3A_307 = arith.constant 0 : i32
    %dma_start3A_308 = arith.constant 0 : i32
    %dma_start3A_309 = tpu.memref_slice %arg7[%dma_start3A_307, %dma_start3A_308] : memref<10240x16xf32, #tpu.memory_space<vmem_shared>> -> memref<10240x16xf32, #tpu.memory_space<vmem_shared>>
    tpu.enqueue_indirect_dma source(%dma_start3A_309 : memref<10240x16xf32, #tpu.memory_space<vmem_shared>>) target(%dma_start3A_303 : memref<128x16xf32, #tpu.memory_space<vmem>>) offsets(%dma_start3A_306 : memref<128xi32, #tpu.memory_space<vmem>>) semaphore(%arg9 : memref<!tpu.dma_semaphore, #tpu.memory_space<semaphore_mem>>)
    %dma_wait3A_310 = arith.constant 1 : i32
    %dma_wait3A_311 = arith.constant 3 : i32
    %dma_wait3A_312 = arith.constant 0 : i32
    %dma_wait3A_313 = arith.constant 0 : i32
    %dma_wait3A_314 = tpu.memref_slice %arg5[%dma_wait3A_311, %dma_wait3A_312, %dma_wait3A_313] : memref<4x128x16xf32, #tpu.memory_space<vmem>> -> memref<1x128x16xf32, #tpu.memory_space<vmem>>
    %dma_wait3A_315 = tpu.memref_squeeze %dma_wait3A_314 : memref<1x128x16xf32, #tpu.memory_space<vmem>> -> memref<128x16xf32, #tpu.memory_space<vmem>>
    %dma_wait3A_316 = arith.constant 0 : i32
    %dma_wait3A_317 = tpu.memref_slice %arg6[%dma_wait3A_310, %dma_wait3A_316] : memref<15x128xi32, #tpu.memory_space<vmem>> -> memref<1x128xi32, #tpu.memory_space<vmem>>
    %dma_wait3A_318 = tpu.memref_squeeze %dma_wait3A_317 : memref<1x128xi32, #tpu.memory_space<vmem>> -> memref<128xi32, #tpu.memory_space<vmem>>
    %dma_wait3A_319 = arith.constant 0 : i32
    %dma_wait3A_320 = arith.constant 0 : i32
    %dma_wait3A_321 = tpu.memref_slice %arg7[%dma_wait3A_319, %dma_wait3A_320] : memref<10240x16xf32, #tpu.memory_space<vmem_shared>> -> memref<10240x16xf32, #tpu.memory_space<vmem_shared>>
    tpu.wait_indirect_dma semaphore(%arg10 : memref<!tpu.dma_semaphore, #tpu.memory_space<semaphore_mem>>) src(%dma_wait3A_321 : memref<10240x16xf32, #tpu.memory_space<vmem_shared>>) dst(%dma_wait3A_315 : memref<128x16xf32, #tpu.memory_space<vmem>>)
    %run_scoped3A_322 = arith.constant 3 : i32
    %run_scoped3A_323 = arith.constant 11 : i32
    "tpu.region"() ({
      %run_scoped3A_781 = tpu.sem_alloc : memref<!tpu.dma_semaphore, #tpu.memory_space<semaphore_mem>>
      %dma_start3A_782 = arith.constant 0 : i32
      %dma_start3A_783 = arith.constant 0 : i32
      %dma_start3A_784 = tpu.memref_slice %arg5[%run_scoped3A_322, %dma_start3A_782, %dma_start3A_783] : memref<4x128x16xf32, #tpu.memory_space<vmem>> -> memref<1x128x16xf32, #tpu.memory_space<vmem>>
      %dma_start3A_785 = tpu.memref_squeeze %dma_start3A_784 : memref<1x128x16xf32, #tpu.memory_space<vmem>> -> memref<128x16xf32, #tpu.memory_space<vmem>>
      %dma_start3A_786 = arith.constant 0 : i32
      %dma_start3A_787 = tpu.memref_slice %arg6[%run_scoped3A_323, %dma_start3A_786] : memref<15x128xi32, #tpu.memory_space<vmem>> -> memref<1x128xi32, #tpu.memory_space<vmem>>
      %dma_start3A_788 = tpu.memref_squeeze %dma_start3A_787 : memref<1x128xi32, #tpu.memory_space<vmem>> -> memref<128xi32, #tpu.memory_space<vmem>>
      %dma_start3A_789 = arith.constant 0 : i32
      %dma_start3A_790 = arith.constant 0 : i32
      %dma_start3A_791 = tpu.memref_slice %arg8[%dma_start3A_789, %dma_start3A_790] : memref<10240x16xf32, #tpu.memory_space<vmem_shared>> -> memref<10240x16xf32, #tpu.memory_space<vmem_shared>>
      tpu.enqueue_indirect_dma source(%dma_start3A_785 : memref<128x16xf32, #tpu.memory_space<vmem>>) target(%dma_start3A_791 : memref<10240x16xf32, #tpu.memory_space<vmem_shared>>) offsets(%dma_start3A_788 : memref<128xi32, #tpu.memory_space<vmem>>) semaphore(%run_scoped3A_781 : memref<!tpu.dma_semaphore, #tpu.memory_space<semaphore_mem>>) {add = true}
      %dma_wait3A_792 = arith.constant 0 : i32
      %dma_wait3A_793 = arith.constant 0 : i32
      %dma_wait3A_794 = tpu.memref_slice %arg5[%run_scoped3A_322, %dma_wait3A_792, %dma_wait3A_793] : memref<4x128x16xf32, #tpu.memory_space<vmem>> -> memref<1x128x16xf32, #tpu.memory_space<vmem>>
      %dma_wait3A_795 = tpu.memref_squeeze %dma_wait3A_794 : memref<1x128x16xf32, #tpu.memory_space<vmem>> -> memref<128x16xf32, #tpu.memory_space<vmem>>
      %dma_wait3A_796 = arith.constant 0 : i32
      %dma_wait3A_797 = tpu.memref_slice %arg6[%run_scoped3A_323, %dma_wait3A_796] : memref<15x128xi32, #tpu.memory_space<vmem>> -> memref<1x128xi32, #tpu.memory_space<vmem>>
      %dma_wait3A_798 = tpu.memref_squeeze %dma_wait3A_797 : memref<1x128xi32, #tpu.memory_space<vmem>> -> memref<128xi32, #tpu.memory_space<vmem>>
      %dma_wait3A_799 = arith.constant 0 : i32
      %dma_wait3A_800 = arith.constant 0 : i32
      %dma_wait3A_801 = tpu.memref_slice %arg8[%dma_wait3A_799, %dma_wait3A_800] : memref<10240x16xf32, #tpu.memory_space<vmem_shared>> -> memref<10240x16xf32, #tpu.memory_space<vmem_shared>>
      tpu.wait_indirect_dma semaphore(%run_scoped3A_781 : memref<!tpu.dma_semaphore, #tpu.memory_space<semaphore_mem>>) src(%dma_wait3A_795 : memref<128x16xf32, #tpu.memory_space<vmem>>) dst(%dma_wait3A_801 : memref<10240x16xf32, #tpu.memory_space<vmem_shared>>)
      tpu.yield
    }) : () -> ()
    %dma_start3A_324 = arith.constant 3 : i32
    %dma_start3A_325 = arith.constant 1 : i32
    %dma_start3A_326 = arith.constant 0 : i32
    %dma_start3A_327 = arith.constant 0 : i32
    %dma_start3A_328 = tpu.memref_slice %arg5[%dma_start3A_325, %dma_start3A_326, %dma_start3A_327] : memref<4x128x16xf32, #tpu.memory_space<vmem>> -> memref<1x128x16xf32, #tpu.memory_space<vmem>>
    %dma_start3A_329 = tpu.memref_squeeze %dma_start3A_328 : memref<1x128x16xf32, #tpu.memory_space<vmem>> -> memref<128x16xf32, #tpu.memory_space<vmem>>
    %dma_start3A_330 = arith.constant 0 : i32
    %dma_start3A_331 = tpu.memref_slice %arg6[%dma_start3A_324, %dma_start3A_330] : memref<15x128xi32, #tpu.memory_space<vmem>> -> memref<1x128xi32, #tpu.memory_space<vmem>>
    %dma_start3A_332 = tpu.memref_squeeze %dma_start3A_331 : memref<1x128xi32, #tpu.memory_space<vmem>> -> memref<128xi32, #tpu.memory_space<vmem>>
    %dma_start3A_333 = arith.constant 0 : i32
    %dma_start3A_334 = arith.constant 0 : i32
    %dma_start3A_335 = tpu.memref_slice %arg7[%dma_start3A_333, %dma_start3A_334] : memref<10240x16xf32, #tpu.memory_space<vmem_shared>> -> memref<10240x16xf32, #tpu.memory_space<vmem_shared>>
    tpu.enqueue_indirect_dma source(%dma_start3A_335 : memref<10240x16xf32, #tpu.memory_space<vmem_shared>>) target(%dma_start3A_329 : memref<128x16xf32, #tpu.memory_space<vmem>>) offsets(%dma_start3A_332 : memref<128xi32, #tpu.memory_space<vmem>>) semaphore(%arg10 : memref<!tpu.dma_semaphore, #tpu.memory_space<semaphore_mem>>)
    %dma_wait3A_336 = arith.constant 2 : i32
    %dma_wait3A_337 = arith.constant 0 : i32
    %dma_wait3A_338 = arith.constant 0 : i32
    %dma_wait3A_339 = arith.constant 0 : i32
    %dma_wait3A_340 = tpu.memref_slice %arg5[%dma_wait3A_337, %dma_wait3A_338, %dma_wait3A_339] : memref<4x128x16xf32, #tpu.memory_space<vmem>> -> memref<1x128x16xf32, #tpu.memory_space<vmem>>
    %dma_wait3A_341 = tpu.memref_squeeze %dma_wait3A_340 : memref<1x128x16xf32, #tpu.memory_space<vmem>> -> memref<128x16xf32, #tpu.memory_space<vmem>>
    %dma_wait3A_342 = arith.constant 0 : i32
    %dma_wait3A_343 = tpu.memref_slice %arg6[%dma_wait3A_336, %dma_wait3A_342] : memref<15x128xi32, #tpu.memory_space<vmem>> -> memref<1x128xi32, #tpu.memory_space<vmem>>
    %dma_wait3A_344 = tpu.memref_squeeze %dma_wait3A_343 : memref<1x128xi32, #tpu.memory_space<vmem>> -> memref<128xi32, #tpu.memory_space<vmem>>
    %dma_wait3A_345 = arith.constant 0 : i32
    %dma_wait3A_346 = arith.constant 0 : i32
    %dma_wait3A_347 = tpu.memref_slice %arg7[%dma_wait3A_345, %dma_wait3A_346] : memref<10240x16xf32, #tpu.memory_space<vmem_shared>> -> memref<10240x16xf32, #tpu.memory_space<vmem_shared>>
    tpu.wait_indirect_dma semaphore(%arg9 : memref<!tpu.dma_semaphore, #tpu.memory_space<semaphore_mem>>) src(%dma_wait3A_347 : memref<10240x16xf32, #tpu.memory_space<vmem_shared>>) dst(%dma_wait3A_341 : memref<128x16xf32, #tpu.memory_space<vmem>>)
    %run_scoped3A_348 = arith.constant 0 : i32
    %run_scoped3A_349 = arith.constant 12 : i32
    "tpu.region"() ({
      %run_scoped3A_781 = tpu.sem_alloc : memref<!tpu.dma_semaphore, #tpu.memory_space<semaphore_mem>>
      %dma_start3A_782 = arith.constant 0 : i32
      %dma_start3A_783 = arith.constant 0 : i32
      %dma_start3A_784 = tpu.memref_slice %arg5[%run_scoped3A_348, %dma_start3A_782, %dma_start3A_783] : memref<4x128x16xf32, #tpu.memory_space<vmem>> -> memref<1x128x16xf32, #tpu.memory_space<vmem>>
      %dma_start3A_785 = tpu.memref_squeeze %dma_start3A_784 : memref<1x128x16xf32, #tpu.memory_space<vmem>> -> memref<128x16xf32, #tpu.memory_space<vmem>>
      %dma_start3A_786 = arith.constant 0 : i32
      %dma_start3A_787 = tpu.memref_slice %arg6[%run_scoped3A_349, %dma_start3A_786] : memref<15x128xi32, #tpu.memory_space<vmem>> -> memref<1x128xi32, #tpu.memory_space<vmem>>
      %dma_start3A_788 = tpu.memref_squeeze %dma_start3A_787 : memref<1x128xi32, #tpu.memory_space<vmem>> -> memref<128xi32, #tpu.memory_space<vmem>>
      %dma_start3A_789 = arith.constant 0 : i32
      %dma_start3A_790 = arith.constant 0 : i32
      %dma_start3A_791 = tpu.memref_slice %arg8[%dma_start3A_789, %dma_start3A_790] : memref<10240x16xf32, #tpu.memory_space<vmem_shared>> -> memref<10240x16xf32, #tpu.memory_space<vmem_shared>>
      tpu.enqueue_indirect_dma source(%dma_start3A_785 : memref<128x16xf32, #tpu.memory_space<vmem>>) target(%dma_start3A_791 : memref<10240x16xf32, #tpu.memory_space<vmem_shared>>) offsets(%dma_start3A_788 : memref<128xi32, #tpu.memory_space<vmem>>) semaphore(%run_scoped3A_781 : memref<!tpu.dma_semaphore, #tpu.memory_space<semaphore_mem>>) {add = true}
      %dma_wait3A_792 = arith.constant 0 : i32
      %dma_wait3A_793 = arith.constant 0 : i32
      %dma_wait3A_794 = tpu.memref_slice %arg5[%run_scoped3A_348, %dma_wait3A_792, %dma_wait3A_793] : memref<4x128x16xf32, #tpu.memory_space<vmem>> -> memref<1x128x16xf32, #tpu.memory_space<vmem>>
      %dma_wait3A_795 = tpu.memref_squeeze %dma_wait3A_794 : memref<1x128x16xf32, #tpu.memory_space<vmem>> -> memref<128x16xf32, #tpu.memory_space<vmem>>
      %dma_wait3A_796 = arith.constant 0 : i32
      %dma_wait3A_797 = tpu.memref_slice %arg6[%run_scoped3A_349, %dma_wait3A_796] : memref<15x128xi32, #tpu.memory_space<vmem>> -> memref<1x128xi32, #tpu.memory_space<vmem>>
      %dma_wait3A_798 = tpu.memref_squeeze %dma_wait3A_797 : memref<1x128xi32, #tpu.memory_space<vmem>> -> memref<128xi32, #tpu.memory_space<vmem>>
      %dma_wait3A_799 = arith.constant 0 : i32
      %dma_wait3A_800 = arith.constant 0 : i32
      %dma_wait3A_801 = tpu.memref_slice %arg8[%dma_wait3A_799, %dma_wait3A_800] : memref<10240x16xf32, #tpu.memory_space<vmem_shared>> -> memref<10240x16xf32, #tpu.memory_space<vmem_shared>>
      tpu.wait_indirect_dma semaphore(%run_scoped3A_781 : memref<!tpu.dma_semaphore, #tpu.memory_space<semaphore_mem>>) src(%dma_wait3A_795 : memref<128x16xf32, #tpu.memory_space<vmem>>) dst(%dma_wait3A_801 : memref<10240x16xf32, #tpu.memory_space<vmem_shared>>)
      tpu.yield
    }) : () -> ()
    %dma_start3A_350 = arith.constant 4 : i32
    %dma_start3A_351 = arith.constant 2 : i32
    %dma_start3A_352 = arith.constant 0 : i32
    %dma_start3A_353 = arith.constant 0 : i32
    %dma_start3A_354 = tpu.memref_slice %arg5[%dma_start3A_351, %dma_start3A_352, %dma_start3A_353] : memref<4x128x16xf32, #tpu.memory_space<vmem>> -> memref<1x128x16xf32, #tpu.memory_space<vmem>>
    %dma_start3A_355 = tpu.memref_squeeze %dma_start3A_354 : memref<1x128x16xf32, #tpu.memory_space<vmem>> -> memref<128x16xf32, #tpu.memory_space<vmem>>
    %dma_start3A_356 = arith.constant 0 : i32
    %dma_start3A_357 = tpu.memref_slice %arg6[%dma_start3A_350, %dma_start3A_356] : memref<15x128xi32, #tpu.memory_space<vmem>> -> memref<1x128xi32, #tpu.memory_space<vmem>>
    %dma_start3A_358 = tpu.memref_squeeze %dma_start3A_357 : memref<1x128xi32, #tpu.memory_space<vmem>> -> memref<128xi32, #tpu.memory_space<vmem>>
    %dma_start3A_359 = arith.constant 0 : i32
    %dma_start3A_360 = arith.constant 0 : i32
    %dma_start3A_361 = tpu.memref_slice %arg7[%dma_start3A_359, %dma_start3A_360] : memref<10240x16xf32, #tpu.memory_space<vmem_shared>> -> memref<10240x16xf32, #tpu.memory_space<vmem_shared>>
    tpu.enqueue_indirect_dma source(%dma_start3A_361 : memref<10240x16xf32, #tpu.memory_space<vmem_shared>>) target(%dma_start3A_355 : memref<128x16xf32, #tpu.memory_space<vmem>>) offsets(%dma_start3A_358 : memref<128xi32, #tpu.memory_space<vmem>>) semaphore(%arg9 : memref<!tpu.dma_semaphore, #tpu.memory_space<semaphore_mem>>)
    %dma_wait3A_362 = arith.constant 3 : i32
    %dma_wait3A_363 = arith.constant 1 : i32
    %dma_wait3A_364 = arith.constant 0 : i32
    %dma_wait3A_365 = arith.constant 0 : i32
    %dma_wait3A_366 = tpu.memref_slice %arg5[%dma_wait3A_363, %dma_wait3A_364, %dma_wait3A_365] : memref<4x128x16xf32, #tpu.memory_space<vmem>> -> memref<1x128x16xf32, #tpu.memory_space<vmem>>
    %dma_wait3A_367 = tpu.memref_squeeze %dma_wait3A_366 : memref<1x128x16xf32, #tpu.memory_space<vmem>> -> memref<128x16xf32, #tpu.memory_space<vmem>>
    %dma_wait3A_368 = arith.constant 0 : i32
    %dma_wait3A_369 = tpu.memref_slice %arg6[%dma_wait3A_362, %dma_wait3A_368] : memref<15x128xi32, #tpu.memory_space<vmem>> -> memref<1x128xi32, #tpu.memory_space<vmem>>
    %dma_wait3A_370 = tpu.memref_squeeze %dma_wait3A_369 : memref<1x128xi32, #tpu.memory_space<vmem>> -> memref<128xi32, #tpu.memory_space<vmem>>
    %dma_wait3A_371 = arith.constant 0 : i32
    %dma_wait3A_372 = arith.constant 0 : i32
    %dma_wait3A_373 = tpu.memref_slice %arg7[%dma_wait3A_371, %dma_wait3A_372] : memref<10240x16xf32, #tpu.memory_space<vmem_shared>> -> memref<10240x16xf32, #tpu.memory_space<vmem_shared>>
    tpu.wait_indirect_dma semaphore(%arg10 : memref<!tpu.dma_semaphore, #tpu.memory_space<semaphore_mem>>) src(%dma_wait3A_373 : memref<10240x16xf32, #tpu.memory_space<vmem_shared>>) dst(%dma_wait3A_367 : memref<128x16xf32, #tpu.memory_space<vmem>>)
    %run_scoped3A_374 = arith.constant 1 : i32
    %run_scoped3A_375 = arith.constant 13 : i32
    "tpu.region"() ({
      %run_scoped3A_781 = tpu.sem_alloc : memref<!tpu.dma_semaphore, #tpu.memory_space<semaphore_mem>>
      %dma_start3A_782 = arith.constant 0 : i32
      %dma_start3A_783 = arith.constant 0 : i32
      %dma_start3A_784 = tpu.memref_slice %arg5[%run_scoped3A_374, %dma_start3A_782, %dma_start3A_783] : memref<4x128x16xf32, #tpu.memory_space<vmem>> -> memref<1x128x16xf32, #tpu.memory_space<vmem>>
      %dma_start3A_785 = tpu.memref_squeeze %dma_start3A_784 : memref<1x128x16xf32, #tpu.memory_space<vmem>> -> memref<128x16xf32, #tpu.memory_space<vmem>>
      %dma_start3A_786 = arith.constant 0 : i32
      %dma_start3A_787 = tpu.memref_slice %arg6[%run_scoped3A_375, %dma_start3A_786] : memref<15x128xi32, #tpu.memory_space<vmem>> -> memref<1x128xi32, #tpu.memory_space<vmem>>
      %dma_start3A_788 = tpu.memref_squeeze %dma_start3A_787 : memref<1x128xi32, #tpu.memory_space<vmem>> -> memref<128xi32, #tpu.memory_space<vmem>>
      %dma_start3A_789 = arith.constant 0 : i32
      %dma_start3A_790 = arith.constant 0 : i32
      %dma_start3A_791 = tpu.memref_slice %arg8[%dma_start3A_789, %dma_start3A_790] : memref<10240x16xf32, #tpu.memory_space<vmem_shared>> -> memref<10240x16xf32, #tpu.memory_space<vmem_shared>>
      tpu.enqueue_indirect_dma source(%dma_start3A_785 : memref<128x16xf32, #tpu.memory_space<vmem>>) target(%dma_start3A_791 : memref<10240x16xf32, #tpu.memory_space<vmem_shared>>) offsets(%dma_start3A_788 : memref<128xi32, #tpu.memory_space<vmem>>) semaphore(%run_scoped3A_781 : memref<!tpu.dma_semaphore, #tpu.memory_space<semaphore_mem>>) {add = true}
      %dma_wait3A_792 = arith.constant 0 : i32
      %dma_wait3A_793 = arith.constant 0 : i32
      %dma_wait3A_794 = tpu.memref_slice %arg5[%run_scoped3A_374, %dma_wait3A_792, %dma_wait3A_793] : memref<4x128x16xf32, #tpu.memory_space<vmem>> -> memref<1x128x16xf32, #tpu.memory_space<vmem>>
      %dma_wait3A_795 = tpu.memref_squeeze %dma_wait3A_794 : memref<1x128x16xf32, #tpu.memory_space<vmem>> -> memref<128x16xf32, #tpu.memory_space<vmem>>
      %dma_wait3A_796 = arith.constant 0 : i32
      %dma_wait3A_797 = tpu.memref_slice %arg6[%run_scoped3A_375, %dma_wait3A_796] : memref<15x128xi32, #tpu.memory_space<vmem>> -> memref<1x128xi32, #tpu.memory_space<vmem>>
      %dma_wait3A_798 = tpu.memref_squeeze %dma_wait3A_797 : memref<1x128xi32, #tpu.memory_space<vmem>> -> memref<128xi32, #tpu.memory_space<vmem>>
      %dma_wait3A_799 = arith.constant 0 : i32
      %dma_wait3A_800 = arith.constant 0 : i32
      %dma_wait3A_801 = tpu.memref_slice %arg8[%dma_wait3A_799, %dma_wait3A_800] : memref<10240x16xf32, #tpu.memory_space<vmem_shared>> -> memref<10240x16xf32, #tpu.memory_space<vmem_shared>>
      tpu.wait_indirect_dma semaphore(%run_scoped3A_781 : memref<!tpu.dma_semaphore, #tpu.memory_space<semaphore_mem>>) src(%dma_wait3A_795 : memref<128x16xf32, #tpu.memory_space<vmem>>) dst(%dma_wait3A_801 : memref<10240x16xf32, #tpu.memory_space<vmem_shared>>)
      tpu.yield
    }) : () -> ()
    %dma_start3A_376 = arith.constant 0 : i32
    %dma_start3A_377 = arith.constant 3 : i32
    %dma_start3A_378 = arith.constant 0 : i32
    %dma_start3A_379 = arith.constant 0 : i32
    %dma_start3A_380 = tpu.memref_slice %arg5[%dma_start3A_377, %dma_start3A_378, %dma_start3A_379] : memref<4x128x16xf32, #tpu.memory_space<vmem>> -> memref<1x128x16xf32, #tpu.memory_space<vmem>>
    %dma_start3A_381 = tpu.memref_squeeze %dma_start3A_380 : memref<1x128x16xf32, #tpu.memory_space<vmem>> -> memref<128x16xf32, #tpu.memory_space<vmem>>
    %dma_start3A_382 = arith.constant 0 : i32
    %dma_start3A_383 = tpu.memref_slice %arg6[%dma_start3A_376, %dma_start3A_382] : memref<15x128xi32, #tpu.memory_space<vmem>> -> memref<1x128xi32, #tpu.memory_space<vmem>>
    %dma_start3A_384 = tpu.memref_squeeze %dma_start3A_383 : memref<1x128xi32, #tpu.memory_space<vmem>> -> memref<128xi32, #tpu.memory_space<vmem>>
    %dma_start3A_385 = arith.constant 0 : i32
    %dma_start3A_386 = arith.constant 0 : i32
    %dma_start3A_387 = tpu.memref_slice %arg7[%dma_start3A_385, %dma_start3A_386] : memref<10240x16xf32, #tpu.memory_space<vmem_shared>> -> memref<10240x16xf32, #tpu.memory_space<vmem_shared>>
    tpu.enqueue_indirect_dma source(%dma_start3A_387 : memref<10240x16xf32, #tpu.memory_space<vmem_shared>>) target(%dma_start3A_381 : memref<128x16xf32, #tpu.memory_space<vmem>>) offsets(%dma_start3A_384 : memref<128xi32, #tpu.memory_space<vmem>>) semaphore(%arg10 : memref<!tpu.dma_semaphore, #tpu.memory_space<semaphore_mem>>)
    %dma_wait3A_388 = arith.constant 4 : i32
    %dma_wait3A_389 = arith.constant 2 : i32
    %dma_wait3A_390 = arith.constant 0 : i32
    %dma_wait3A_391 = arith.constant 0 : i32
    %dma_wait3A_392 = tpu.memref_slice %arg5[%dma_wait3A_389, %dma_wait3A_390, %dma_wait3A_391] : memref<4x128x16xf32, #tpu.memory_space<vmem>> -> memref<1x128x16xf32, #tpu.memory_space<vmem>>
    %dma_wait3A_393 = tpu.memref_squeeze %dma_wait3A_392 : memref<1x128x16xf32, #tpu.memory_space<vmem>> -> memref<128x16xf32, #tpu.memory_space<vmem>>
    %dma_wait3A_394 = arith.constant 0 : i32
    %dma_wait3A_395 = tpu.memref_slice %arg6[%dma_wait3A_388, %dma_wait3A_394] : memref<15x128xi32, #tpu.memory_space<vmem>> -> memref<1x128xi32, #tpu.memory_space<vmem>>
    %dma_wait3A_396 = tpu.memref_squeeze %dma_wait3A_395 : memref<1x128xi32, #tpu.memory_space<vmem>> -> memref<128xi32, #tpu.memory_space<vmem>>
    %dma_wait3A_397 = arith.constant 0 : i32
    %dma_wait3A_398 = arith.constant 0 : i32
    %dma_wait3A_399 = tpu.memref_slice %arg7[%dma_wait3A_397, %dma_wait3A_398] : memref<10240x16xf32, #tpu.memory_space<vmem_shared>> -> memref<10240x16xf32, #tpu.memory_space<vmem_shared>>
    tpu.wait_indirect_dma semaphore(%arg9 : memref<!tpu.dma_semaphore, #tpu.memory_space<semaphore_mem>>) src(%dma_wait3A_399 : memref<10240x16xf32, #tpu.memory_space<vmem_shared>>) dst(%dma_wait3A_393 : memref<128x16xf32, #tpu.memory_space<vmem>>)
    %run_scoped3A_400 = arith.constant 2 : i32
    %run_scoped3A_401 = arith.constant 14 : i32
    "tpu.region"() ({
      %run_scoped3A_781 = tpu.sem_alloc : memref<!tpu.dma_semaphore, #tpu.memory_space<semaphore_mem>>
      %dma_start3A_782 = arith.constant 0 : i32
      %dma_start3A_783 = arith.constant 0 : i32
      %dma_start3A_784 = tpu.memref_slice %arg5[%run_scoped3A_400, %dma_start3A_782, %dma_start3A_783] : memref<4x128x16xf32, #tpu.memory_space<vmem>> -> memref<1x128x16xf32, #tpu.memory_space<vmem>>
      %dma_start3A_785 = tpu.memref_squeeze %dma_start3A_784 : memref<1x128x16xf32, #tpu.memory_space<vmem>> -> memref<128x16xf32, #tpu.memory_space<vmem>>
      %dma_start3A_786 = arith.constant 0 : i32
      %dma_start3A_787 = tpu.memref_slice %arg6[%run_scoped3A_401, %dma_start3A_786] : memref<15x128xi32, #tpu.memory_space<vmem>> -> memref<1x128xi32, #tpu.memory_space<vmem>>
      %dma_start3A_788 = tpu.memref_squeeze %dma_start3A_787 : memref<1x128xi32, #tpu.memory_space<vmem>> -> memref<128xi32, #tpu.memory_space<vmem>>
      %dma_start3A_789 = arith.constant 0 : i32
      %dma_start3A_790 = arith.constant 0 : i32
      %dma_start3A_791 = tpu.memref_slice %arg8[%dma_start3A_789, %dma_start3A_790] : memref<10240x16xf32, #tpu.memory_space<vmem_shared>> -> memref<10240x16xf32, #tpu.memory_space<vmem_shared>>
      tpu.enqueue_indirect_dma source(%dma_start3A_785 : memref<128x16xf32, #tpu.memory_space<vmem>>) target(%dma_start3A_791 : memref<10240x16xf32, #tpu.memory_space<vmem_shared>>) offsets(%dma_start3A_788 : memref<128xi32, #tpu.memory_space<vmem>>) semaphore(%run_scoped3A_781 : memref<!tpu.dma_semaphore, #tpu.memory_space<semaphore_mem>>) {add = true}
      %dma_wait3A_792 = arith.constant 0 : i32
      %dma_wait3A_793 = arith.constant 0 : i32
      %dma_wait3A_794 = tpu.memref_slice %arg5[%run_scoped3A_400, %dma_wait3A_792, %dma_wait3A_793] : memref<4x128x16xf32, #tpu.memory_space<vmem>> -> memref<1x128x16xf32, #tpu.memory_space<vmem>>
      %dma_wait3A_795 = tpu.memref_squeeze %dma_wait3A_794 : memref<1x128x16xf32, #tpu.memory_space<vmem>> -> memref<128x16xf32, #tpu.memory_space<vmem>>
      %dma_wait3A_796 = arith.constant 0 : i32
      %dma_wait3A_797 = tpu.memref_slice %arg6[%run_scoped3A_401, %dma_wait3A_796] : memref<15x128xi32, #tpu.memory_space<vmem>> -> memref<1x128xi32, #tpu.memory_space<vmem>>
      %dma_wait3A_798 = tpu.memref_squeeze %dma_wait3A_797 : memref<1x128xi32, #tpu.memory_space<vmem>> -> memref<128xi32, #tpu.memory_space<vmem>>
      %dma_wait3A_799 = arith.constant 0 : i32
      %dma_wait3A_800 = arith.constant 0 : i32
      %dma_wait3A_801 = tpu.memref_slice %arg8[%dma_wait3A_799, %dma_wait3A_800] : memref<10240x16xf32, #tpu.memory_space<vmem_shared>> -> memref<10240x16xf32, #tpu.memory_space<vmem_shared>>
      tpu.wait_indirect_dma semaphore(%run_scoped3A_781 : memref<!tpu.dma_semaphore, #tpu.memory_space<semaphore_mem>>) src(%dma_wait3A_795 : memref<128x16xf32, #tpu.memory_space<vmem>>) dst(%dma_wait3A_801 : memref<10240x16xf32, #tpu.memory_space<vmem_shared>>)
      tpu.yield
    }) : () -> ()
    %dma_start3A_402 = arith.constant 1 : i32
    %dma_start3A_403 = arith.constant 0 : i32
    %dma_start3A_404 = arith.constant 0 : i32
    %dma_start3A_405 = arith.constant 0 : i32
    %dma_start3A_406 = tpu.memref_slice %arg5[%dma_start3A_403, %dma_start3A_404, %dma_start3A_405] : memref<4x128x16xf32, #tpu.memory_space<vmem>> -> memref<1x128x16xf32, #tpu.memory_space<vmem>>
    %dma_start3A_407 = tpu.memref_squeeze %dma_start3A_406 : memref<1x128x16xf32, #tpu.memory_space<vmem>> -> memref<128x16xf32, #tpu.memory_space<vmem>>
    %dma_start3A_408 = arith.constant 0 : i32
    %dma_start3A_409 = tpu.memref_slice %arg6[%dma_start3A_402, %dma_start3A_408] : memref<15x128xi32, #tpu.memory_space<vmem>> -> memref<1x128xi32, #tpu.memory_space<vmem>>
    %dma_start3A_410 = tpu.memref_squeeze %dma_start3A_409 : memref<1x128xi32, #tpu.memory_space<vmem>> -> memref<128xi32, #tpu.memory_space<vmem>>
    %dma_start3A_411 = arith.constant 0 : i32
    %dma_start3A_412 = arith.constant 0 : i32
    %dma_start3A_413 = tpu.memref_slice %arg7[%dma_start3A_411, %dma_start3A_412] : memref<10240x16xf32, #tpu.memory_space<vmem_shared>> -> memref<10240x16xf32, #tpu.memory_space<vmem_shared>>
    tpu.enqueue_indirect_dma source(%dma_start3A_413 : memref<10240x16xf32, #tpu.memory_space<vmem_shared>>) target(%dma_start3A_407 : memref<128x16xf32, #tpu.memory_space<vmem>>) offsets(%dma_start3A_410 : memref<128xi32, #tpu.memory_space<vmem>>) semaphore(%arg9 : memref<!tpu.dma_semaphore, #tpu.memory_space<semaphore_mem>>)
    %dma_wait3A_414 = arith.constant 0 : i32
    %dma_wait3A_415 = arith.constant 3 : i32
    %dma_wait3A_416 = arith.constant 0 : i32
    %dma_wait3A_417 = arith.constant 0 : i32
    %dma_wait3A_418 = tpu.memref_slice %arg5[%dma_wait3A_415, %dma_wait3A_416, %dma_wait3A_417] : memref<4x128x16xf32, #tpu.memory_space<vmem>> -> memref<1x128x16xf32, #tpu.memory_space<vmem>>
    %dma_wait3A_419 = tpu.memref_squeeze %dma_wait3A_418 : memref<1x128x16xf32, #tpu.memory_space<vmem>> -> memref<128x16xf32, #tpu.memory_space<vmem>>
    %dma_wait3A_420 = arith.constant 0 : i32
    %dma_wait3A_421 = tpu.memref_slice %arg6[%dma_wait3A_414, %dma_wait3A_420] : memref<15x128xi32, #tpu.memory_space<vmem>> -> memref<1x128xi32, #tpu.memory_space<vmem>>
    %dma_wait3A_422 = tpu.memref_squeeze %dma_wait3A_421 : memref<1x128xi32, #tpu.memory_space<vmem>> -> memref<128xi32, #tpu.memory_space<vmem>>
    %dma_wait3A_423 = arith.constant 0 : i32
    %dma_wait3A_424 = arith.constant 0 : i32
    %dma_wait3A_425 = tpu.memref_slice %arg7[%dma_wait3A_423, %dma_wait3A_424] : memref<10240x16xf32, #tpu.memory_space<vmem_shared>> -> memref<10240x16xf32, #tpu.memory_space<vmem_shared>>
    tpu.wait_indirect_dma semaphore(%arg10 : memref<!tpu.dma_semaphore, #tpu.memory_space<semaphore_mem>>) src(%dma_wait3A_425 : memref<10240x16xf32, #tpu.memory_space<vmem_shared>>) dst(%dma_wait3A_419 : memref<128x16xf32, #tpu.memory_space<vmem>>)
    %run_scoped3A_426 = arith.constant 3 : i32
    %run_scoped3A_427 = arith.constant 5 : i32
    "tpu.region"() ({
      %run_scoped3A_781 = tpu.sem_alloc : memref<!tpu.dma_semaphore, #tpu.memory_space<semaphore_mem>>
      %dma_start3A_782 = arith.constant 0 : i32
      %dma_start3A_783 = arith.constant 0 : i32
      %dma_start3A_784 = tpu.memref_slice %arg5[%run_scoped3A_426, %dma_start3A_782, %dma_start3A_783] : memref<4x128x16xf32, #tpu.memory_space<vmem>> -> memref<1x128x16xf32, #tpu.memory_space<vmem>>
      %dma_start3A_785 = tpu.memref_squeeze %dma_start3A_784 : memref<1x128x16xf32, #tpu.memory_space<vmem>> -> memref<128x16xf32, #tpu.memory_space<vmem>>
      %dma_start3A_786 = arith.constant 0 : i32
      %dma_start3A_787 = tpu.memref_slice %arg6[%run_scoped3A_427, %dma_start3A_786] : memref<15x128xi32, #tpu.memory_space<vmem>> -> memref<1x128xi32, #tpu.memory_space<vmem>>
      %dma_start3A_788 = tpu.memref_squeeze %dma_start3A_787 : memref<1x128xi32, #tpu.memory_space<vmem>> -> memref<128xi32, #tpu.memory_space<vmem>>
      %dma_start3A_789 = arith.constant 0 : i32
      %dma_start3A_790 = arith.constant 0 : i32
      %dma_start3A_791 = tpu.memref_slice %arg8[%dma_start3A_789, %dma_start3A_790] : memref<10240x16xf32, #tpu.memory_space<vmem_shared>> -> memref<10240x16xf32, #tpu.memory_space<vmem_shared>>
      tpu.enqueue_indirect_dma source(%dma_start3A_785 : memref<128x16xf32, #tpu.memory_space<vmem>>) target(%dma_start3A_791 : memref<10240x16xf32, #tpu.memory_space<vmem_shared>>) offsets(%dma_start3A_788 : memref<128xi32, #tpu.memory_space<vmem>>) semaphore(%run_scoped3A_781 : memref<!tpu.dma_semaphore, #tpu.memory_space<semaphore_mem>>) {add = true}
      %dma_wait3A_792 = arith.constant 0 : i32
      %dma_wait3A_793 = arith.constant 0 : i32
      %dma_wait3A_794 = tpu.memref_slice %arg5[%run_scoped3A_426, %dma_wait3A_792, %dma_wait3A_793] : memref<4x128x16xf32, #tpu.memory_space<vmem>> -> memref<1x128x16xf32, #tpu.memory_space<vmem>>
      %dma_wait3A_795 = tpu.memref_squeeze %dma_wait3A_794 : memref<1x128x16xf32, #tpu.memory_space<vmem>> -> memref<128x16xf32, #tpu.memory_space<vmem>>
      %dma_wait3A_796 = arith.constant 0 : i32
      %dma_wait3A_797 = tpu.memref_slice %arg6[%run_scoped3A_427, %dma_wait3A_796] : memref<15x128xi32, #tpu.memory_space<vmem>> -> memref<1x128xi32, #tpu.memory_space<vmem>>
      %dma_wait3A_798 = tpu.memref_squeeze %dma_wait3A_797 : memref<1x128xi32, #tpu.memory_space<vmem>> -> memref<128xi32, #tpu.memory_space<vmem>>
      %dma_wait3A_799 = arith.constant 0 : i32
      %dma_wait3A_800 = arith.constant 0 : i32
      %dma_wait3A_801 = tpu.memref_slice %arg8[%dma_wait3A_799, %dma_wait3A_800] : memref<10240x16xf32, #tpu.memory_space<vmem_shared>> -> memref<10240x16xf32, #tpu.memory_space<vmem_shared>>
      tpu.wait_indirect_dma semaphore(%run_scoped3A_781 : memref<!tpu.dma_semaphore, #tpu.memory_space<semaphore_mem>>) src(%dma_wait3A_795 : memref<128x16xf32, #tpu.memory_space<vmem>>) dst(%dma_wait3A_801 : memref<10240x16xf32, #tpu.memory_space<vmem_shared>>)
      tpu.yield
    }) : () -> ()
    %dma_start3A_428 = arith.constant 2 : i32
    %dma_start3A_429 = arith.constant 1 : i32
    %dma_start3A_430 = arith.constant 0 : i32
    %dma_start3A_431 = arith.constant 0 : i32
    %dma_start3A_432 = tpu.memref_slice %arg5[%dma_start3A_429, %dma_start3A_430, %dma_start3A_431] : memref<4x128x16xf32, #tpu.memory_space<vmem>> -> memref<1x128x16xf32, #tpu.memory_space<vmem>>
    %dma_start3A_433 = tpu.memref_squeeze %dma_start3A_432 : memref<1x128x16xf32, #tpu.memory_space<vmem>> -> memref<128x16xf32, #tpu.memory_space<vmem>>
    %dma_start3A_434 = arith.constant 0 : i32
    %dma_start3A_435 = tpu.memref_slice %arg6[%dma_start3A_428, %dma_start3A_434] : memref<15x128xi32, #tpu.memory_space<vmem>> -> memref<1x128xi32, #tpu.memory_space<vmem>>
    %dma_start3A_436 = tpu.memref_squeeze %dma_start3A_435 : memref<1x128xi32, #tpu.memory_space<vmem>> -> memref<128xi32, #tpu.memory_space<vmem>>
    %dma_start3A_437 = arith.constant 0 : i32
    %dma_start3A_438 = arith.constant 0 : i32
    %dma_start3A_439 = tpu.memref_slice %arg7[%dma_start3A_437, %dma_start3A_438] : memref<10240x16xf32, #tpu.memory_space<vmem_shared>> -> memref<10240x16xf32, #tpu.memory_space<vmem_shared>>
    tpu.enqueue_indirect_dma source(%dma_start3A_439 : memref<10240x16xf32, #tpu.memory_space<vmem_shared>>) target(%dma_start3A_433 : memref<128x16xf32, #tpu.memory_space<vmem>>) offsets(%dma_start3A_436 : memref<128xi32, #tpu.memory_space<vmem>>) semaphore(%arg10 : memref<!tpu.dma_semaphore, #tpu.memory_space<semaphore_mem>>)
    %dma_wait3A_440 = arith.constant 1 : i32
    %dma_wait3A_441 = arith.constant 0 : i32
    %dma_wait3A_442 = arith.constant 0 : i32
    %dma_wait3A_443 = arith.constant 0 : i32
    %dma_wait3A_444 = tpu.memref_slice %arg5[%dma_wait3A_441, %dma_wait3A_442, %dma_wait3A_443] : memref<4x128x16xf32, #tpu.memory_space<vmem>> -> memref<1x128x16xf32, #tpu.memory_space<vmem>>
    %dma_wait3A_445 = tpu.memref_squeeze %dma_wait3A_444 : memref<1x128x16xf32, #tpu.memory_space<vmem>> -> memref<128x16xf32, #tpu.memory_space<vmem>>
    %dma_wait3A_446 = arith.constant 0 : i32
    %dma_wait3A_447 = tpu.memref_slice %arg6[%dma_wait3A_440, %dma_wait3A_446] : memref<15x128xi32, #tpu.memory_space<vmem>> -> memref<1x128xi32, #tpu.memory_space<vmem>>
    %dma_wait3A_448 = tpu.memref_squeeze %dma_wait3A_447 : memref<1x128xi32, #tpu.memory_space<vmem>> -> memref<128xi32, #tpu.memory_space<vmem>>
    %dma_wait3A_449 = arith.constant 0 : i32
    %dma_wait3A_450 = arith.constant 0 : i32
    %dma_wait3A_451 = tpu.memref_slice %arg7[%dma_wait3A_449, %dma_wait3A_450] : memref<10240x16xf32, #tpu.memory_space<vmem_shared>> -> memref<10240x16xf32, #tpu.memory_space<vmem_shared>>
    tpu.wait_indirect_dma semaphore(%arg9 : memref<!tpu.dma_semaphore, #tpu.memory_space<semaphore_mem>>) src(%dma_wait3A_451 : memref<10240x16xf32, #tpu.memory_space<vmem_shared>>) dst(%dma_wait3A_445 : memref<128x16xf32, #tpu.memory_space<vmem>>)
    %run_scoped3A_452 = arith.constant 0 : i32
    %run_scoped3A_453 = arith.constant 6 : i32
    "tpu.region"() ({
      %run_scoped3A_781 = tpu.sem_alloc : memref<!tpu.dma_semaphore, #tpu.memory_space<semaphore_mem>>
      %dma_start3A_782 = arith.constant 0 : i32
      %dma_start3A_783 = arith.constant 0 : i32
      %dma_start3A_784 = tpu.memref_slice %arg5[%run_scoped3A_452, %dma_start3A_782, %dma_start3A_783] : memref<4x128x16xf32, #tpu.memory_space<vmem>> -> memref<1x128x16xf32, #tpu.memory_space<vmem>>
      %dma_start3A_785 = tpu.memref_squeeze %dma_start3A_784 : memref<1x128x16xf32, #tpu.memory_space<vmem>> -> memref<128x16xf32, #tpu.memory_space<vmem>>
      %dma_start3A_786 = arith.constant 0 : i32
      %dma_start3A_787 = tpu.memref_slice %arg6[%run_scoped3A_453, %dma_start3A_786] : memref<15x128xi32, #tpu.memory_space<vmem>> -> memref<1x128xi32, #tpu.memory_space<vmem>>
      %dma_start3A_788 = tpu.memref_squeeze %dma_start3A_787 : memref<1x128xi32, #tpu.memory_space<vmem>> -> memref<128xi32, #tpu.memory_space<vmem>>
      %dma_start3A_789 = arith.constant 0 : i32
      %dma_start3A_790 = arith.constant 0 : i32
      %dma_start3A_791 = tpu.memref_slice %arg8[%dma_start3A_789, %dma_start3A_790] : memref<10240x16xf32, #tpu.memory_space<vmem_shared>> -> memref<10240x16xf32, #tpu.memory_space<vmem_shared>>
      tpu.enqueue_indirect_dma source(%dma_start3A_785 : memref<128x16xf32, #tpu.memory_space<vmem>>) target(%dma_start3A_791 : memref<10240x16xf32, #tpu.memory_space<vmem_shared>>) offsets(%dma_start3A_788 : memref<128xi32, #tpu.memory_space<vmem>>) semaphore(%run_scoped3A_781 : memref<!tpu.dma_semaphore, #tpu.memory_space<semaphore_mem>>) {add = true}
      %dma_wait3A_792 = arith.constant 0 : i32
      %dma_wait3A_793 = arith.constant 0 : i32
      %dma_wait3A_794 = tpu.memref_slice %arg5[%run_scoped3A_452, %dma_wait3A_792, %dma_wait3A_793] : memref<4x128x16xf32, #tpu.memory_space<vmem>> -> memref<1x128x16xf32, #tpu.memory_space<vmem>>
      %dma_wait3A_795 = tpu.memref_squeeze %dma_wait3A_794 : memref<1x128x16xf32, #tpu.memory_space<vmem>> -> memref<128x16xf32, #tpu.memory_space<vmem>>
      %dma_wait3A_796 = arith.constant 0 : i32
      %dma_wait3A_797 = tpu.memref_slice %arg6[%run_scoped3A_453, %dma_wait3A_796] : memref<15x128xi32, #tpu.memory_space<vmem>> -> memref<1x128xi32, #tpu.memory_space<vmem>>
      %dma_wait3A_798 = tpu.memref_squeeze %dma_wait3A_797 : memref<1x128xi32, #tpu.memory_space<vmem>> -> memref<128xi32, #tpu.memory_space<vmem>>
      %dma_wait3A_799 = arith.constant 0 : i32
      %dma_wait3A_800 = arith.constant 0 : i32
      %dma_wait3A_801 = tpu.memref_slice %arg8[%dma_wait3A_799, %dma_wait3A_800] : memref<10240x16xf32, #tpu.memory_space<vmem_shared>> -> memref<10240x16xf32, #tpu.memory_space<vmem_shared>>
      tpu.wait_indirect_dma semaphore(%run_scoped3A_781 : memref<!tpu.dma_semaphore, #tpu.memory_space<semaphore_mem>>) src(%dma_wait3A_795 : memref<128x16xf32, #tpu.memory_space<vmem>>) dst(%dma_wait3A_801 : memref<10240x16xf32, #tpu.memory_space<vmem_shared>>)
      tpu.yield
    }) : () -> ()
    %dma_start3A_454 = arith.constant 3 : i32
    %dma_start3A_455 = arith.constant 2 : i32
    %dma_start3A_456 = arith.constant 0 : i32
    %dma_start3A_457 = arith.constant 0 : i32
    %dma_start3A_458 = tpu.memref_slice %arg5[%dma_start3A_455, %dma_start3A_456, %dma_start3A_457] : memref<4x128x16xf32, #tpu.memory_space<vmem>> -> memref<1x128x16xf32, #tpu.memory_space<vmem>>
    %dma_start3A_459 = tpu.memref_squeeze %dma_start3A_458 : memref<1x128x16xf32, #tpu.memory_space<vmem>> -> memref<128x16xf32, #tpu.memory_space<vmem>>
    %dma_start3A_460 = arith.constant 0 : i32
    %dma_start3A_461 = tpu.memref_slice %arg6[%dma_start3A_454, %dma_start3A_460] : memref<15x128xi32, #tpu.memory_space<vmem>> -> memref<1x128xi32, #tpu.memory_space<vmem>>
    %dma_start3A_462 = tpu.memref_squeeze %dma_start3A_461 : memref<1x128xi32, #tpu.memory_space<vmem>> -> memref<128xi32, #tpu.memory_space<vmem>>
    %dma_start3A_463 = arith.constant 0 : i32
    %dma_start3A_464 = arith.constant 0 : i32
    %dma_start3A_465 = tpu.memref_slice %arg7[%dma_start3A_463, %dma_start3A_464] : memref<10240x16xf32, #tpu.memory_space<vmem_shared>> -> memref<10240x16xf32, #tpu.memory_space<vmem_shared>>
    tpu.enqueue_indirect_dma source(%dma_start3A_465 : memref<10240x16xf32, #tpu.memory_space<vmem_shared>>) target(%dma_start3A_459 : memref<128x16xf32, #tpu.memory_space<vmem>>) offsets(%dma_start3A_462 : memref<128xi32, #tpu.memory_space<vmem>>) semaphore(%arg9 : memref<!tpu.dma_semaphore, #tpu.memory_space<semaphore_mem>>)
    %dma_wait3A_466 = arith.constant 2 : i32
    %dma_wait3A_467 = arith.constant 1 : i32
    %dma_wait3A_468 = arith.constant 0 : i32
    %dma_wait3A_469 = arith.constant 0 : i32
    %dma_wait3A_470 = tpu.memref_slice %arg5[%dma_wait3A_467, %dma_wait3A_468, %dma_wait3A_469] : memref<4x128x16xf32, #tpu.memory_space<vmem>> -> memref<1x128x16xf32, #tpu.memory_space<vmem>>
    %dma_wait3A_471 = tpu.memref_squeeze %dma_wait3A_470 : memref<1x128x16xf32, #tpu.memory_space<vmem>> -> memref<128x16xf32, #tpu.memory_space<vmem>>
    %dma_wait3A_472 = arith.constant 0 : i32
    %dma_wait3A_473 = tpu.memref_slice %arg6[%dma_wait3A_466, %dma_wait3A_472] : memref<15x128xi32, #tpu.memory_space<vmem>> -> memref<1x128xi32, #tpu.memory_space<vmem>>
    %dma_wait3A_474 = tpu.memref_squeeze %dma_wait3A_473 : memref<1x128xi32, #tpu.memory_space<vmem>> -> memref<128xi32, #tpu.memory_space<vmem>>
    %dma_wait3A_475 = arith.constant 0 : i32
    %dma_wait3A_476 = arith.constant 0 : i32
    %dma_wait3A_477 = tpu.memref_slice %arg7[%dma_wait3A_475, %dma_wait3A_476] : memref<10240x16xf32, #tpu.memory_space<vmem_shared>> -> memref<10240x16xf32, #tpu.memory_space<vmem_shared>>
    tpu.wait_indirect_dma semaphore(%arg10 : memref<!tpu.dma_semaphore, #tpu.memory_space<semaphore_mem>>) src(%dma_wait3A_477 : memref<10240x16xf32, #tpu.memory_space<vmem_shared>>) dst(%dma_wait3A_471 : memref<128x16xf32, #tpu.memory_space<vmem>>)
    %run_scoped3A_478 = arith.constant 1 : i32
    %run_scoped3A_479 = arith.constant 7 : i32
    "tpu.region"() ({
      %run_scoped3A_781 = tpu.sem_alloc : memref<!tpu.dma_semaphore, #tpu.memory_space<semaphore_mem>>
      %dma_start3A_782 = arith.constant 0 : i32
      %dma_start3A_783 = arith.constant 0 : i32
      %dma_start3A_784 = tpu.memref_slice %arg5[%run_scoped3A_478, %dma_start3A_782, %dma_start3A_783] : memref<4x128x16xf32, #tpu.memory_space<vmem>> -> memref<1x128x16xf32, #tpu.memory_space<vmem>>
      %dma_start3A_785 = tpu.memref_squeeze %dma_start3A_784 : memref<1x128x16xf32, #tpu.memory_space<vmem>> -> memref<128x16xf32, #tpu.memory_space<vmem>>
      %dma_start3A_786 = arith.constant 0 : i32
      %dma_start3A_787 = tpu.memref_slice %arg6[%run_scoped3A_479, %dma_start3A_786] : memref<15x128xi32, #tpu.memory_space<vmem>> -> memref<1x128xi32, #tpu.memory_space<vmem>>
      %dma_start3A_788 = tpu.memref_squeeze %dma_start3A_787 : memref<1x128xi32, #tpu.memory_space<vmem>> -> memref<128xi32, #tpu.memory_space<vmem>>
      %dma_start3A_789 = arith.constant 0 : i32
      %dma_start3A_790 = arith.constant 0 : i32
      %dma_start3A_791 = tpu.memref_slice %arg8[%dma_start3A_789, %dma_start3A_790] : memref<10240x16xf32, #tpu.memory_space<vmem_shared>> -> memref<10240x16xf32, #tpu.memory_space<vmem_shared>>
      tpu.enqueue_indirect_dma source(%dma_start3A_785 : memref<128x16xf32, #tpu.memory_space<vmem>>) target(%dma_start3A_791 : memref<10240x16xf32, #tpu.memory_space<vmem_shared>>) offsets(%dma_start3A_788 : memref<128xi32, #tpu.memory_space<vmem>>) semaphore(%run_scoped3A_781 : memref<!tpu.dma_semaphore, #tpu.memory_space<semaphore_mem>>) {add = true}
      %dma_wait3A_792 = arith.constant 0 : i32
      %dma_wait3A_793 = arith.constant 0 : i32
      %dma_wait3A_794 = tpu.memref_slice %arg5[%run_scoped3A_478, %dma_wait3A_792, %dma_wait3A_793] : memref<4x128x16xf32, #tpu.memory_space<vmem>> -> memref<1x128x16xf32, #tpu.memory_space<vmem>>
      %dma_wait3A_795 = tpu.memref_squeeze %dma_wait3A_794 : memref<1x128x16xf32, #tpu.memory_space<vmem>> -> memref<128x16xf32, #tpu.memory_space<vmem>>
      %dma_wait3A_796 = arith.constant 0 : i32
      %dma_wait3A_797 = tpu.memref_slice %arg6[%run_scoped3A_479, %dma_wait3A_796] : memref<15x128xi32, #tpu.memory_space<vmem>> -> memref<1x128xi32, #tpu.memory_space<vmem>>
      %dma_wait3A_798 = tpu.memref_squeeze %dma_wait3A_797 : memref<1x128xi32, #tpu.memory_space<vmem>> -> memref<128xi32, #tpu.memory_space<vmem>>
      %dma_wait3A_799 = arith.constant 0 : i32
      %dma_wait3A_800 = arith.constant 0 : i32
      %dma_wait3A_801 = tpu.memref_slice %arg8[%dma_wait3A_799, %dma_wait3A_800] : memref<10240x16xf32, #tpu.memory_space<vmem_shared>> -> memref<10240x16xf32, #tpu.memory_space<vmem_shared>>
      tpu.wait_indirect_dma semaphore(%run_scoped3A_781 : memref<!tpu.dma_semaphore, #tpu.memory_space<semaphore_mem>>) src(%dma_wait3A_795 : memref<128x16xf32, #tpu.memory_space<vmem>>) dst(%dma_wait3A_801 : memref<10240x16xf32, #tpu.memory_space<vmem_shared>>)
      tpu.yield
    }) : () -> ()
    %dma_start3A_480 = arith.constant 4 : i32
    %dma_start3A_481 = arith.constant 3 : i32
    %dma_start3A_482 = arith.constant 0 : i32
    %dma_start3A_483 = arith.constant 0 : i32
    %dma_start3A_484 = tpu.memref_slice %arg5[%dma_start3A_481, %dma_start3A_482, %dma_start3A_483] : memref<4x128x16xf32, #tpu.memory_space<vmem>> -> memref<1x128x16xf32, #tpu.memory_space<vmem>>
    %dma_start3A_485 = tpu.memref_squeeze %dma_start3A_484 : memref<1x128x16xf32, #tpu.memory_space<vmem>> -> memref<128x16xf32, #tpu.memory_space<vmem>>
    %dma_start3A_486 = arith.constant 0 : i32
    %dma_start3A_487 = tpu.memref_slice %arg6[%dma_start3A_480, %dma_start3A_486] : memref<15x128xi32, #tpu.memory_space<vmem>> -> memref<1x128xi32, #tpu.memory_space<vmem>>
    %dma_start3A_488 = tpu.memref_squeeze %dma_start3A_487 : memref<1x128xi32, #tpu.memory_space<vmem>> -> memref<128xi32, #tpu.memory_space<vmem>>
    %dma_start3A_489 = arith.constant 0 : i32
    %dma_start3A_490 = arith.constant 0 : i32
    %dma_start3A_491 = tpu.memref_slice %arg7[%dma_start3A_489, %dma_start3A_490] : memref<10240x16xf32, #tpu.memory_space<vmem_shared>> -> memref<10240x16xf32, #tpu.memory_space<vmem_shared>>
    tpu.enqueue_indirect_dma source(%dma_start3A_491 : memref<10240x16xf32, #tpu.memory_space<vmem_shared>>) target(%dma_start3A_485 : memref<128x16xf32, #tpu.memory_space<vmem>>) offsets(%dma_start3A_488 : memref<128xi32, #tpu.memory_space<vmem>>) semaphore(%arg10 : memref<!tpu.dma_semaphore, #tpu.memory_space<semaphore_mem>>)
    %dma_wait3A_492 = arith.constant 3 : i32
    %dma_wait3A_493 = arith.constant 2 : i32
    %dma_wait3A_494 = arith.constant 0 : i32
    %dma_wait3A_495 = arith.constant 0 : i32
    %dma_wait3A_496 = tpu.memref_slice %arg5[%dma_wait3A_493, %dma_wait3A_494, %dma_wait3A_495] : memref<4x128x16xf32, #tpu.memory_space<vmem>> -> memref<1x128x16xf32, #tpu.memory_space<vmem>>
    %dma_wait3A_497 = tpu.memref_squeeze %dma_wait3A_496 : memref<1x128x16xf32, #tpu.memory_space<vmem>> -> memref<128x16xf32, #tpu.memory_space<vmem>>
    %dma_wait3A_498 = arith.constant 0 : i32
    %dma_wait3A_499 = tpu.memref_slice %arg6[%dma_wait3A_492, %dma_wait3A_498] : memref<15x128xi32, #tpu.memory_space<vmem>> -> memref<1x128xi32, #tpu.memory_space<vmem>>
    %dma_wait3A_500 = tpu.memref_squeeze %dma_wait3A_499 : memref<1x128xi32, #tpu.memory_space<vmem>> -> memref<128xi32, #tpu.memory_space<vmem>>
    %dma_wait3A_501 = arith.constant 0 : i32
    %dma_wait3A_502 = arith.constant 0 : i32
    %dma_wait3A_503 = tpu.memref_slice %arg7[%dma_wait3A_501, %dma_wait3A_502] : memref<10240x16xf32, #tpu.memory_space<vmem_shared>> -> memref<10240x16xf32, #tpu.memory_space<vmem_shared>>
    tpu.wait_indirect_dma semaphore(%arg9 : memref<!tpu.dma_semaphore, #tpu.memory_space<semaphore_mem>>) src(%dma_wait3A_503 : memref<10240x16xf32, #tpu.memory_space<vmem_shared>>) dst(%dma_wait3A_497 : memref<128x16xf32, #tpu.memory_space<vmem>>)
    %run_scoped3A_504 = arith.constant 2 : i32
    %run_scoped3A_505 = arith.constant 8 : i32
    "tpu.region"() ({
      %run_scoped3A_781 = tpu.sem_alloc : memref<!tpu.dma_semaphore, #tpu.memory_space<semaphore_mem>>
      %dma_start3A_782 = arith.constant 0 : i32
      %dma_start3A_783 = arith.constant 0 : i32
      %dma_start3A_784 = tpu.memref_slice %arg5[%run_scoped3A_504, %dma_start3A_782, %dma_start3A_783] : memref<4x128x16xf32, #tpu.memory_space<vmem>> -> memref<1x128x16xf32, #tpu.memory_space<vmem>>
      %dma_start3A_785 = tpu.memref_squeeze %dma_start3A_784 : memref<1x128x16xf32, #tpu.memory_space<vmem>> -> memref<128x16xf32, #tpu.memory_space<vmem>>
      %dma_start3A_786 = arith.constant 0 : i32
      %dma_start3A_787 = tpu.memref_slice %arg6[%run_scoped3A_505, %dma_start3A_786] : memref<15x128xi32, #tpu.memory_space<vmem>> -> memref<1x128xi32, #tpu.memory_space<vmem>>
      %dma_start3A_788 = tpu.memref_squeeze %dma_start3A_787 : memref<1x128xi32, #tpu.memory_space<vmem>> -> memref<128xi32, #tpu.memory_space<vmem>>
      %dma_start3A_789 = arith.constant 0 : i32
      %dma_start3A_790 = arith.constant 0 : i32
      %dma_start3A_791 = tpu.memref_slice %arg8[%dma_start3A_789, %dma_start3A_790] : memref<10240x16xf32, #tpu.memory_space<vmem_shared>> -> memref<10240x16xf32, #tpu.memory_space<vmem_shared>>
      tpu.enqueue_indirect_dma source(%dma_start3A_785 : memref<128x16xf32, #tpu.memory_space<vmem>>) target(%dma_start3A_791 : memref<10240x16xf32, #tpu.memory_space<vmem_shared>>) offsets(%dma_start3A_788 : memref<128xi32, #tpu.memory_space<vmem>>) semaphore(%run_scoped3A_781 : memref<!tpu.dma_semaphore, #tpu.memory_space<semaphore_mem>>) {add = true}
      %dma_wait3A_792 = arith.constant 0 : i32
      %dma_wait3A_793 = arith.constant 0 : i32
      %dma_wait3A_794 = tpu.memref_slice %arg5[%run_scoped3A_504, %dma_wait3A_792, %dma_wait3A_793] : memref<4x128x16xf32, #tpu.memory_space<vmem>> -> memref<1x128x16xf32, #tpu.memory_space<vmem>>
      %dma_wait3A_795 = tpu.memref_squeeze %dma_wait3A_794 : memref<1x128x16xf32, #tpu.memory_space<vmem>> -> memref<128x16xf32, #tpu.memory_space<vmem>>
      %dma_wait3A_796 = arith.constant 0 : i32
      %dma_wait3A_797 = tpu.memref_slice %arg6[%run_scoped3A_505, %dma_wait3A_796] : memref<15x128xi32, #tpu.memory_space<vmem>> -> memref<1x128xi32, #tpu.memory_space<vmem>>
      %dma_wait3A_798 = tpu.memref_squeeze %dma_wait3A_797 : memref<1x128xi32, #tpu.memory_space<vmem>> -> memref<128xi32, #tpu.memory_space<vmem>>
      %dma_wait3A_799 = arith.constant 0 : i32
      %dma_wait3A_800 = arith.constant 0 : i32
      %dma_wait3A_801 = tpu.memref_slice %arg8[%dma_wait3A_799, %dma_wait3A_800] : memref<10240x16xf32, #tpu.memory_space<vmem_shared>> -> memref<10240x16xf32, #tpu.memory_space<vmem_shared>>
      tpu.wait_indirect_dma semaphore(%run_scoped3A_781 : memref<!tpu.dma_semaphore, #tpu.memory_space<semaphore_mem>>) src(%dma_wait3A_795 : memref<128x16xf32, #tpu.memory_space<vmem>>) dst(%dma_wait3A_801 : memref<10240x16xf32, #tpu.memory_space<vmem_shared>>)
      tpu.yield
    }) : () -> ()
    %dma_start3A_506 = arith.constant 5 : i32
    %dma_start3A_507 = arith.constant 0 : i32
    %dma_start3A_508 = arith.constant 0 : i32
    %dma_start3A_509 = arith.constant 0 : i32
    %dma_start3A_510 = tpu.memref_slice %arg5[%dma_start3A_507, %dma_start3A_508, %dma_start3A_509] : memref<4x128x16xf32, #tpu.memory_space<vmem>> -> memref<1x128x16xf32, #tpu.memory_space<vmem>>
    %dma_start3A_511 = tpu.memref_squeeze %dma_start3A_510 : memref<1x128x16xf32, #tpu.memory_space<vmem>> -> memref<128x16xf32, #tpu.memory_space<vmem>>
    %dma_start3A_512 = arith.constant 0 : i32
    %dma_start3A_513 = tpu.memref_slice %arg6[%dma_start3A_506, %dma_start3A_512] : memref<15x128xi32, #tpu.memory_space<vmem>> -> memref<1x128xi32, #tpu.memory_space<vmem>>
    %dma_start3A_514 = tpu.memref_squeeze %dma_start3A_513 : memref<1x128xi32, #tpu.memory_space<vmem>> -> memref<128xi32, #tpu.memory_space<vmem>>
    %dma_start3A_515 = arith.constant 0 : i32
    %dma_start3A_516 = arith.constant 0 : i32
    %dma_start3A_517 = tpu.memref_slice %arg7[%dma_start3A_515, %dma_start3A_516] : memref<10240x16xf32, #tpu.memory_space<vmem_shared>> -> memref<10240x16xf32, #tpu.memory_space<vmem_shared>>
    tpu.enqueue_indirect_dma source(%dma_start3A_517 : memref<10240x16xf32, #tpu.memory_space<vmem_shared>>) target(%dma_start3A_511 : memref<128x16xf32, #tpu.memory_space<vmem>>) offsets(%dma_start3A_514 : memref<128xi32, #tpu.memory_space<vmem>>) semaphore(%arg9 : memref<!tpu.dma_semaphore, #tpu.memory_space<semaphore_mem>>)
    %dma_wait3A_518 = arith.constant 4 : i32
    %dma_wait3A_519 = arith.constant 3 : i32
    %dma_wait3A_520 = arith.constant 0 : i32
    %dma_wait3A_521 = arith.constant 0 : i32
    %dma_wait3A_522 = tpu.memref_slice %arg5[%dma_wait3A_519, %dma_wait3A_520, %dma_wait3A_521] : memref<4x128x16xf32, #tpu.memory_space<vmem>> -> memref<1x128x16xf32, #tpu.memory_space<vmem>>
    %dma_wait3A_523 = tpu.memref_squeeze %dma_wait3A_522 : memref<1x128x16xf32, #tpu.memory_space<vmem>> -> memref<128x16xf32, #tpu.memory_space<vmem>>
    %dma_wait3A_524 = arith.constant 0 : i32
    %dma_wait3A_525 = tpu.memref_slice %arg6[%dma_wait3A_518, %dma_wait3A_524] : memref<15x128xi32, #tpu.memory_space<vmem>> -> memref<1x128xi32, #tpu.memory_space<vmem>>
    %dma_wait3A_526 = tpu.memref_squeeze %dma_wait3A_525 : memref<1x128xi32, #tpu.memory_space<vmem>> -> memref<128xi32, #tpu.memory_space<vmem>>
    %dma_wait3A_527 = arith.constant 0 : i32
    %dma_wait3A_528 = arith.constant 0 : i32
    %dma_wait3A_529 = tpu.memref_slice %arg7[%dma_wait3A_527, %dma_wait3A_528] : memref<10240x16xf32, #tpu.memory_space<vmem_shared>> -> memref<10240x16xf32, #tpu.memory_space<vmem_shared>>
    tpu.wait_indirect_dma semaphore(%arg10 : memref<!tpu.dma_semaphore, #tpu.memory_space<semaphore_mem>>) src(%dma_wait3A_529 : memref<10240x16xf32, #tpu.memory_space<vmem_shared>>) dst(%dma_wait3A_523 : memref<128x16xf32, #tpu.memory_space<vmem>>)
    %run_scoped3A_530 = arith.constant 3 : i32
    %run_scoped3A_531 = arith.constant 9 : i32
    "tpu.region"() ({
      %run_scoped3A_781 = tpu.sem_alloc : memref<!tpu.dma_semaphore, #tpu.memory_space<semaphore_mem>>
      %dma_start3A_782 = arith.constant 0 : i32
      %dma_start3A_783 = arith.constant 0 : i32
      %dma_start3A_784 = tpu.memref_slice %arg5[%run_scoped3A_530, %dma_start3A_782, %dma_start3A_783] : memref<4x128x16xf32, #tpu.memory_space<vmem>> -> memref<1x128x16xf32, #tpu.memory_space<vmem>>
      %dma_start3A_785 = tpu.memref_squeeze %dma_start3A_784 : memref<1x128x16xf32, #tpu.memory_space<vmem>> -> memref<128x16xf32, #tpu.memory_space<vmem>>
      %dma_start3A_786 = arith.constant 0 : i32
      %dma_start3A_787 = tpu.memref_slice %arg6[%run_scoped3A_531, %dma_start3A_786] : memref<15x128xi32, #tpu.memory_space<vmem>> -> memref<1x128xi32, #tpu.memory_space<vmem>>
      %dma_start3A_788 = tpu.memref_squeeze %dma_start3A_787 : memref<1x128xi32, #tpu.memory_space<vmem>> -> memref<128xi32, #tpu.memory_space<vmem>>
      %dma_start3A_789 = arith.constant 0 : i32
      %dma_start3A_790 = arith.constant 0 : i32
      %dma_start3A_791 = tpu.memref_slice %arg8[%dma_start3A_789, %dma_start3A_790] : memref<10240x16xf32, #tpu.memory_space<vmem_shared>> -> memref<10240x16xf32, #tpu.memory_space<vmem_shared>>
      tpu.enqueue_indirect_dma source(%dma_start3A_785 : memref<128x16xf32, #tpu.memory_space<vmem>>) target(%dma_start3A_791 : memref<10240x16xf32, #tpu.memory_space<vmem_shared>>) offsets(%dma_start3A_788 : memref<128xi32, #tpu.memory_space<vmem>>) semaphore(%run_scoped3A_781 : memref<!tpu.dma_semaphore, #tpu.memory_space<semaphore_mem>>) {add = true}
      %dma_wait3A_792 = arith.constant 0 : i32
      %dma_wait3A_793 = arith.constant 0 : i32
      %dma_wait3A_794 = tpu.memref_slice %arg5[%run_scoped3A_530, %dma_wait3A_792, %dma_wait3A_793] : memref<4x128x16xf32, #tpu.memory_space<vmem>> -> memref<1x128x16xf32, #tpu.memory_space<vmem>>
      %dma_wait3A_795 = tpu.memref_squeeze %dma_wait3A_794 : memref<1x128x16xf32, #tpu.memory_space<vmem>> -> memref<128x16xf32, #tpu.memory_space<vmem>>
      %dma_wait3A_796 = arith.constant 0 : i32
      %dma_wait3A_797 = tpu.memref_slice %arg6[%run_scoped3A_531, %dma_wait3A_796] : memref<15x128xi32, #tpu.memory_space<vmem>> -> memref<1x128xi32, #tpu.memory_space<vmem>>
      %dma_wait3A_798 = tpu.memref_squeeze %dma_wait3A_797 : memref<1x128xi32, #tpu.memory_space<vmem>> -> memref<128xi32, #tpu.memory_space<vmem>>
      %dma_wait3A_799 = arith.constant 0 : i32
      %dma_wait3A_800 = arith.constant 0 : i32
      %dma_wait3A_801 = tpu.memref_slice %arg8[%dma_wait3A_799, %dma_wait3A_800] : memref<10240x16xf32, #tpu.memory_space<vmem_shared>> -> memref<10240x16xf32, #tpu.memory_space<vmem_shared>>
      tpu.wait_indirect_dma semaphore(%run_scoped3A_781 : memref<!tpu.dma_semaphore, #tpu.memory_space<semaphore_mem>>) src(%dma_wait3A_795 : memref<128x16xf32, #tpu.memory_space<vmem>>) dst(%dma_wait3A_801 : memref<10240x16xf32, #tpu.memory_space<vmem_shared>>)
      tpu.yield
    }) : () -> ()
    %dma_start3A_532 = arith.constant 6 : i32
    %dma_start3A_533 = arith.constant 1 : i32
    %dma_start3A_534 = arith.constant 0 : i32
    %dma_start3A_535 = arith.constant 0 : i32
    %dma_start3A_536 = tpu.memref_slice %arg5[%dma_start3A_533, %dma_start3A_534, %dma_start3A_535] : memref<4x128x16xf32, #tpu.memory_space<vmem>> -> memref<1x128x16xf32, #tpu.memory_space<vmem>>
    %dma_start3A_537 = tpu.memref_squeeze %dma_start3A_536 : memref<1x128x16xf32, #tpu.memory_space<vmem>> -> memref<128x16xf32, #tpu.memory_space<vmem>>
    %dma_start3A_538 = arith.constant 0 : i32
    %dma_start3A_539 = tpu.memref_slice %arg6[%dma_start3A_532, %dma_start3A_538] : memref<15x128xi32, #tpu.memory_space<vmem>> -> memref<1x128xi32, #tpu.memory_space<vmem>>
    %dma_start3A_540 = tpu.memref_squeeze %dma_start3A_539 : memref<1x128xi32, #tpu.memory_space<vmem>> -> memref<128xi32, #tpu.memory_space<vmem>>
    %dma_start3A_541 = arith.constant 0 : i32
    %dma_start3A_542 = arith.constant 0 : i32
    %dma_start3A_543 = tpu.memref_slice %arg7[%dma_start3A_541, %dma_start3A_542] : memref<10240x16xf32, #tpu.memory_space<vmem_shared>> -> memref<10240x16xf32, #tpu.memory_space<vmem_shared>>
    tpu.enqueue_indirect_dma source(%dma_start3A_543 : memref<10240x16xf32, #tpu.memory_space<vmem_shared>>) target(%dma_start3A_537 : memref<128x16xf32, #tpu.memory_space<vmem>>) offsets(%dma_start3A_540 : memref<128xi32, #tpu.memory_space<vmem>>) semaphore(%arg10 : memref<!tpu.dma_semaphore, #tpu.memory_space<semaphore_mem>>)
    %dma_wait3A_544 = arith.constant 5 : i32
    %dma_wait3A_545 = arith.constant 0 : i32
    %dma_wait3A_546 = arith.constant 0 : i32
    %dma_wait3A_547 = arith.constant 0 : i32
    %dma_wait3A_548 = tpu.memref_slice %arg5[%dma_wait3A_545, %dma_wait3A_546, %dma_wait3A_547] : memref<4x128x16xf32, #tpu.memory_space<vmem>> -> memref<1x128x16xf32, #tpu.memory_space<vmem>>
    %dma_wait3A_549 = tpu.memref_squeeze %dma_wait3A_548 : memref<1x128x16xf32, #tpu.memory_space<vmem>> -> memref<128x16xf32, #tpu.memory_space<vmem>>
    %dma_wait3A_550 = arith.constant 0 : i32
    %dma_wait3A_551 = tpu.memref_slice %arg6[%dma_wait3A_544, %dma_wait3A_550] : memref<15x128xi32, #tpu.memory_space<vmem>> -> memref<1x128xi32, #tpu.memory_space<vmem>>
    %dma_wait3A_552 = tpu.memref_squeeze %dma_wait3A_551 : memref<1x128xi32, #tpu.memory_space<vmem>> -> memref<128xi32, #tpu.memory_space<vmem>>
    %dma_wait3A_553 = arith.constant 0 : i32
    %dma_wait3A_554 = arith.constant 0 : i32
    %dma_wait3A_555 = tpu.memref_slice %arg7[%dma_wait3A_553, %dma_wait3A_554] : memref<10240x16xf32, #tpu.memory_space<vmem_shared>> -> memref<10240x16xf32, #tpu.memory_space<vmem_shared>>
    tpu.wait_indirect_dma semaphore(%arg9 : memref<!tpu.dma_semaphore, #tpu.memory_space<semaphore_mem>>) src(%dma_wait3A_555 : memref<10240x16xf32, #tpu.memory_space<vmem_shared>>) dst(%dma_wait3A_549 : memref<128x16xf32, #tpu.memory_space<vmem>>)
    %run_scoped3A_556 = arith.constant 0 : i32
    %run_scoped3A_557 = arith.constant 10 : i32
    "tpu.region"() ({
      %run_scoped3A_781 = tpu.sem_alloc : memref<!tpu.dma_semaphore, #tpu.memory_space<semaphore_mem>>
      %dma_start3A_782 = arith.constant 0 : i32
      %dma_start3A_783 = arith.constant 0 : i32
      %dma_start3A_784 = tpu.memref_slice %arg5[%run_scoped3A_556, %dma_start3A_782, %dma_start3A_783] : memref<4x128x16xf32, #tpu.memory_space<vmem>> -> memref<1x128x16xf32, #tpu.memory_space<vmem>>
      %dma_start3A_785 = tpu.memref_squeeze %dma_start3A_784 : memref<1x128x16xf32, #tpu.memory_space<vmem>> -> memref<128x16xf32, #tpu.memory_space<vmem>>
      %dma_start3A_786 = arith.constant 0 : i32
      %dma_start3A_787 = tpu.memref_slice %arg6[%run_scoped3A_557, %dma_start3A_786] : memref<15x128xi32, #tpu.memory_space<vmem>> -> memref<1x128xi32, #tpu.memory_space<vmem>>
      %dma_start3A_788 = tpu.memref_squeeze %dma_start3A_787 : memref<1x128xi32, #tpu.memory_space<vmem>> -> memref<128xi32, #tpu.memory_space<vmem>>
      %dma_start3A_789 = arith.constant 0 : i32
      %dma_start3A_790 = arith.constant 0 : i32
      %dma_start3A_791 = tpu.memref_slice %arg8[%dma_start3A_789, %dma_start3A_790] : memref<10240x16xf32, #tpu.memory_space<vmem_shared>> -> memref<10240x16xf32, #tpu.memory_space<vmem_shared>>
      tpu.enqueue_indirect_dma source(%dma_start3A_785 : memref<128x16xf32, #tpu.memory_space<vmem>>) target(%dma_start3A_791 : memref<10240x16xf32, #tpu.memory_space<vmem_shared>>) offsets(%dma_start3A_788 : memref<128xi32, #tpu.memory_space<vmem>>) semaphore(%run_scoped3A_781 : memref<!tpu.dma_semaphore, #tpu.memory_space<semaphore_mem>>) {add = true}
      %dma_wait3A_792 = arith.constant 0 : i32
      %dma_wait3A_793 = arith.constant 0 : i32
      %dma_wait3A_794 = tpu.memref_slice %arg5[%run_scoped3A_556, %dma_wait3A_792, %dma_wait3A_793] : memref<4x128x16xf32, #tpu.memory_space<vmem>> -> memref<1x128x16xf32, #tpu.memory_space<vmem>>
      %dma_wait3A_795 = tpu.memref_squeeze %dma_wait3A_794 : memref<1x128x16xf32, #tpu.memory_space<vmem>> -> memref<128x16xf32, #tpu.memory_space<vmem>>
      %dma_wait3A_796 = arith.constant 0 : i32
      %dma_wait3A_797 = tpu.memref_slice %arg6[%run_scoped3A_557, %dma_wait3A_796] : memref<15x128xi32, #tpu.memory_space<vmem>> -> memref<1x128xi32, #tpu.memory_space<vmem>>
      %dma_wait3A_798 = tpu.memref_squeeze %dma_wait3A_797 : memref<1x128xi32, #tpu.memory_space<vmem>> -> memref<128xi32, #tpu.memory_space<vmem>>
      %dma_wait3A_799 = arith.constant 0 : i32
      %dma_wait3A_800 = arith.constant 0 : i32
      %dma_wait3A_801 = tpu.memref_slice %arg8[%dma_wait3A_799, %dma_wait3A_800] : memref<10240x16xf32, #tpu.memory_space<vmem_shared>> -> memref<10240x16xf32, #tpu.memory_space<vmem_shared>>
      tpu.wait_indirect_dma semaphore(%run_scoped3A_781 : memref<!tpu.dma_semaphore, #tpu.memory_space<semaphore_mem>>) src(%dma_wait3A_795 : memref<128x16xf32, #tpu.memory_space<vmem>>) dst(%dma_wait3A_801 : memref<10240x16xf32, #tpu.memory_space<vmem_shared>>)
      tpu.yield
    }) : () -> ()
    %dma_start3A_558 = arith.constant 7 : i32
    %dma_start3A_559 = arith.constant 2 : i32
    %dma_start3A_560 = arith.constant 0 : i32
    %dma_start3A_561 = arith.constant 0 : i32
    %dma_start3A_562 = tpu.memref_slice %arg5[%dma_start3A_559, %dma_start3A_560, %dma_start3A_561] : memref<4x128x16xf32, #tpu.memory_space<vmem>> -> memref<1x128x16xf32, #tpu.memory_space<vmem>>
    %dma_start3A_563 = tpu.memref_squeeze %dma_start3A_562 : memref<1x128x16xf32, #tpu.memory_space<vmem>> -> memref<128x16xf32, #tpu.memory_space<vmem>>
    %dma_start3A_564 = arith.constant 0 : i32
    %dma_start3A_565 = tpu.memref_slice %arg6[%dma_start3A_558, %dma_start3A_564] : memref<15x128xi32, #tpu.memory_space<vmem>> -> memref<1x128xi32, #tpu.memory_space<vmem>>
    %dma_start3A_566 = tpu.memref_squeeze %dma_start3A_565 : memref<1x128xi32, #tpu.memory_space<vmem>> -> memref<128xi32, #tpu.memory_space<vmem>>
    %dma_start3A_567 = arith.constant 0 : i32
    %dma_start3A_568 = arith.constant 0 : i32
    %dma_start3A_569 = tpu.memref_slice %arg7[%dma_start3A_567, %dma_start3A_568] : memref<10240x16xf32, #tpu.memory_space<vmem_shared>> -> memref<10240x16xf32, #tpu.memory_space<vmem_shared>>
    tpu.enqueue_indirect_dma source(%dma_start3A_569 : memref<10240x16xf32, #tpu.memory_space<vmem_shared>>) target(%dma_start3A_563 : memref<128x16xf32, #tpu.memory_space<vmem>>) offsets(%dma_start3A_566 : memref<128xi32, #tpu.memory_space<vmem>>) semaphore(%arg9 : memref<!tpu.dma_semaphore, #tpu.memory_space<semaphore_mem>>)
    %dma_wait3A_570 = arith.constant 6 : i32
    %dma_wait3A_571 = arith.constant 1 : i32
    %dma_wait3A_572 = arith.constant 0 : i32
    %dma_wait3A_573 = arith.constant 0 : i32
    %dma_wait3A_574 = tpu.memref_slice %arg5[%dma_wait3A_571, %dma_wait3A_572, %dma_wait3A_573] : memref<4x128x16xf32, #tpu.memory_space<vmem>> -> memref<1x128x16xf32, #tpu.memory_space<vmem>>
    %dma_wait3A_575 = tpu.memref_squeeze %dma_wait3A_574 : memref<1x128x16xf32, #tpu.memory_space<vmem>> -> memref<128x16xf32, #tpu.memory_space<vmem>>
    %dma_wait3A_576 = arith.constant 0 : i32
    %dma_wait3A_577 = tpu.memref_slice %arg6[%dma_wait3A_570, %dma_wait3A_576] : memref<15x128xi32, #tpu.memory_space<vmem>> -> memref<1x128xi32, #tpu.memory_space<vmem>>
    %dma_wait3A_578 = tpu.memref_squeeze %dma_wait3A_577 : memref<1x128xi32, #tpu.memory_space<vmem>> -> memref<128xi32, #tpu.memory_space<vmem>>
    %dma_wait3A_579 = arith.constant 0 : i32
    %dma_wait3A_580 = arith.constant 0 : i32
    %dma_wait3A_581 = tpu.memref_slice %arg7[%dma_wait3A_579, %dma_wait3A_580] : memref<10240x16xf32, #tpu.memory_space<vmem_shared>> -> memref<10240x16xf32, #tpu.memory_space<vmem_shared>>
    tpu.wait_indirect_dma semaphore(%arg10 : memref<!tpu.dma_semaphore, #tpu.memory_space<semaphore_mem>>) src(%dma_wait3A_581 : memref<10240x16xf32, #tpu.memory_space<vmem_shared>>) dst(%dma_wait3A_575 : memref<128x16xf32, #tpu.memory_space<vmem>>)
    %run_scoped3A_582 = arith.constant 1 : i32
    %run_scoped3A_583 = arith.constant 11 : i32
    "tpu.region"() ({
      %run_scoped3A_781 = tpu.sem_alloc : memref<!tpu.dma_semaphore, #tpu.memory_space<semaphore_mem>>
      %dma_start3A_782 = arith.constant 0 : i32
      %dma_start3A_783 = arith.constant 0 : i32
      %dma_start3A_784 = tpu.memref_slice %arg5[%run_scoped3A_582, %dma_start3A_782, %dma_start3A_783] : memref<4x128x16xf32, #tpu.memory_space<vmem>> -> memref<1x128x16xf32, #tpu.memory_space<vmem>>
      %dma_start3A_785 = tpu.memref_squeeze %dma_start3A_784 : memref<1x128x16xf32, #tpu.memory_space<vmem>> -> memref<128x16xf32, #tpu.memory_space<vmem>>
      %dma_start3A_786 = arith.constant 0 : i32
      %dma_start3A_787 = tpu.memref_slice %arg6[%run_scoped3A_583, %dma_start3A_786] : memref<15x128xi32, #tpu.memory_space<vmem>> -> memref<1x128xi32, #tpu.memory_space<vmem>>
      %dma_start3A_788 = tpu.memref_squeeze %dma_start3A_787 : memref<1x128xi32, #tpu.memory_space<vmem>> -> memref<128xi32, #tpu.memory_space<vmem>>
      %dma_start3A_789 = arith.constant 0 : i32
      %dma_start3A_790 = arith.constant 0 : i32
      %dma_start3A_791 = tpu.memref_slice %arg8[%dma_start3A_789, %dma_start3A_790] : memref<10240x16xf32, #tpu.memory_space<vmem_shared>> -> memref<10240x16xf32, #tpu.memory_space<vmem_shared>>
      tpu.enqueue_indirect_dma source(%dma_start3A_785 : memref<128x16xf32, #tpu.memory_space<vmem>>) target(%dma_start3A_791 : memref<10240x16xf32, #tpu.memory_space<vmem_shared>>) offsets(%dma_start3A_788 : memref<128xi32, #tpu.memory_space<vmem>>) semaphore(%run_scoped3A_781 : memref<!tpu.dma_semaphore, #tpu.memory_space<semaphore_mem>>) {add = true}
      %dma_wait3A_792 = arith.constant 0 : i32
      %dma_wait3A_793 = arith.constant 0 : i32
      %dma_wait3A_794 = tpu.memref_slice %arg5[%run_scoped3A_582, %dma_wait3A_792, %dma_wait3A_793] : memref<4x128x16xf32, #tpu.memory_space<vmem>> -> memref<1x128x16xf32, #tpu.memory_space<vmem>>
      %dma_wait3A_795 = tpu.memref_squeeze %dma_wait3A_794 : memref<1x128x16xf32, #tpu.memory_space<vmem>> -> memref<128x16xf32, #tpu.memory_space<vmem>>
      %dma_wait3A_796 = arith.constant 0 : i32
      %dma_wait3A_797 = tpu.memref_slice %arg6[%run_scoped3A_583, %dma_wait3A_796] : memref<15x128xi32, #tpu.memory_space<vmem>> -> memref<1x128xi32, #tpu.memory_space<vmem>>
      %dma_wait3A_798 = tpu.memref_squeeze %dma_wait3A_797 : memref<1x128xi32, #tpu.memory_space<vmem>> -> memref<128xi32, #tpu.memory_space<vmem>>
      %dma_wait3A_799 = arith.constant 0 : i32
      %dma_wait3A_800 = arith.constant 0 : i32
      %dma_wait3A_801 = tpu.memref_slice %arg8[%dma_wait3A_799, %dma_wait3A_800] : memref<10240x16xf32, #tpu.memory_space<vmem_shared>> -> memref<10240x16xf32, #tpu.memory_space<vmem_shared>>
      tpu.wait_indirect_dma semaphore(%run_scoped3A_781 : memref<!tpu.dma_semaphore, #tpu.memory_space<semaphore_mem>>) src(%dma_wait3A_795 : memref<128x16xf32, #tpu.memory_space<vmem>>) dst(%dma_wait3A_801 : memref<10240x16xf32, #tpu.memory_space<vmem_shared>>)
      tpu.yield
    }) : () -> ()
    %dma_start3A_584 = arith.constant 8 : i32
    %dma_start3A_585 = arith.constant 3 : i32
    %dma_start3A_586 = arith.constant 0 : i32
    %dma_start3A_587 = arith.constant 0 : i32
    %dma_start3A_588 = tpu.memref_slice %arg5[%dma_start3A_585, %dma_start3A_586, %dma_start3A_587] : memref<4x128x16xf32, #tpu.memory_space<vmem>> -> memref<1x128x16xf32, #tpu.memory_space<vmem>>
    %dma_start3A_589 = tpu.memref_squeeze %dma_start3A_588 : memref<1x128x16xf32, #tpu.memory_space<vmem>> -> memref<128x16xf32, #tpu.memory_space<vmem>>
    %dma_start3A_590 = arith.constant 0 : i32
    %dma_start3A_591 = tpu.memref_slice %arg6[%dma_start3A_584, %dma_start3A_590] : memref<15x128xi32, #tpu.memory_space<vmem>> -> memref<1x128xi32, #tpu.memory_space<vmem>>
    %dma_start3A_592 = tpu.memref_squeeze %dma_start3A_591 : memref<1x128xi32, #tpu.memory_space<vmem>> -> memref<128xi32, #tpu.memory_space<vmem>>
    %dma_start3A_593 = arith.constant 0 : i32
    %dma_start3A_594 = arith.constant 0 : i32
    %dma_start3A_595 = tpu.memref_slice %arg7[%dma_start3A_593, %dma_start3A_594] : memref<10240x16xf32, #tpu.memory_space<vmem_shared>> -> memref<10240x16xf32, #tpu.memory_space<vmem_shared>>
    tpu.enqueue_indirect_dma source(%dma_start3A_595 : memref<10240x16xf32, #tpu.memory_space<vmem_shared>>) target(%dma_start3A_589 : memref<128x16xf32, #tpu.memory_space<vmem>>) offsets(%dma_start3A_592 : memref<128xi32, #tpu.memory_space<vmem>>) semaphore(%arg10 : memref<!tpu.dma_semaphore, #tpu.memory_space<semaphore_mem>>)
    %dma_wait3A_596 = arith.constant 7 : i32
    %dma_wait3A_597 = arith.constant 2 : i32
    %dma_wait3A_598 = arith.constant 0 : i32
    %dma_wait3A_599 = arith.constant 0 : i32
    %dma_wait3A_600 = tpu.memref_slice %arg5[%dma_wait3A_597, %dma_wait3A_598, %dma_wait3A_599] : memref<4x128x16xf32, #tpu.memory_space<vmem>> -> memref<1x128x16xf32, #tpu.memory_space<vmem>>
    %dma_wait3A_601 = tpu.memref_squeeze %dma_wait3A_600 : memref<1x128x16xf32, #tpu.memory_space<vmem>> -> memref<128x16xf32, #tpu.memory_space<vmem>>
    %dma_wait3A_602 = arith.constant 0 : i32
    %dma_wait3A_603 = tpu.memref_slice %arg6[%dma_wait3A_596, %dma_wait3A_602] : memref<15x128xi32, #tpu.memory_space<vmem>> -> memref<1x128xi32, #tpu.memory_space<vmem>>
    %dma_wait3A_604 = tpu.memref_squeeze %dma_wait3A_603 : memref<1x128xi32, #tpu.memory_space<vmem>> -> memref<128xi32, #tpu.memory_space<vmem>>
    %dma_wait3A_605 = arith.constant 0 : i32
    %dma_wait3A_606 = arith.constant 0 : i32
    %dma_wait3A_607 = tpu.memref_slice %arg7[%dma_wait3A_605, %dma_wait3A_606] : memref<10240x16xf32, #tpu.memory_space<vmem_shared>> -> memref<10240x16xf32, #tpu.memory_space<vmem_shared>>
    tpu.wait_indirect_dma semaphore(%arg9 : memref<!tpu.dma_semaphore, #tpu.memory_space<semaphore_mem>>) src(%dma_wait3A_607 : memref<10240x16xf32, #tpu.memory_space<vmem_shared>>) dst(%dma_wait3A_601 : memref<128x16xf32, #tpu.memory_space<vmem>>)
    %run_scoped3A_608 = arith.constant 2 : i32
    %run_scoped3A_609 = arith.constant 12 : i32
    "tpu.region"() ({
      %run_scoped3A_781 = tpu.sem_alloc : memref<!tpu.dma_semaphore, #tpu.memory_space<semaphore_mem>>
      %dma_start3A_782 = arith.constant 0 : i32
      %dma_start3A_783 = arith.constant 0 : i32
      %dma_start3A_784 = tpu.memref_slice %arg5[%run_scoped3A_608, %dma_start3A_782, %dma_start3A_783] : memref<4x128x16xf32, #tpu.memory_space<vmem>> -> memref<1x128x16xf32, #tpu.memory_space<vmem>>
      %dma_start3A_785 = tpu.memref_squeeze %dma_start3A_784 : memref<1x128x16xf32, #tpu.memory_space<vmem>> -> memref<128x16xf32, #tpu.memory_space<vmem>>
      %dma_start3A_786 = arith.constant 0 : i32
      %dma_start3A_787 = tpu.memref_slice %arg6[%run_scoped3A_609, %dma_start3A_786] : memref<15x128xi32, #tpu.memory_space<vmem>> -> memref<1x128xi32, #tpu.memory_space<vmem>>
      %dma_start3A_788 = tpu.memref_squeeze %dma_start3A_787 : memref<1x128xi32, #tpu.memory_space<vmem>> -> memref<128xi32, #tpu.memory_space<vmem>>
      %dma_start3A_789 = arith.constant 0 : i32
      %dma_start3A_790 = arith.constant 0 : i32
      %dma_start3A_791 = tpu.memref_slice %arg8[%dma_start3A_789, %dma_start3A_790] : memref<10240x16xf32, #tpu.memory_space<vmem_shared>> -> memref<10240x16xf32, #tpu.memory_space<vmem_shared>>
      tpu.enqueue_indirect_dma source(%dma_start3A_785 : memref<128x16xf32, #tpu.memory_space<vmem>>) target(%dma_start3A_791 : memref<10240x16xf32, #tpu.memory_space<vmem_shared>>) offsets(%dma_start3A_788 : memref<128xi32, #tpu.memory_space<vmem>>) semaphore(%run_scoped3A_781 : memref<!tpu.dma_semaphore, #tpu.memory_space<semaphore_mem>>) {add = true}
      %dma_wait3A_792 = arith.constant 0 : i32
      %dma_wait3A_793 = arith.constant 0 : i32
      %dma_wait3A_794 = tpu.memref_slice %arg5[%run_scoped3A_608, %dma_wait3A_792, %dma_wait3A_793] : memref<4x128x16xf32, #tpu.memory_space<vmem>> -> memref<1x128x16xf32, #tpu.memory_space<vmem>>
      %dma_wait3A_795 = tpu.memref_squeeze %dma_wait3A_794 : memref<1x128x16xf32, #tpu.memory_space<vmem>> -> memref<128x16xf32, #tpu.memory_space<vmem>>
      %dma_wait3A_796 = arith.constant 0 : i32
      %dma_wait3A_797 = tpu.memref_slice %arg6[%run_scoped3A_609, %dma_wait3A_796] : memref<15x128xi32, #tpu.memory_space<vmem>> -> memref<1x128xi32, #tpu.memory_space<vmem>>
      %dma_wait3A_798 = tpu.memref_squeeze %dma_wait3A_797 : memref<1x128xi32, #tpu.memory_space<vmem>> -> memref<128xi32, #tpu.memory_space<vmem>>
      %dma_wait3A_799 = arith.constant 0 : i32
      %dma_wait3A_800 = arith.constant 0 : i32
      %dma_wait3A_801 = tpu.memref_slice %arg8[%dma_wait3A_799, %dma_wait3A_800] : memref<10240x16xf32, #tpu.memory_space<vmem_shared>> -> memref<10240x16xf32, #tpu.memory_space<vmem_shared>>
      tpu.wait_indirect_dma semaphore(%run_scoped3A_781 : memref<!tpu.dma_semaphore, #tpu.memory_space<semaphore_mem>>) src(%dma_wait3A_795 : memref<128x16xf32, #tpu.memory_space<vmem>>) dst(%dma_wait3A_801 : memref<10240x16xf32, #tpu.memory_space<vmem_shared>>)
      tpu.yield
    }) : () -> ()
    %dma_start3A_610 = arith.constant 9 : i32
    %dma_start3A_611 = arith.constant 0 : i32
    %dma_start3A_612 = arith.constant 0 : i32
    %dma_start3A_613 = arith.constant 0 : i32
    %dma_start3A_614 = tpu.memref_slice %arg5[%dma_start3A_611, %dma_start3A_612, %dma_start3A_613] : memref<4x128x16xf32, #tpu.memory_space<vmem>> -> memref<1x128x16xf32, #tpu.memory_space<vmem>>
    %dma_start3A_615 = tpu.memref_squeeze %dma_start3A_614 : memref<1x128x16xf32, #tpu.memory_space<vmem>> -> memref<128x16xf32, #tpu.memory_space<vmem>>
    %dma_start3A_616 = arith.constant 0 : i32
    %dma_start3A_617 = tpu.memref_slice %arg6[%dma_start3A_610, %dma_start3A_616] : memref<15x128xi32, #tpu.memory_space<vmem>> -> memref<1x128xi32, #tpu.memory_space<vmem>>
    %dma_start3A_618 = tpu.memref_squeeze %dma_start3A_617 : memref<1x128xi32, #tpu.memory_space<vmem>> -> memref<128xi32, #tpu.memory_space<vmem>>
    %dma_start3A_619 = arith.constant 0 : i32
    %dma_start3A_620 = arith.constant 0 : i32
    %dma_start3A_621 = tpu.memref_slice %arg7[%dma_start3A_619, %dma_start3A_620] : memref<10240x16xf32, #tpu.memory_space<vmem_shared>> -> memref<10240x16xf32, #tpu.memory_space<vmem_shared>>
    tpu.enqueue_indirect_dma source(%dma_start3A_621 : memref<10240x16xf32, #tpu.memory_space<vmem_shared>>) target(%dma_start3A_615 : memref<128x16xf32, #tpu.memory_space<vmem>>) offsets(%dma_start3A_618 : memref<128xi32, #tpu.memory_space<vmem>>) semaphore(%arg9 : memref<!tpu.dma_semaphore, #tpu.memory_space<semaphore_mem>>)
    %dma_wait3A_622 = arith.constant 8 : i32
    %dma_wait3A_623 = arith.constant 3 : i32
    %dma_wait3A_624 = arith.constant 0 : i32
    %dma_wait3A_625 = arith.constant 0 : i32
    %dma_wait3A_626 = tpu.memref_slice %arg5[%dma_wait3A_623, %dma_wait3A_624, %dma_wait3A_625] : memref<4x128x16xf32, #tpu.memory_space<vmem>> -> memref<1x128x16xf32, #tpu.memory_space<vmem>>
    %dma_wait3A_627 = tpu.memref_squeeze %dma_wait3A_626 : memref<1x128x16xf32, #tpu.memory_space<vmem>> -> memref<128x16xf32, #tpu.memory_space<vmem>>
    %dma_wait3A_628 = arith.constant 0 : i32
    %dma_wait3A_629 = tpu.memref_slice %arg6[%dma_wait3A_622, %dma_wait3A_628] : memref<15x128xi32, #tpu.memory_space<vmem>> -> memref<1x128xi32, #tpu.memory_space<vmem>>
    %dma_wait3A_630 = tpu.memref_squeeze %dma_wait3A_629 : memref<1x128xi32, #tpu.memory_space<vmem>> -> memref<128xi32, #tpu.memory_space<vmem>>
    %dma_wait3A_631 = arith.constant 0 : i32
    %dma_wait3A_632 = arith.constant 0 : i32
    %dma_wait3A_633 = tpu.memref_slice %arg7[%dma_wait3A_631, %dma_wait3A_632] : memref<10240x16xf32, #tpu.memory_space<vmem_shared>> -> memref<10240x16xf32, #tpu.memory_space<vmem_shared>>
    tpu.wait_indirect_dma semaphore(%arg10 : memref<!tpu.dma_semaphore, #tpu.memory_space<semaphore_mem>>) src(%dma_wait3A_633 : memref<10240x16xf32, #tpu.memory_space<vmem_shared>>) dst(%dma_wait3A_627 : memref<128x16xf32, #tpu.memory_space<vmem>>)
    %run_scoped3A_634 = arith.constant 3 : i32
    %run_scoped3A_635 = arith.constant 13 : i32
    "tpu.region"() ({
      %run_scoped3A_781 = tpu.sem_alloc : memref<!tpu.dma_semaphore, #tpu.memory_space<semaphore_mem>>
      %dma_start3A_782 = arith.constant 0 : i32
      %dma_start3A_783 = arith.constant 0 : i32
      %dma_start3A_784 = tpu.memref_slice %arg5[%run_scoped3A_634, %dma_start3A_782, %dma_start3A_783] : memref<4x128x16xf32, #tpu.memory_space<vmem>> -> memref<1x128x16xf32, #tpu.memory_space<vmem>>
      %dma_start3A_785 = tpu.memref_squeeze %dma_start3A_784 : memref<1x128x16xf32, #tpu.memory_space<vmem>> -> memref<128x16xf32, #tpu.memory_space<vmem>>
      %dma_start3A_786 = arith.constant 0 : i32
      %dma_start3A_787 = tpu.memref_slice %arg6[%run_scoped3A_635, %dma_start3A_786] : memref<15x128xi32, #tpu.memory_space<vmem>> -> memref<1x128xi32, #tpu.memory_space<vmem>>
      %dma_start3A_788 = tpu.memref_squeeze %dma_start3A_787 : memref<1x128xi32, #tpu.memory_space<vmem>> -> memref<128xi32, #tpu.memory_space<vmem>>
      %dma_start3A_789 = arith.constant 0 : i32
      %dma_start3A_790 = arith.constant 0 : i32
      %dma_start3A_791 = tpu.memref_slice %arg8[%dma_start3A_789, %dma_start3A_790] : memref<10240x16xf32, #tpu.memory_space<vmem_shared>> -> memref<10240x16xf32, #tpu.memory_space<vmem_shared>>
      tpu.enqueue_indirect_dma source(%dma_start3A_785 : memref<128x16xf32, #tpu.memory_space<vmem>>) target(%dma_start3A_791 : memref<10240x16xf32, #tpu.memory_space<vmem_shared>>) offsets(%dma_start3A_788 : memref<128xi32, #tpu.memory_space<vmem>>) semaphore(%run_scoped3A_781 : memref<!tpu.dma_semaphore, #tpu.memory_space<semaphore_mem>>) {add = true}
      %dma_wait3A_792 = arith.constant 0 : i32
      %dma_wait3A_793 = arith.constant 0 : i32
      %dma_wait3A_794 = tpu.memref_slice %arg5[%run_scoped3A_634, %dma_wait3A_792, %dma_wait3A_793] : memref<4x128x16xf32, #tpu.memory_space<vmem>> -> memref<1x128x16xf32, #tpu.memory_space<vmem>>
      %dma_wait3A_795 = tpu.memref_squeeze %dma_wait3A_794 : memref<1x128x16xf32, #tpu.memory_space<vmem>> -> memref<128x16xf32, #tpu.memory_space<vmem>>
      %dma_wait3A_796 = arith.constant 0 : i32
      %dma_wait3A_797 = tpu.memref_slice %arg6[%run_scoped3A_635, %dma_wait3A_796] : memref<15x128xi32, #tpu.memory_space<vmem>> -> memref<1x128xi32, #tpu.memory_space<vmem>>
      %dma_wait3A_798 = tpu.memref_squeeze %dma_wait3A_797 : memref<1x128xi32, #tpu.memory_space<vmem>> -> memref<128xi32, #tpu.memory_space<vmem>>
      %dma_wait3A_799 = arith.constant 0 : i32
      %dma_wait3A_800 = arith.constant 0 : i32
      %dma_wait3A_801 = tpu.memref_slice %arg8[%dma_wait3A_799, %dma_wait3A_800] : memref<10240x16xf32, #tpu.memory_space<vmem_shared>> -> memref<10240x16xf32, #tpu.memory_space<vmem_shared>>
      tpu.wait_indirect_dma semaphore(%run_scoped3A_781 : memref<!tpu.dma_semaphore, #tpu.memory_space<semaphore_mem>>) src(%dma_wait3A_795 : memref<128x16xf32, #tpu.memory_space<vmem>>) dst(%dma_wait3A_801 : memref<10240x16xf32, #tpu.memory_space<vmem_shared>>)
      tpu.yield
    }) : () -> ()
    %dma_start3A_636 = arith.constant 10 : i32
    %dma_start3A_637 = arith.constant 1 : i32
    %dma_start3A_638 = arith.constant 0 : i32
    %dma_start3A_639 = arith.constant 0 : i32
    %dma_start3A_640 = tpu.memref_slice %arg5[%dma_start3A_637, %dma_start3A_638, %dma_start3A_639] : memref<4x128x16xf32, #tpu.memory_space<vmem>> -> memref<1x128x16xf32, #tpu.memory_space<vmem>>
    %dma_start3A_641 = tpu.memref_squeeze %dma_start3A_640 : memref<1x128x16xf32, #tpu.memory_space<vmem>> -> memref<128x16xf32, #tpu.memory_space<vmem>>
    %dma_start3A_642 = arith.constant 0 : i32
    %dma_start3A_643 = tpu.memref_slice %arg6[%dma_start3A_636, %dma_start3A_642] : memref<15x128xi32, #tpu.memory_space<vmem>> -> memref<1x128xi32, #tpu.memory_space<vmem>>
    %dma_start3A_644 = tpu.memref_squeeze %dma_start3A_643 : memref<1x128xi32, #tpu.memory_space<vmem>> -> memref<128xi32, #tpu.memory_space<vmem>>
    %dma_start3A_645 = arith.constant 0 : i32
    %dma_start3A_646 = arith.constant 0 : i32
    %dma_start3A_647 = tpu.memref_slice %arg7[%dma_start3A_645, %dma_start3A_646] : memref<10240x16xf32, #tpu.memory_space<vmem_shared>> -> memref<10240x16xf32, #tpu.memory_space<vmem_shared>>
    tpu.enqueue_indirect_dma source(%dma_start3A_647 : memref<10240x16xf32, #tpu.memory_space<vmem_shared>>) target(%dma_start3A_641 : memref<128x16xf32, #tpu.memory_space<vmem>>) offsets(%dma_start3A_644 : memref<128xi32, #tpu.memory_space<vmem>>) semaphore(%arg10 : memref<!tpu.dma_semaphore, #tpu.memory_space<semaphore_mem>>)
    %dma_wait3A_648 = arith.constant 9 : i32
    %dma_wait3A_649 = arith.constant 0 : i32
    %dma_wait3A_650 = arith.constant 0 : i32
    %dma_wait3A_651 = arith.constant 0 : i32
    %dma_wait3A_652 = tpu.memref_slice %arg5[%dma_wait3A_649, %dma_wait3A_650, %dma_wait3A_651] : memref<4x128x16xf32, #tpu.memory_space<vmem>> -> memref<1x128x16xf32, #tpu.memory_space<vmem>>
    %dma_wait3A_653 = tpu.memref_squeeze %dma_wait3A_652 : memref<1x128x16xf32, #tpu.memory_space<vmem>> -> memref<128x16xf32, #tpu.memory_space<vmem>>
    %dma_wait3A_654 = arith.constant 0 : i32
    %dma_wait3A_655 = tpu.memref_slice %arg6[%dma_wait3A_648, %dma_wait3A_654] : memref<15x128xi32, #tpu.memory_space<vmem>> -> memref<1x128xi32, #tpu.memory_space<vmem>>
    %dma_wait3A_656 = tpu.memref_squeeze %dma_wait3A_655 : memref<1x128xi32, #tpu.memory_space<vmem>> -> memref<128xi32, #tpu.memory_space<vmem>>
    %dma_wait3A_657 = arith.constant 0 : i32
    %dma_wait3A_658 = arith.constant 0 : i32
    %dma_wait3A_659 = tpu.memref_slice %arg7[%dma_wait3A_657, %dma_wait3A_658] : memref<10240x16xf32, #tpu.memory_space<vmem_shared>> -> memref<10240x16xf32, #tpu.memory_space<vmem_shared>>
    tpu.wait_indirect_dma semaphore(%arg9 : memref<!tpu.dma_semaphore, #tpu.memory_space<semaphore_mem>>) src(%dma_wait3A_659 : memref<10240x16xf32, #tpu.memory_space<vmem_shared>>) dst(%dma_wait3A_653 : memref<128x16xf32, #tpu.memory_space<vmem>>)
    %run_scoped3A_660 = arith.constant 0 : i32
    %run_scoped3A_661 = arith.constant 14 : i32
    "tpu.region"() ({
      %run_scoped3A_781 = tpu.sem_alloc : memref<!tpu.dma_semaphore, #tpu.memory_space<semaphore_mem>>
      %dma_start3A_782 = arith.constant 0 : i32
      %dma_start3A_783 = arith.constant 0 : i32
      %dma_start3A_784 = tpu.memref_slice %arg5[%run_scoped3A_660, %dma_start3A_782, %dma_start3A_783] : memref<4x128x16xf32, #tpu.memory_space<vmem>> -> memref<1x128x16xf32, #tpu.memory_space<vmem>>
      %dma_start3A_785 = tpu.memref_squeeze %dma_start3A_784 : memref<1x128x16xf32, #tpu.memory_space<vmem>> -> memref<128x16xf32, #tpu.memory_space<vmem>>
      %dma_start3A_786 = arith.constant 0 : i32
      %dma_start3A_787 = tpu.memref_slice %arg6[%run_scoped3A_661, %dma_start3A_786] : memref<15x128xi32, #tpu.memory_space<vmem>> -> memref<1x128xi32, #tpu.memory_space<vmem>>
      %dma_start3A_788 = tpu.memref_squeeze %dma_start3A_787 : memref<1x128xi32, #tpu.memory_space<vmem>> -> memref<128xi32, #tpu.memory_space<vmem>>
      %dma_start3A_789 = arith.constant 0 : i32
      %dma_start3A_790 = arith.constant 0 : i32
      %dma_start3A_791 = tpu.memref_slice %arg8[%dma_start3A_789, %dma_start3A_790] : memref<10240x16xf32, #tpu.memory_space<vmem_shared>> -> memref<10240x16xf32, #tpu.memory_space<vmem_shared>>
      tpu.enqueue_indirect_dma source(%dma_start3A_785 : memref<128x16xf32, #tpu.memory_space<vmem>>) target(%dma_start3A_791 : memref<10240x16xf32, #tpu.memory_space<vmem_shared>>) offsets(%dma_start3A_788 : memref<128xi32, #tpu.memory_space<vmem>>) semaphore(%run_scoped3A_781 : memref<!tpu.dma_semaphore, #tpu.memory_space<semaphore_mem>>) {add = true}
      %dma_wait3A_792 = arith.constant 0 : i32
      %dma_wait3A_793 = arith.constant 0 : i32
      %dma_wait3A_794 = tpu.memref_slice %arg5[%run_scoped3A_660, %dma_wait3A_792, %dma_wait3A_793] : memref<4x128x16xf32, #tpu.memory_space<vmem>> -> memref<1x128x16xf32, #tpu.memory_space<vmem>>
      %dma_wait3A_795 = tpu.memref_squeeze %dma_wait3A_794 : memref<1x128x16xf32, #tpu.memory_space<vmem>> -> memref<128x16xf32, #tpu.memory_space<vmem>>
      %dma_wait3A_796 = arith.constant 0 : i32
      %dma_wait3A_797 = tpu.memref_slice %arg6[%run_scoped3A_661, %dma_wait3A_796] : memref<15x128xi32, #tpu.memory_space<vmem>> -> memref<1x128xi32, #tpu.memory_space<vmem>>
      %dma_wait3A_798 = tpu.memref_squeeze %dma_wait3A_797 : memref<1x128xi32, #tpu.memory_space<vmem>> -> memref<128xi32, #tpu.memory_space<vmem>>
      %dma_wait3A_799 = arith.constant 0 : i32
      %dma_wait3A_800 = arith.constant 0 : i32
      %dma_wait3A_801 = tpu.memref_slice %arg8[%dma_wait3A_799, %dma_wait3A_800] : memref<10240x16xf32, #tpu.memory_space<vmem_shared>> -> memref<10240x16xf32, #tpu.memory_space<vmem_shared>>
      tpu.wait_indirect_dma semaphore(%run_scoped3A_781 : memref<!tpu.dma_semaphore, #tpu.memory_space<semaphore_mem>>) src(%dma_wait3A_795 : memref<128x16xf32, #tpu.memory_space<vmem>>) dst(%dma_wait3A_801 : memref<10240x16xf32, #tpu.memory_space<vmem_shared>>)
      tpu.yield
    }) : () -> ()
    %dma_start3A_662 = arith.constant 11 : i32
    %dma_start3A_663 = arith.constant 2 : i32
    %dma_start3A_664 = arith.constant 0 : i32
    %dma_start3A_665 = arith.constant 0 : i32
    %dma_start3A_666 = tpu.memref_slice %arg5[%dma_start3A_663, %dma_start3A_664, %dma_start3A_665] : memref<4x128x16xf32, #tpu.memory_space<vmem>> -> memref<1x128x16xf32, #tpu.memory_space<vmem>>
    %dma_start3A_667 = tpu.memref_squeeze %dma_start3A_666 : memref<1x128x16xf32, #tpu.memory_space<vmem>> -> memref<128x16xf32, #tpu.memory_space<vmem>>
    %dma_start3A_668 = arith.constant 0 : i32
    %dma_start3A_669 = tpu.memref_slice %arg6[%dma_start3A_662, %dma_start3A_668] : memref<15x128xi32, #tpu.memory_space<vmem>> -> memref<1x128xi32, #tpu.memory_space<vmem>>
    %dma_start3A_670 = tpu.memref_squeeze %dma_start3A_669 : memref<1x128xi32, #tpu.memory_space<vmem>> -> memref<128xi32, #tpu.memory_space<vmem>>
    %dma_start3A_671 = arith.constant 0 : i32
    %dma_start3A_672 = arith.constant 0 : i32
    %dma_start3A_673 = tpu.memref_slice %arg7[%dma_start3A_671, %dma_start3A_672] : memref<10240x16xf32, #tpu.memory_space<vmem_shared>> -> memref<10240x16xf32, #tpu.memory_space<vmem_shared>>
    tpu.enqueue_indirect_dma source(%dma_start3A_673 : memref<10240x16xf32, #tpu.memory_space<vmem_shared>>) target(%dma_start3A_667 : memref<128x16xf32, #tpu.memory_space<vmem>>) offsets(%dma_start3A_670 : memref<128xi32, #tpu.memory_space<vmem>>) semaphore(%arg9 : memref<!tpu.dma_semaphore, #tpu.memory_space<semaphore_mem>>)
    %dma_wait3A_674 = arith.constant 10 : i32
    %dma_wait3A_675 = arith.constant 1 : i32
    %dma_wait3A_676 = arith.constant 0 : i32
    %dma_wait3A_677 = arith.constant 0 : i32
    %dma_wait3A_678 = tpu.memref_slice %arg5[%dma_wait3A_675, %dma_wait3A_676, %dma_wait3A_677] : memref<4x128x16xf32, #tpu.memory_space<vmem>> -> memref<1x128x16xf32, #tpu.memory_space<vmem>>
    %dma_wait3A_679 = tpu.memref_squeeze %dma_wait3A_678 : memref<1x128x16xf32, #tpu.memory_space<vmem>> -> memref<128x16xf32, #tpu.memory_space<vmem>>
    %dma_wait3A_680 = arith.constant 0 : i32
    %dma_wait3A_681 = tpu.memref_slice %arg6[%dma_wait3A_674, %dma_wait3A_680] : memref<15x128xi32, #tpu.memory_space<vmem>> -> memref<1x128xi32, #tpu.memory_space<vmem>>
    %dma_wait3A_682 = tpu.memref_squeeze %dma_wait3A_681 : memref<1x128xi32, #tpu.memory_space<vmem>> -> memref<128xi32, #tpu.memory_space<vmem>>
    %dma_wait3A_683 = arith.constant 0 : i32
    %dma_wait3A_684 = arith.constant 0 : i32
    %dma_wait3A_685 = tpu.memref_slice %arg7[%dma_wait3A_683, %dma_wait3A_684] : memref<10240x16xf32, #tpu.memory_space<vmem_shared>> -> memref<10240x16xf32, #tpu.memory_space<vmem_shared>>
    tpu.wait_indirect_dma semaphore(%arg10 : memref<!tpu.dma_semaphore, #tpu.memory_space<semaphore_mem>>) src(%dma_wait3A_685 : memref<10240x16xf32, #tpu.memory_space<vmem_shared>>) dst(%dma_wait3A_679 : memref<128x16xf32, #tpu.memory_space<vmem>>)
    %run_scoped3A_686 = arith.constant 1 : i32
    %run_scoped3A_687 = arith.constant 0 : i32
    "tpu.region"() ({
      %run_scoped3A_781 = tpu.sem_alloc : memref<!tpu.dma_semaphore, #tpu.memory_space<semaphore_mem>>
      %dma_start3A_782 = arith.constant 0 : i32
      %dma_start3A_783 = arith.constant 0 : i32
      %dma_start3A_784 = tpu.memref_slice %arg5[%run_scoped3A_686, %dma_start3A_782, %dma_start3A_783] : memref<4x128x16xf32, #tpu.memory_space<vmem>> -> memref<1x128x16xf32, #tpu.memory_space<vmem>>
      %dma_start3A_785 = tpu.memref_squeeze %dma_start3A_784 : memref<1x128x16xf32, #tpu.memory_space<vmem>> -> memref<128x16xf32, #tpu.memory_space<vmem>>
      %dma_start3A_786 = arith.constant 0 : i32
      %dma_start3A_787 = tpu.memref_slice %arg6[%run_scoped3A_687, %dma_start3A_786] : memref<15x128xi32, #tpu.memory_space<vmem>> -> memref<1x128xi32, #tpu.memory_space<vmem>>
      %dma_start3A_788 = tpu.memref_squeeze %dma_start3A_787 : memref<1x128xi32, #tpu.memory_space<vmem>> -> memref<128xi32, #tpu.memory_space<vmem>>
      %dma_start3A_789 = arith.constant 0 : i32
      %dma_start3A_790 = arith.constant 0 : i32
      %dma_start3A_791 = tpu.memref_slice %arg8[%dma_start3A_789, %dma_start3A_790] : memref<10240x16xf32, #tpu.memory_space<vmem_shared>> -> memref<10240x16xf32, #tpu.memory_space<vmem_shared>>
      tpu.enqueue_indirect_dma source(%dma_start3A_785 : memref<128x16xf32, #tpu.memory_space<vmem>>) target(%dma_start3A_791 : memref<10240x16xf32, #tpu.memory_space<vmem_shared>>) offsets(%dma_start3A_788 : memref<128xi32, #tpu.memory_space<vmem>>) semaphore(%run_scoped3A_781 : memref<!tpu.dma_semaphore, #tpu.memory_space<semaphore_mem>>) {add = true}
      %dma_wait3A_792 = arith.constant 0 : i32
      %dma_wait3A_793 = arith.constant 0 : i32
      %dma_wait3A_794 = tpu.memref_slice %arg5[%run_scoped3A_686, %dma_wait3A_792, %dma_wait3A_793] : memref<4x128x16xf32, #tpu.memory_space<vmem>> -> memref<1x128x16xf32, #tpu.memory_space<vmem>>
      %dma_wait3A_795 = tpu.memref_squeeze %dma_wait3A_794 : memref<1x128x16xf32, #tpu.memory_space<vmem>> -> memref<128x16xf32, #tpu.memory_space<vmem>>
      %dma_wait3A_796 = arith.constant 0 : i32
      %dma_wait3A_797 = tpu.memref_slice %arg6[%run_scoped3A_687, %dma_wait3A_796] : memref<15x128xi32, #tpu.memory_space<vmem>> -> memref<1x128xi32, #tpu.memory_space<vmem>>
      %dma_wait3A_798 = tpu.memref_squeeze %dma_wait3A_797 : memref<1x128xi32, #tpu.memory_space<vmem>> -> memref<128xi32, #tpu.memory_space<vmem>>
      %dma_wait3A_799 = arith.constant 0 : i32
      %dma_wait3A_800 = arith.constant 0 : i32
      %dma_wait3A_801 = tpu.memref_slice %arg8[%dma_wait3A_799, %dma_wait3A_800] : memref<10240x16xf32, #tpu.memory_space<vmem_shared>> -> memref<10240x16xf32, #tpu.memory_space<vmem_shared>>
      tpu.wait_indirect_dma semaphore(%run_scoped3A_781 : memref<!tpu.dma_semaphore, #tpu.memory_space<semaphore_mem>>) src(%dma_wait3A_795 : memref<128x16xf32, #tpu.memory_space<vmem>>) dst(%dma_wait3A_801 : memref<10240x16xf32, #tpu.memory_space<vmem_shared>>)
      tpu.yield
    }) : () -> ()
    %dma_start3A_688 = arith.constant 12 : i32
    %dma_start3A_689 = arith.constant 3 : i32
    %dma_start3A_690 = arith.constant 0 : i32
    %dma_start3A_691 = arith.constant 0 : i32
    %dma_start3A_692 = tpu.memref_slice %arg5[%dma_start3A_689, %dma_start3A_690, %dma_start3A_691] : memref<4x128x16xf32, #tpu.memory_space<vmem>> -> memref<1x128x16xf32, #tpu.memory_space<vmem>>
    %dma_start3A_693 = tpu.memref_squeeze %dma_start3A_692 : memref<1x128x16xf32, #tpu.memory_space<vmem>> -> memref<128x16xf32, #tpu.memory_space<vmem>>
    %dma_start3A_694 = arith.constant 0 : i32
    %dma_start3A_695 = tpu.memref_slice %arg6[%dma_start3A_688, %dma_start3A_694] : memref<15x128xi32, #tpu.memory_space<vmem>> -> memref<1x128xi32, #tpu.memory_space<vmem>>
    %dma_start3A_696 = tpu.memref_squeeze %dma_start3A_695 : memref<1x128xi32, #tpu.memory_space<vmem>> -> memref<128xi32, #tpu.memory_space<vmem>>
    %dma_start3A_697 = arith.constant 0 : i32
    %dma_start3A_698 = arith.constant 0 : i32
    %dma_start3A_699 = tpu.memref_slice %arg7[%dma_start3A_697, %dma_start3A_698] : memref<10240x16xf32, #tpu.memory_space<vmem_shared>> -> memref<10240x16xf32, #tpu.memory_space<vmem_shared>>
    tpu.enqueue_indirect_dma source(%dma_start3A_699 : memref<10240x16xf32, #tpu.memory_space<vmem_shared>>) target(%dma_start3A_693 : memref<128x16xf32, #tpu.memory_space<vmem>>) offsets(%dma_start3A_696 : memref<128xi32, #tpu.memory_space<vmem>>) semaphore(%arg10 : memref<!tpu.dma_semaphore, #tpu.memory_space<semaphore_mem>>)
    %dma_wait3A_700 = arith.constant 11 : i32
    %dma_wait3A_701 = arith.constant 2 : i32
    %dma_wait3A_702 = arith.constant 0 : i32
    %dma_wait3A_703 = arith.constant 0 : i32
    %dma_wait3A_704 = tpu.memref_slice %arg5[%dma_wait3A_701, %dma_wait3A_702, %dma_wait3A_703] : memref<4x128x16xf32, #tpu.memory_space<vmem>> -> memref<1x128x16xf32, #tpu.memory_space<vmem>>
    %dma_wait3A_705 = tpu.memref_squeeze %dma_wait3A_704 : memref<1x128x16xf32, #tpu.memory_space<vmem>> -> memref<128x16xf32, #tpu.memory_space<vmem>>
    %dma_wait3A_706 = arith.constant 0 : i32
    %dma_wait3A_707 = tpu.memref_slice %arg6[%dma_wait3A_700, %dma_wait3A_706] : memref<15x128xi32, #tpu.memory_space<vmem>> -> memref<1x128xi32, #tpu.memory_space<vmem>>
    %dma_wait3A_708 = tpu.memref_squeeze %dma_wait3A_707 : memref<1x128xi32, #tpu.memory_space<vmem>> -> memref<128xi32, #tpu.memory_space<vmem>>
    %dma_wait3A_709 = arith.constant 0 : i32
    %dma_wait3A_710 = arith.constant 0 : i32
    %dma_wait3A_711 = tpu.memref_slice %arg7[%dma_wait3A_709, %dma_wait3A_710] : memref<10240x16xf32, #tpu.memory_space<vmem_shared>> -> memref<10240x16xf32, #tpu.memory_space<vmem_shared>>
    tpu.wait_indirect_dma semaphore(%arg9 : memref<!tpu.dma_semaphore, #tpu.memory_space<semaphore_mem>>) src(%dma_wait3A_711 : memref<10240x16xf32, #tpu.memory_space<vmem_shared>>) dst(%dma_wait3A_705 : memref<128x16xf32, #tpu.memory_space<vmem>>)
    %run_scoped3A_712 = arith.constant 2 : i32
    %run_scoped3A_713 = arith.constant 1 : i32
    "tpu.region"() ({
      %run_scoped3A_781 = tpu.sem_alloc : memref<!tpu.dma_semaphore, #tpu.memory_space<semaphore_mem>>
      %dma_start3A_782 = arith.constant 0 : i32
      %dma_start3A_783 = arith.constant 0 : i32
      %dma_start3A_784 = tpu.memref_slice %arg5[%run_scoped3A_712, %dma_start3A_782, %dma_start3A_783] : memref<4x128x16xf32, #tpu.memory_space<vmem>> -> memref<1x128x16xf32, #tpu.memory_space<vmem>>
      %dma_start3A_785 = tpu.memref_squeeze %dma_start3A_784 : memref<1x128x16xf32, #tpu.memory_space<vmem>> -> memref<128x16xf32, #tpu.memory_space<vmem>>
      %dma_start3A_786 = arith.constant 0 : i32
      %dma_start3A_787 = tpu.memref_slice %arg6[%run_scoped3A_713, %dma_start3A_786] : memref<15x128xi32, #tpu.memory_space<vmem>> -> memref<1x128xi32, #tpu.memory_space<vmem>>
      %dma_start3A_788 = tpu.memref_squeeze %dma_start3A_787 : memref<1x128xi32, #tpu.memory_space<vmem>> -> memref<128xi32, #tpu.memory_space<vmem>>
      %dma_start3A_789 = arith.constant 0 : i32
      %dma_start3A_790 = arith.constant 0 : i32
      %dma_start3A_791 = tpu.memref_slice %arg8[%dma_start3A_789, %dma_start3A_790] : memref<10240x16xf32, #tpu.memory_space<vmem_shared>> -> memref<10240x16xf32, #tpu.memory_space<vmem_shared>>
      tpu.enqueue_indirect_dma source(%dma_start3A_785 : memref<128x16xf32, #tpu.memory_space<vmem>>) target(%dma_start3A_791 : memref<10240x16xf32, #tpu.memory_space<vmem_shared>>) offsets(%dma_start3A_788 : memref<128xi32, #tpu.memory_space<vmem>>) semaphore(%run_scoped3A_781 : memref<!tpu.dma_semaphore, #tpu.memory_space<semaphore_mem>>) {add = true}
      %dma_wait3A_792 = arith.constant 0 : i32
      %dma_wait3A_793 = arith.constant 0 : i32
      %dma_wait3A_794 = tpu.memref_slice %arg5[%run_scoped3A_712, %dma_wait3A_792, %dma_wait3A_793] : memref<4x128x16xf32, #tpu.memory_space<vmem>> -> memref<1x128x16xf32, #tpu.memory_space<vmem>>
      %dma_wait3A_795 = tpu.memref_squeeze %dma_wait3A_794 : memref<1x128x16xf32, #tpu.memory_space<vmem>> -> memref<128x16xf32, #tpu.memory_space<vmem>>
      %dma_wait3A_796 = arith.constant 0 : i32
      %dma_wait3A_797 = tpu.memref_slice %arg6[%run_scoped3A_713, %dma_wait3A_796] : memref<15x128xi32, #tpu.memory_space<vmem>> -> memref<1x128xi32, #tpu.memory_space<vmem>>
      %dma_wait3A_798 = tpu.memref_squeeze %dma_wait3A_797 : memref<1x128xi32, #tpu.memory_space<vmem>> -> memref<128xi32, #tpu.memory_space<vmem>>
      %dma_wait3A_799 = arith.constant 0 : i32
      %dma_wait3A_800 = arith.constant 0 : i32
      %dma_wait3A_801 = tpu.memref_slice %arg8[%dma_wait3A_799, %dma_wait3A_800] : memref<10240x16xf32, #tpu.memory_space<vmem_shared>> -> memref<10240x16xf32, #tpu.memory_space<vmem_shared>>
      tpu.wait_indirect_dma semaphore(%run_scoped3A_781 : memref<!tpu.dma_semaphore, #tpu.memory_space<semaphore_mem>>) src(%dma_wait3A_795 : memref<128x16xf32, #tpu.memory_space<vmem>>) dst(%dma_wait3A_801 : memref<10240x16xf32, #tpu.memory_space<vmem_shared>>)
      tpu.yield
    }) : () -> ()
    %dma_start3A_714 = arith.constant 13 : i32
    %dma_start3A_715 = arith.constant 0 : i32
    %dma_start3A_716 = arith.constant 0 : i32
    %dma_start3A_717 = arith.constant 0 : i32
    %dma_start3A_718 = tpu.memref_slice %arg5[%dma_start3A_715, %dma_start3A_716, %dma_start3A_717] : memref<4x128x16xf32, #tpu.memory_space<vmem>> -> memref<1x128x16xf32, #tpu.memory_space<vmem>>
    %dma_start3A_719 = tpu.memref_squeeze %dma_start3A_718 : memref<1x128x16xf32, #tpu.memory_space<vmem>> -> memref<128x16xf32, #tpu.memory_space<vmem>>
    %dma_start3A_720 = arith.constant 0 : i32
    %dma_start3A_721 = tpu.memref_slice %arg6[%dma_start3A_714, %dma_start3A_720] : memref<15x128xi32, #tpu.memory_space<vmem>> -> memref<1x128xi32, #tpu.memory_space<vmem>>
    %dma_start3A_722 = tpu.memref_squeeze %dma_start3A_721 : memref<1x128xi32, #tpu.memory_space<vmem>> -> memref<128xi32, #tpu.memory_space<vmem>>
    %dma_start3A_723 = arith.constant 0 : i32
    %dma_start3A_724 = arith.constant 0 : i32
    %dma_start3A_725 = tpu.memref_slice %arg7[%dma_start3A_723, %dma_start3A_724] : memref<10240x16xf32, #tpu.memory_space<vmem_shared>> -> memref<10240x16xf32, #tpu.memory_space<vmem_shared>>
    tpu.enqueue_indirect_dma source(%dma_start3A_725 : memref<10240x16xf32, #tpu.memory_space<vmem_shared>>) target(%dma_start3A_719 : memref<128x16xf32, #tpu.memory_space<vmem>>) offsets(%dma_start3A_722 : memref<128xi32, #tpu.memory_space<vmem>>) semaphore(%arg9 : memref<!tpu.dma_semaphore, #tpu.memory_space<semaphore_mem>>)
    %dma_wait3A_726 = arith.constant 12 : i32
    %dma_wait3A_727 = arith.constant 3 : i32
    %dma_wait3A_728 = arith.constant 0 : i32
    %dma_wait3A_729 = arith.constant 0 : i32
    %dma_wait3A_730 = tpu.memref_slice %arg5[%dma_wait3A_727, %dma_wait3A_728, %dma_wait3A_729] : memref<4x128x16xf32, #tpu.memory_space<vmem>> -> memref<1x128x16xf32, #tpu.memory_space<vmem>>
    %dma_wait3A_731 = tpu.memref_squeeze %dma_wait3A_730 : memref<1x128x16xf32, #tpu.memory_space<vmem>> -> memref<128x16xf32, #tpu.memory_space<vmem>>
    %dma_wait3A_732 = arith.constant 0 : i32
    %dma_wait3A_733 = tpu.memref_slice %arg6[%dma_wait3A_726, %dma_wait3A_732] : memref<15x128xi32, #tpu.memory_space<vmem>> -> memref<1x128xi32, #tpu.memory_space<vmem>>
    %dma_wait3A_734 = tpu.memref_squeeze %dma_wait3A_733 : memref<1x128xi32, #tpu.memory_space<vmem>> -> memref<128xi32, #tpu.memory_space<vmem>>
    %dma_wait3A_735 = arith.constant 0 : i32
    %dma_wait3A_736 = arith.constant 0 : i32
    %dma_wait3A_737 = tpu.memref_slice %arg7[%dma_wait3A_735, %dma_wait3A_736] : memref<10240x16xf32, #tpu.memory_space<vmem_shared>> -> memref<10240x16xf32, #tpu.memory_space<vmem_shared>>
    tpu.wait_indirect_dma semaphore(%arg10 : memref<!tpu.dma_semaphore, #tpu.memory_space<semaphore_mem>>) src(%dma_wait3A_737 : memref<10240x16xf32, #tpu.memory_space<vmem_shared>>) dst(%dma_wait3A_731 : memref<128x16xf32, #tpu.memory_space<vmem>>)
    %run_scoped3A_738 = arith.constant 3 : i32
    %run_scoped3A_739 = arith.constant 2 : i32
    "tpu.region"() ({
      %run_scoped3A_781 = tpu.sem_alloc : memref<!tpu.dma_semaphore, #tpu.memory_space<semaphore_mem>>
      %dma_start3A_782 = arith.constant 0 : i32
      %dma_start3A_783 = arith.constant 0 : i32
      %dma_start3A_784 = tpu.memref_slice %arg5[%run_scoped3A_738, %dma_start3A_782, %dma_start3A_783] : memref<4x128x16xf32, #tpu.memory_space<vmem>> -> memref<1x128x16xf32, #tpu.memory_space<vmem>>
      %dma_start3A_785 = tpu.memref_squeeze %dma_start3A_784 : memref<1x128x16xf32, #tpu.memory_space<vmem>> -> memref<128x16xf32, #tpu.memory_space<vmem>>
      %dma_start3A_786 = arith.constant 0 : i32
      %dma_start3A_787 = tpu.memref_slice %arg6[%run_scoped3A_739, %dma_start3A_786] : memref<15x128xi32, #tpu.memory_space<vmem>> -> memref<1x128xi32, #tpu.memory_space<vmem>>
      %dma_start3A_788 = tpu.memref_squeeze %dma_start3A_787 : memref<1x128xi32, #tpu.memory_space<vmem>> -> memref<128xi32, #tpu.memory_space<vmem>>
      %dma_start3A_789 = arith.constant 0 : i32
      %dma_start3A_790 = arith.constant 0 : i32
      %dma_start3A_791 = tpu.memref_slice %arg8[%dma_start3A_789, %dma_start3A_790] : memref<10240x16xf32, #tpu.memory_space<vmem_shared>> -> memref<10240x16xf32, #tpu.memory_space<vmem_shared>>
      tpu.enqueue_indirect_dma source(%dma_start3A_785 : memref<128x16xf32, #tpu.memory_space<vmem>>) target(%dma_start3A_791 : memref<10240x16xf32, #tpu.memory_space<vmem_shared>>) offsets(%dma_start3A_788 : memref<128xi32, #tpu.memory_space<vmem>>) semaphore(%run_scoped3A_781 : memref<!tpu.dma_semaphore, #tpu.memory_space<semaphore_mem>>) {add = true}
      %dma_wait3A_792 = arith.constant 0 : i32
      %dma_wait3A_793 = arith.constant 0 : i32
      %dma_wait3A_794 = tpu.memref_slice %arg5[%run_scoped3A_738, %dma_wait3A_792, %dma_wait3A_793] : memref<4x128x16xf32, #tpu.memory_space<vmem>> -> memref<1x128x16xf32, #tpu.memory_space<vmem>>
      %dma_wait3A_795 = tpu.memref_squeeze %dma_wait3A_794 : memref<1x128x16xf32, #tpu.memory_space<vmem>> -> memref<128x16xf32, #tpu.memory_space<vmem>>
      %dma_wait3A_796 = arith.constant 0 : i32
      %dma_wait3A_797 = tpu.memref_slice %arg6[%run_scoped3A_739, %dma_wait3A_796] : memref<15x128xi32, #tpu.memory_space<vmem>> -> memref<1x128xi32, #tpu.memory_space<vmem>>
      %dma_wait3A_798 = tpu.memref_squeeze %dma_wait3A_797 : memref<1x128xi32, #tpu.memory_space<vmem>> -> memref<128xi32, #tpu.memory_space<vmem>>
      %dma_wait3A_799 = arith.constant 0 : i32
      %dma_wait3A_800 = arith.constant 0 : i32
      %dma_wait3A_801 = tpu.memref_slice %arg8[%dma_wait3A_799, %dma_wait3A_800] : memref<10240x16xf32, #tpu.memory_space<vmem_shared>> -> memref<10240x16xf32, #tpu.memory_space<vmem_shared>>
      tpu.wait_indirect_dma semaphore(%run_scoped3A_781 : memref<!tpu.dma_semaphore, #tpu.memory_space<semaphore_mem>>) src(%dma_wait3A_795 : memref<128x16xf32, #tpu.memory_space<vmem>>) dst(%dma_wait3A_801 : memref<10240x16xf32, #tpu.memory_space<vmem_shared>>)
      tpu.yield
    }) : () -> ()
    %dma_start3A_740 = arith.constant 14 : i32
    %dma_start3A_741 = arith.constant 1 : i32
    %dma_start3A_742 = arith.constant 0 : i32
    %dma_start3A_743 = arith.constant 0 : i32
    %dma_start3A_744 = tpu.memref_slice %arg5[%dma_start3A_741, %dma_start3A_742, %dma_start3A_743] : memref<4x128x16xf32, #tpu.memory_space<vmem>> -> memref<1x128x16xf32, #tpu.memory_space<vmem>>
    %dma_start3A_745 = tpu.memref_squeeze %dma_start3A_744 : memref<1x128x16xf32, #tpu.memory_space<vmem>> -> memref<128x16xf32, #tpu.memory_space<vmem>>
    %dma_start3A_746 = arith.constant 0 : i32
    %dma_start3A_747 = tpu.memref_slice %arg6[%dma_start3A_740, %dma_start3A_746] : memref<15x128xi32, #tpu.memory_space<vmem>> -> memref<1x128xi32, #tpu.memory_space<vmem>>
    %dma_start3A_748 = tpu.memref_squeeze %dma_start3A_747 : memref<1x128xi32, #tpu.memory_space<vmem>> -> memref<128xi32, #tpu.memory_space<vmem>>
    %dma_start3A_749 = arith.constant 0 : i32
    %dma_start3A_750 = arith.constant 0 : i32
    %dma_start3A_751 = tpu.memref_slice %arg7[%dma_start3A_749, %dma_start3A_750] : memref<10240x16xf32, #tpu.memory_space<vmem_shared>> -> memref<10240x16xf32, #tpu.memory_space<vmem_shared>>
    tpu.enqueue_indirect_dma source(%dma_start3A_751 : memref<10240x16xf32, #tpu.memory_space<vmem_shared>>) target(%dma_start3A_745 : memref<128x16xf32, #tpu.memory_space<vmem>>) offsets(%dma_start3A_748 : memref<128xi32, #tpu.memory_space<vmem>>) semaphore(%arg10 : memref<!tpu.dma_semaphore, #tpu.memory_space<semaphore_mem>>)
    %dma_wait3A_752 = arith.constant 13 : i32
    %dma_wait3A_753 = arith.constant 0 : i32
    %dma_wait3A_754 = arith.constant 0 : i32
    %dma_wait3A_755 = arith.constant 0 : i32
    %dma_wait3A_756 = tpu.memref_slice %arg5[%dma_wait3A_753, %dma_wait3A_754, %dma_wait3A_755] : memref<4x128x16xf32, #tpu.memory_space<vmem>> -> memref<1x128x16xf32, #tpu.memory_space<vmem>>
    %dma_wait3A_757 = tpu.memref_squeeze %dma_wait3A_756 : memref<1x128x16xf32, #tpu.memory_space<vmem>> -> memref<128x16xf32, #tpu.memory_space<vmem>>
    %dma_wait3A_758 = arith.constant 0 : i32
    %dma_wait3A_759 = tpu.memref_slice %arg6[%dma_wait3A_752, %dma_wait3A_758] : memref<15x128xi32, #tpu.memory_space<vmem>> -> memref<1x128xi32, #tpu.memory_space<vmem>>
    %dma_wait3A_760 = tpu.memref_squeeze %dma_wait3A_759 : memref<1x128xi32, #tpu.memory_space<vmem>> -> memref<128xi32, #tpu.memory_space<vmem>>
    %dma_wait3A_761 = arith.constant 0 : i32
    %dma_wait3A_762 = arith.constant 0 : i32
    %dma_wait3A_763 = tpu.memref_slice %arg7[%dma_wait3A_761, %dma_wait3A_762] : memref<10240x16xf32, #tpu.memory_space<vmem_shared>> -> memref<10240x16xf32, #tpu.memory_space<vmem_shared>>
    tpu.wait_indirect_dma semaphore(%arg9 : memref<!tpu.dma_semaphore, #tpu.memory_space<semaphore_mem>>) src(%dma_wait3A_763 : memref<10240x16xf32, #tpu.memory_space<vmem_shared>>) dst(%dma_wait3A_757 : memref<128x16xf32, #tpu.memory_space<vmem>>)
    %run_scoped3A_764 = arith.constant 0 : i32
    %run_scoped3A_765 = arith.constant 3 : i32
    "tpu.region"() ({
      %run_scoped3A_781 = tpu.sem_alloc : memref<!tpu.dma_semaphore, #tpu.memory_space<semaphore_mem>>
      %dma_start3A_782 = arith.constant 0 : i32
      %dma_start3A_783 = arith.constant 0 : i32
      %dma_start3A_784 = tpu.memref_slice %arg5[%run_scoped3A_764, %dma_start3A_782, %dma_start3A_783] : memref<4x128x16xf32, #tpu.memory_space<vmem>> -> memref<1x128x16xf32, #tpu.memory_space<vmem>>
      %dma_start3A_785 = tpu.memref_squeeze %dma_start3A_784 : memref<1x128x16xf32, #tpu.memory_space<vmem>> -> memref<128x16xf32, #tpu.memory_space<vmem>>
      %dma_start3A_786 = arith.constant 0 : i32
      %dma_start3A_787 = tpu.memref_slice %arg6[%run_scoped3A_765, %dma_start3A_786] : memref<15x128xi32, #tpu.memory_space<vmem>> -> memref<1x128xi32, #tpu.memory_space<vmem>>
      %dma_start3A_788 = tpu.memref_squeeze %dma_start3A_787 : memref<1x128xi32, #tpu.memory_space<vmem>> -> memref<128xi32, #tpu.memory_space<vmem>>
      %dma_start3A_789 = arith.constant 0 : i32
      %dma_start3A_790 = arith.constant 0 : i32
      %dma_start3A_791 = tpu.memref_slice %arg8[%dma_start3A_789, %dma_start3A_790] : memref<10240x16xf32, #tpu.memory_space<vmem_shared>> -> memref<10240x16xf32, #tpu.memory_space<vmem_shared>>
      tpu.enqueue_indirect_dma source(%dma_start3A_785 : memref<128x16xf32, #tpu.memory_space<vmem>>) target(%dma_start3A_791 : memref<10240x16xf32, #tpu.memory_space<vmem_shared>>) offsets(%dma_start3A_788 : memref<128xi32, #tpu.memory_space<vmem>>) semaphore(%run_scoped3A_781 : memref<!tpu.dma_semaphore, #tpu.memory_space<semaphore_mem>>) {add = true}
      %dma_wait3A_792 = arith.constant 0 : i32
      %dma_wait3A_793 = arith.constant 0 : i32
      %dma_wait3A_794 = tpu.memref_slice %arg5[%run_scoped3A_764, %dma_wait3A_792, %dma_wait3A_793] : memref<4x128x16xf32, #tpu.memory_space<vmem>> -> memref<1x128x16xf32, #tpu.memory_space<vmem>>
      %dma_wait3A_795 = tpu.memref_squeeze %dma_wait3A_794 : memref<1x128x16xf32, #tpu.memory_space<vmem>> -> memref<128x16xf32, #tpu.memory_space<vmem>>
      %dma_wait3A_796 = arith.constant 0 : i32
      %dma_wait3A_797 = tpu.memref_slice %arg6[%run_scoped3A_765, %dma_wait3A_796] : memref<15x128xi32, #tpu.memory_space<vmem>> -> memref<1x128xi32, #tpu.memory_space<vmem>>
      %dma_wait3A_798 = tpu.memref_squeeze %dma_wait3A_797 : memref<1x128xi32, #tpu.memory_space<vmem>> -> memref<128xi32, #tpu.memory_space<vmem>>
      %dma_wait3A_799 = arith.constant 0 : i32
      %dma_wait3A_800 = arith.constant 0 : i32
      %dma_wait3A_801 = tpu.memref_slice %arg8[%dma_wait3A_799, %dma_wait3A_800] : memref<10240x16xf32, #tpu.memory_space<vmem_shared>> -> memref<10240x16xf32, #tpu.memory_space<vmem_shared>>
      tpu.wait_indirect_dma semaphore(%run_scoped3A_781 : memref<!tpu.dma_semaphore, #tpu.memory_space<semaphore_mem>>) src(%dma_wait3A_795 : memref<128x16xf32, #tpu.memory_space<vmem>>) dst(%dma_wait3A_801 : memref<10240x16xf32, #tpu.memory_space<vmem_shared>>)
      tpu.yield
    }) : () -> ()
    %dma_wait3A_766 = arith.constant 14 : i32
    %dma_wait3A_767 = arith.constant 1 : i32
    %dma_wait3A_768 = arith.constant 0 : i32
    %dma_wait3A_769 = arith.constant 0 : i32
    %dma_wait3A_770 = tpu.memref_slice %arg5[%dma_wait3A_767, %dma_wait3A_768, %dma_wait3A_769] : memref<4x128x16xf32, #tpu.memory_space<vmem>> -> memref<1x128x16xf32, #tpu.memory_space<vmem>>
    %dma_wait3A_771 = tpu.memref_squeeze %dma_wait3A_770 : memref<1x128x16xf32, #tpu.memory_space<vmem>> -> memref<128x16xf32, #tpu.memory_space<vmem>>
    %dma_wait3A_772 = arith.constant 0 : i32
    %dma_wait3A_773 = tpu.memref_slice %arg6[%dma_wait3A_766, %dma_wait3A_772] : memref<15x128xi32, #tpu.memory_space<vmem>> -> memref<1x128xi32, #tpu.memory_space<vmem>>
    %dma_wait3A_774 = tpu.memref_squeeze %dma_wait3A_773 : memref<1x128xi32, #tpu.memory_space<vmem>> -> memref<128xi32, #tpu.memory_space<vmem>>
    %dma_wait3A_775 = arith.constant 0 : i32
    %dma_wait3A_776 = arith.constant 0 : i32
    %dma_wait3A_777 = tpu.memref_slice %arg7[%dma_wait3A_775, %dma_wait3A_776] : memref<10240x16xf32, #tpu.memory_space<vmem_shared>> -> memref<10240x16xf32, #tpu.memory_space<vmem_shared>>
    tpu.wait_indirect_dma semaphore(%arg10 : memref<!tpu.dma_semaphore, #tpu.memory_space<semaphore_mem>>) src(%dma_wait3A_777 : memref<10240x16xf32, #tpu.memory_space<vmem_shared>>) dst(%dma_wait3A_771 : memref<128x16xf32, #tpu.memory_space<vmem>>)
    %run_scoped3A_778 = arith.constant 1 : i32
    %run_scoped3A_779 = arith.constant 4 : i32
    "tpu.region"() ({
      %run_scoped3A_781 = tpu.sem_alloc : memref<!tpu.dma_semaphore, #tpu.memory_space<semaphore_mem>>
      %dma_start3A_782 = arith.constant 0 : i32
      %dma_start3A_783 = arith.constant 0 : i32
      %dma_start3A_784 = tpu.memref_slice %arg5[%run_scoped3A_778, %dma_start3A_782, %dma_start3A_783] : memref<4x128x16xf32, #tpu.memory_space<vmem>> -> memref<1x128x16xf32, #tpu.memory_space<vmem>>
      %dma_start3A_785 = tpu.memref_squeeze %dma_start3A_784 : memref<1x128x16xf32, #tpu.memory_space<vmem>> -> memref<128x16xf32, #tpu.memory_space<vmem>>
      %dma_start3A_786 = arith.constant 0 : i32
      %dma_start3A_787 = tpu.memref_slice %arg6[%run_scoped3A_779, %dma_start3A_786] : memref<15x128xi32, #tpu.memory_space<vmem>> -> memref<1x128xi32, #tpu.memory_space<vmem>>
      %dma_start3A_788 = tpu.memref_squeeze %dma_start3A_787 : memref<1x128xi32, #tpu.memory_space<vmem>> -> memref<128xi32, #tpu.memory_space<vmem>>
      %dma_start3A_789 = arith.constant 0 : i32
      %dma_start3A_790 = arith.constant 0 : i32
      %dma_start3A_791 = tpu.memref_slice %arg8[%dma_start3A_789, %dma_start3A_790] : memref<10240x16xf32, #tpu.memory_space<vmem_shared>> -> memref<10240x16xf32, #tpu.memory_space<vmem_shared>>
      tpu.enqueue_indirect_dma source(%dma_start3A_785 : memref<128x16xf32, #tpu.memory_space<vmem>>) target(%dma_start3A_791 : memref<10240x16xf32, #tpu.memory_space<vmem_shared>>) offsets(%dma_start3A_788 : memref<128xi32, #tpu.memory_space<vmem>>) semaphore(%run_scoped3A_781 : memref<!tpu.dma_semaphore, #tpu.memory_space<semaphore_mem>>) {add = true}
      %dma_wait3A_792 = arith.constant 0 : i32
      %dma_wait3A_793 = arith.constant 0 : i32
      %dma_wait3A_794 = tpu.memref_slice %arg5[%run_scoped3A_778, %dma_wait3A_792, %dma_wait3A_793] : memref<4x128x16xf32, #tpu.memory_space<vmem>> -> memref<1x128x16xf32, #tpu.memory_space<vmem>>
      %dma_wait3A_795 = tpu.memref_squeeze %dma_wait3A_794 : memref<1x128x16xf32, #tpu.memory_space<vmem>> -> memref<128x16xf32, #tpu.memory_space<vmem>>
      %dma_wait3A_796 = arith.constant 0 : i32
      %dma_wait3A_797 = tpu.memref_slice %arg6[%run_scoped3A_779, %dma_wait3A_796] : memref<15x128xi32, #tpu.memory_space<vmem>> -> memref<1x128xi32, #tpu.memory_space<vmem>>
      %dma_wait3A_798 = tpu.memref_squeeze %dma_wait3A_797 : memref<1x128xi32, #tpu.memory_space<vmem>> -> memref<128xi32, #tpu.memory_space<vmem>>
      %dma_wait3A_799 = arith.constant 0 : i32
      %dma_wait3A_800 = arith.constant 0 : i32
      %dma_wait3A_801 = tpu.memref_slice %arg8[%dma_wait3A_799, %dma_wait3A_800] : memref<10240x16xf32, #tpu.memory_space<vmem_shared>> -> memref<10240x16xf32, #tpu.memory_space<vmem_shared>>
      tpu.wait_indirect_dma semaphore(%run_scoped3A_781 : memref<!tpu.dma_semaphore, #tpu.memory_space<semaphore_mem>>) src(%dma_wait3A_795 : memref<128x16xf32, #tpu.memory_space<vmem>>) dst(%dma_wait3A_801 : memref<10240x16xf32, #tpu.memory_space<vmem_shared>>)
      tpu.yield
    }) : () -> ()
    %barrier3A_780 = arith.constant 0 : index
    tpu.barrier barrier_id(%barrier3A_780)
    "tpu.region"() ({
      %run_scoped3A_781 = tpu.sem_alloc : memref<!tpu.dma_semaphore, #tpu.memory_space<semaphore_mem>>
      %dma_start3A_782 = arith.constant 0 : i32
      %dma_start3A_783 = tpu.memref_slice %arg4[%arg0, %mul3A_2, %dma_start3A_782] : memref<2x10240x16xf32, #tpu.memory_space<hbm>> -> memref<1x640x16xf32, #tpu.memory_space<hbm>>
      %dma_start3A_784 = tpu.memref_squeeze %dma_start3A_783 : memref<1x640x16xf32, #tpu.memory_space<hbm>> -> memref<640x16xf32, #tpu.memory_space<hbm>>
      %dma_start3A_785 = arith.constant 0 : i32
      %dma_start3A_786 = tpu.memref_slice %arg8[%mul3A_2, %dma_start3A_785] : memref<10240x16xf32, #tpu.memory_space<vmem_shared>> -> memref<640x16xf32, #tpu.memory_space<vmem_shared>>
      tpu.enqueue_dma source(%dma_start3A_786 : memref<640x16xf32, #tpu.memory_space<vmem_shared>>) target(%dma_start3A_784 : memref<640x16xf32, #tpu.memory_space<hbm>>) target_semaphore(%run_scoped3A_781 : memref<!tpu.dma_semaphore, #tpu.memory_space<semaphore_mem>>)
      %dma_wait3A_787 = arith.constant 0 : i32
      %dma_wait3A_788 = tpu.memref_slice %arg4[%arg0, %mul3A_2, %dma_wait3A_787] : memref<2x10240x16xf32, #tpu.memory_space<hbm>> -> memref<1x640x16xf32, #tpu.memory_space<hbm>>
      %dma_wait3A_789 = tpu.memref_squeeze %dma_wait3A_788 : memref<1x640x16xf32, #tpu.memory_space<hbm>> -> memref<640x16xf32, #tpu.memory_space<hbm>>
      %dma_wait3A_790 = arith.constant 0 : i32
      %dma_wait3A_791 = tpu.memref_slice %arg8[%mul3A_2, %dma_wait3A_790] : memref<10240x16xf32, #tpu.memory_space<vmem_shared>> -> memref<640x16xf32, #tpu.memory_space<vmem_shared>>
      tpu.wait_dma2 semaphore(%run_scoped3A_781 : memref<!tpu.dma_semaphore, #tpu.memory_space<semaphore_mem>>) src(%dma_wait3A_791 : memref<640x16xf32, #tpu.memory_space<vmem_shared>>) dst(%dma_wait3A_789 : memref<640x16xf32, #tpu.memory_space<hbm>>)
      tpu.yield
    }) : () -> ()
    return
  }
}

module attributes {stable_mosaic.version = 14 : i64} {
  func.func @_sig_body(%arg0: memref<8x10240xf32, #tpu.memory_space<vmem>>, %arg1: memref<1280x128xf32, #tpu.memory_space<vmem>>) attributes {dimension_semantics = [], scalar_prefetch = 0 : i64, scratch_operands = 0 : i64, tpu.core_type = #tpu.core_type<tc>} {
    %get3A = arith.constant 0 : index
    %get3A_0 = arith.constant 0 : index
    %get3A_1 = vector.load %arg0[%get3A, %get3A_0] : memref<8x10240xf32, #tpu.memory_space<vmem>>, vector<8x10240xf32>
    %iota3A = tpu.iota {dimensions = array<i32: 1>} : vector<8x1280xi32>
    %slice3A = vector.extract_strided_slice %get3A_1 {offsets = [0, 0], sizes = [8, 1280], strides = [1, 1]} : vector<8x10240xf32> to vector<8x1280xf32>
    %neg3A = arith.constant 0.000000e+00 : f32
    %neg3A_2 = vector.broadcast %neg3A : f32 to vector<8x1280xf32>
    %neg3A_3 = arith.subf %neg3A_2, %slice3A : vector<8x1280xf32>
    %exp3A = math.exp %neg3A_3 : vector<8x1280xf32>
    %add3A = arith.constant 1.000000e+00 : f32
    %add3A_4 = vector.broadcast %add3A : f32 to vector<8x1280xf32>
    %add3A_5 = arith.addf %add3A_4, %exp3A : vector<8x1280xf32>
    %div3A = arith.constant 1.000000e+00 : f32
    %div3A_6 = vector.broadcast %div3A : f32 to vector<8x1280xf32>
    %div3A_7 = arith.divf %div3A_6, %add3A_5 : vector<8x1280xf32>
    %lt3A = arith.constant 10000 : i32
    %lt3A_8 = vector.broadcast %lt3A : i32 to vector<8x1280xi32>
    %lt3A_9 = arith.cmpi slt, %iota3A, %lt3A_8 : vector<8x1280xi32>
    %jit3A = arith.constant 0.000000e+00 : f32
    %broadcast_in_dim3A = vector.broadcast %jit3A : f32 to vector<8x1280xf32>
    %select_n3A = arith.select %lt3A_9, %div3A_7, %broadcast_in_dim3A : vector<8x1280xi1>, vector<8x1280xf32>
    %sub3A = arith.constant 1.000000e+00 : f32
    %sub3A_10 = vector.broadcast %sub3A : f32 to vector<8x1280xf32>
    %sub3A_11 = arith.subf %sub3A_10, %div3A_7 : vector<8x1280xf32>
    %jit3A_12 = arith.constant 0.000000e+00 : f32
    %broadcast_in_dim3A_13 = vector.broadcast %jit3A_12 : f32 to vector<8x1280xf32>
    %select_n3A_14 = arith.select %lt3A_9, %sub3A_11, %broadcast_in_dim3A_13 : vector<8x1280xi1>, vector<8x1280xf32>
    %slice3A_15 = vector.extract_strided_slice %get3A_1 {offsets = [0, 1280], sizes = [8, 1280], strides = [1, 1]} : vector<8x10240xf32> to vector<8x1280xf32>
    %neg3A_16 = arith.constant 0.000000e+00 : f32
    %neg3A_17 = vector.broadcast %neg3A_16 : f32 to vector<8x1280xf32>
    %neg3A_18 = arith.subf %neg3A_17, %slice3A_15 : vector<8x1280xf32>
    %exp3A_19 = math.exp %neg3A_18 : vector<8x1280xf32>
    %add3A_20 = arith.constant 1.000000e+00 : f32
    %add3A_21 = vector.broadcast %add3A_20 : f32 to vector<8x1280xf32>
    %add3A_22 = arith.addf %add3A_21, %exp3A_19 : vector<8x1280xf32>
    %div3A_23 = arith.constant 1.000000e+00 : f32
    %div3A_24 = vector.broadcast %div3A_23 : f32 to vector<8x1280xf32>
    %div3A_25 = arith.divf %div3A_24, %add3A_22 : vector<8x1280xf32>
    %lt3A_26 = arith.constant 8720 : i32
    %lt3A_27 = vector.broadcast %lt3A_26 : i32 to vector<8x1280xi32>
    %lt3A_28 = arith.cmpi slt, %iota3A, %lt3A_27 : vector<8x1280xi32>
    %jit3A_29 = arith.constant 0.000000e+00 : f32
    %broadcast_in_dim3A_30 = vector.broadcast %jit3A_29 : f32 to vector<8x1280xf32>
    %select_n3A_31 = arith.select %lt3A_28, %div3A_25, %broadcast_in_dim3A_30 : vector<8x1280xi1>, vector<8x1280xf32>
    %sub3A_32 = arith.constant 1.000000e+00 : f32
    %sub3A_33 = vector.broadcast %sub3A_32 : f32 to vector<8x1280xf32>
    %sub3A_34 = arith.subf %sub3A_33, %div3A_25 : vector<8x1280xf32>
    %jit3A_35 = arith.constant 0.000000e+00 : f32
    %broadcast_in_dim3A_36 = vector.broadcast %jit3A_35 : f32 to vector<8x1280xf32>
    %select_n3A_37 = arith.select %lt3A_28, %sub3A_34, %broadcast_in_dim3A_36 : vector<8x1280xi1>, vector<8x1280xf32>
    %slice3A_38 = vector.extract_strided_slice %get3A_1 {offsets = [0, 2560], sizes = [8, 1280], strides = [1, 1]} : vector<8x10240xf32> to vector<8x1280xf32>
    %neg3A_39 = arith.constant 0.000000e+00 : f32
    %neg3A_40 = vector.broadcast %neg3A_39 : f32 to vector<8x1280xf32>
    %neg3A_41 = arith.subf %neg3A_40, %slice3A_38 : vector<8x1280xf32>
    %exp3A_42 = math.exp %neg3A_41 : vector<8x1280xf32>
    %add3A_43 = arith.constant 1.000000e+00 : f32
    %add3A_44 = vector.broadcast %add3A_43 : f32 to vector<8x1280xf32>
    %add3A_45 = arith.addf %add3A_44, %exp3A_42 : vector<8x1280xf32>
    %div3A_46 = arith.constant 1.000000e+00 : f32
    %div3A_47 = vector.broadcast %div3A_46 : f32 to vector<8x1280xf32>
    %div3A_48 = arith.divf %div3A_47, %add3A_45 : vector<8x1280xf32>
    %lt3A_49 = arith.constant 7440 : i32
    %lt3A_50 = vector.broadcast %lt3A_49 : i32 to vector<8x1280xi32>
    %lt3A_51 = arith.cmpi slt, %iota3A, %lt3A_50 : vector<8x1280xi32>
    %jit3A_52 = arith.constant 0.000000e+00 : f32
    %broadcast_in_dim3A_53 = vector.broadcast %jit3A_52 : f32 to vector<8x1280xf32>
    %select_n3A_54 = arith.select %lt3A_51, %div3A_48, %broadcast_in_dim3A_53 : vector<8x1280xi1>, vector<8x1280xf32>
    %sub3A_55 = arith.constant 1.000000e+00 : f32
    %sub3A_56 = vector.broadcast %sub3A_55 : f32 to vector<8x1280xf32>
    %sub3A_57 = arith.subf %sub3A_56, %div3A_48 : vector<8x1280xf32>
    %jit3A_58 = arith.constant 0.000000e+00 : f32
    %broadcast_in_dim3A_59 = vector.broadcast %jit3A_58 : f32 to vector<8x1280xf32>
    %select_n3A_60 = arith.select %lt3A_51, %sub3A_57, %broadcast_in_dim3A_59 : vector<8x1280xi1>, vector<8x1280xf32>
    %slice3A_61 = vector.extract_strided_slice %get3A_1 {offsets = [0, 3840], sizes = [8, 1280], strides = [1, 1]} : vector<8x10240xf32> to vector<8x1280xf32>
    %neg3A_62 = arith.constant 0.000000e+00 : f32
    %neg3A_63 = vector.broadcast %neg3A_62 : f32 to vector<8x1280xf32>
    %neg3A_64 = arith.subf %neg3A_63, %slice3A_61 : vector<8x1280xf32>
    %exp3A_65 = math.exp %neg3A_64 : vector<8x1280xf32>
    %add3A_66 = arith.constant 1.000000e+00 : f32
    %add3A_67 = vector.broadcast %add3A_66 : f32 to vector<8x1280xf32>
    %add3A_68 = arith.addf %add3A_67, %exp3A_65 : vector<8x1280xf32>
    %div3A_69 = arith.constant 1.000000e+00 : f32
    %div3A_70 = vector.broadcast %div3A_69 : f32 to vector<8x1280xf32>
    %div3A_71 = arith.divf %div3A_70, %add3A_68 : vector<8x1280xf32>
    %lt3A_72 = arith.constant 6160 : i32
    %lt3A_73 = vector.broadcast %lt3A_72 : i32 to vector<8x1280xi32>
    %lt3A_74 = arith.cmpi slt, %iota3A, %lt3A_73 : vector<8x1280xi32>
    %jit3A_75 = arith.constant 0.000000e+00 : f32
    %broadcast_in_dim3A_76 = vector.broadcast %jit3A_75 : f32 to vector<8x1280xf32>
    %select_n3A_77 = arith.select %lt3A_74, %div3A_71, %broadcast_in_dim3A_76 : vector<8x1280xi1>, vector<8x1280xf32>
    %sub3A_78 = arith.constant 1.000000e+00 : f32
    %sub3A_79 = vector.broadcast %sub3A_78 : f32 to vector<8x1280xf32>
    %sub3A_80 = arith.subf %sub3A_79, %div3A_71 : vector<8x1280xf32>
    %jit3A_81 = arith.constant 0.000000e+00 : f32
    %broadcast_in_dim3A_82 = vector.broadcast %jit3A_81 : f32 to vector<8x1280xf32>
    %select_n3A_83 = arith.select %lt3A_74, %sub3A_80, %broadcast_in_dim3A_82 : vector<8x1280xi1>, vector<8x1280xf32>
    %slice3A_84 = vector.extract_strided_slice %get3A_1 {offsets = [0, 5120], sizes = [8, 1280], strides = [1, 1]} : vector<8x10240xf32> to vector<8x1280xf32>
    %neg3A_85 = arith.constant 0.000000e+00 : f32
    %neg3A_86 = vector.broadcast %neg3A_85 : f32 to vector<8x1280xf32>
    %neg3A_87 = arith.subf %neg3A_86, %slice3A_84 : vector<8x1280xf32>
    %exp3A_88 = math.exp %neg3A_87 : vector<8x1280xf32>
    %add3A_89 = arith.constant 1.000000e+00 : f32
    %add3A_90 = vector.broadcast %add3A_89 : f32 to vector<8x1280xf32>
    %add3A_91 = arith.addf %add3A_90, %exp3A_88 : vector<8x1280xf32>
    %div3A_92 = arith.constant 1.000000e+00 : f32
    %div3A_93 = vector.broadcast %div3A_92 : f32 to vector<8x1280xf32>
    %div3A_94 = arith.divf %div3A_93, %add3A_91 : vector<8x1280xf32>
    %lt3A_95 = arith.constant 4880 : i32
    %lt3A_96 = vector.broadcast %lt3A_95 : i32 to vector<8x1280xi32>
    %lt3A_97 = arith.cmpi slt, %iota3A, %lt3A_96 : vector<8x1280xi32>
    %jit3A_98 = arith.constant 0.000000e+00 : f32
    %broadcast_in_dim3A_99 = vector.broadcast %jit3A_98 : f32 to vector<8x1280xf32>
    %select_n3A_100 = arith.select %lt3A_97, %div3A_94, %broadcast_in_dim3A_99 : vector<8x1280xi1>, vector<8x1280xf32>
    %sub3A_101 = arith.constant 1.000000e+00 : f32
    %sub3A_102 = vector.broadcast %sub3A_101 : f32 to vector<8x1280xf32>
    %sub3A_103 = arith.subf %sub3A_102, %div3A_94 : vector<8x1280xf32>
    %jit3A_104 = arith.constant 0.000000e+00 : f32
    %broadcast_in_dim3A_105 = vector.broadcast %jit3A_104 : f32 to vector<8x1280xf32>
    %select_n3A_106 = arith.select %lt3A_97, %sub3A_103, %broadcast_in_dim3A_105 : vector<8x1280xi1>, vector<8x1280xf32>
    %slice3A_107 = vector.extract_strided_slice %get3A_1 {offsets = [0, 6400], sizes = [8, 1280], strides = [1, 1]} : vector<8x10240xf32> to vector<8x1280xf32>
    %neg3A_108 = arith.constant 0.000000e+00 : f32
    %neg3A_109 = vector.broadcast %neg3A_108 : f32 to vector<8x1280xf32>
    %neg3A_110 = arith.subf %neg3A_109, %slice3A_107 : vector<8x1280xf32>
    %exp3A_111 = math.exp %neg3A_110 : vector<8x1280xf32>
    %add3A_112 = arith.constant 1.000000e+00 : f32
    %add3A_113 = vector.broadcast %add3A_112 : f32 to vector<8x1280xf32>
    %add3A_114 = arith.addf %add3A_113, %exp3A_111 : vector<8x1280xf32>
    %div3A_115 = arith.constant 1.000000e+00 : f32
    %div3A_116 = vector.broadcast %div3A_115 : f32 to vector<8x1280xf32>
    %div3A_117 = arith.divf %div3A_116, %add3A_114 : vector<8x1280xf32>
    %lt3A_118 = arith.constant 3600 : i32
    %lt3A_119 = vector.broadcast %lt3A_118 : i32 to vector<8x1280xi32>
    %lt3A_120 = arith.cmpi slt, %iota3A, %lt3A_119 : vector<8x1280xi32>
    %jit3A_121 = arith.constant 0.000000e+00 : f32
    %broadcast_in_dim3A_122 = vector.broadcast %jit3A_121 : f32 to vector<8x1280xf32>
    %select_n3A_123 = arith.select %lt3A_120, %div3A_117, %broadcast_in_dim3A_122 : vector<8x1280xi1>, vector<8x1280xf32>
    %sub3A_124 = arith.constant 1.000000e+00 : f32
    %sub3A_125 = vector.broadcast %sub3A_124 : f32 to vector<8x1280xf32>
    %sub3A_126 = arith.subf %sub3A_125, %div3A_117 : vector<8x1280xf32>
    %jit3A_127 = arith.constant 0.000000e+00 : f32
    %broadcast_in_dim3A_128 = vector.broadcast %jit3A_127 : f32 to vector<8x1280xf32>
    %select_n3A_129 = arith.select %lt3A_120, %sub3A_126, %broadcast_in_dim3A_128 : vector<8x1280xi1>, vector<8x1280xf32>
    %slice3A_130 = vector.extract_strided_slice %get3A_1 {offsets = [0, 7680], sizes = [8, 1280], strides = [1, 1]} : vector<8x10240xf32> to vector<8x1280xf32>
    %neg3A_131 = arith.constant 0.000000e+00 : f32
    %neg3A_132 = vector.broadcast %neg3A_131 : f32 to vector<8x1280xf32>
    %neg3A_133 = arith.subf %neg3A_132, %slice3A_130 : vector<8x1280xf32>
    %exp3A_134 = math.exp %neg3A_133 : vector<8x1280xf32>
    %add3A_135 = arith.constant 1.000000e+00 : f32
    %add3A_136 = vector.broadcast %add3A_135 : f32 to vector<8x1280xf32>
    %add3A_137 = arith.addf %add3A_136, %exp3A_134 : vector<8x1280xf32>
    %div3A_138 = arith.constant 1.000000e+00 : f32
    %div3A_139 = vector.broadcast %div3A_138 : f32 to vector<8x1280xf32>
    %div3A_140 = arith.divf %div3A_139, %add3A_137 : vector<8x1280xf32>
    %lt3A_141 = arith.constant 2320 : i32
    %lt3A_142 = vector.broadcast %lt3A_141 : i32 to vector<8x1280xi32>
    %lt3A_143 = arith.cmpi slt, %iota3A, %lt3A_142 : vector<8x1280xi32>
    %jit3A_144 = arith.constant 0.000000e+00 : f32
    %broadcast_in_dim3A_145 = vector.broadcast %jit3A_144 : f32 to vector<8x1280xf32>
    %select_n3A_146 = arith.select %lt3A_143, %div3A_140, %broadcast_in_dim3A_145 : vector<8x1280xi1>, vector<8x1280xf32>
    %sub3A_147 = arith.constant 1.000000e+00 : f32
    %sub3A_148 = vector.broadcast %sub3A_147 : f32 to vector<8x1280xf32>
    %sub3A_149 = arith.subf %sub3A_148, %div3A_140 : vector<8x1280xf32>
    %jit3A_150 = arith.constant 0.000000e+00 : f32
    %broadcast_in_dim3A_151 = vector.broadcast %jit3A_150 : f32 to vector<8x1280xf32>
    %select_n3A_152 = arith.select %lt3A_143, %sub3A_149, %broadcast_in_dim3A_151 : vector<8x1280xi1>, vector<8x1280xf32>
    %slice3A_153 = vector.extract_strided_slice %get3A_1 {offsets = [0, 8960], sizes = [8, 1280], strides = [1, 1]} : vector<8x10240xf32> to vector<8x1280xf32>
    %neg3A_154 = arith.constant 0.000000e+00 : f32
    %neg3A_155 = vector.broadcast %neg3A_154 : f32 to vector<8x1280xf32>
    %neg3A_156 = arith.subf %neg3A_155, %slice3A_153 : vector<8x1280xf32>
    %exp3A_157 = math.exp %neg3A_156 : vector<8x1280xf32>
    %add3A_158 = arith.constant 1.000000e+00 : f32
    %add3A_159 = vector.broadcast %add3A_158 : f32 to vector<8x1280xf32>
    %add3A_160 = arith.addf %add3A_159, %exp3A_157 : vector<8x1280xf32>
    %div3A_161 = arith.constant 1.000000e+00 : f32
    %div3A_162 = vector.broadcast %div3A_161 : f32 to vector<8x1280xf32>
    %div3A_163 = arith.divf %div3A_162, %add3A_160 : vector<8x1280xf32>
    %lt3A_164 = arith.constant 1040 : i32
    %lt3A_165 = vector.broadcast %lt3A_164 : i32 to vector<8x1280xi32>
    %lt3A_166 = arith.cmpi slt, %iota3A, %lt3A_165 : vector<8x1280xi32>
    %jit3A_167 = arith.constant 0.000000e+00 : f32
    %broadcast_in_dim3A_168 = vector.broadcast %jit3A_167 : f32 to vector<8x1280xf32>
    %select_n3A_169 = arith.select %lt3A_166, %div3A_163, %broadcast_in_dim3A_168 : vector<8x1280xi1>, vector<8x1280xf32>
    %sub3A_170 = arith.constant 1.000000e+00 : f32
    %sub3A_171 = vector.broadcast %sub3A_170 : f32 to vector<8x1280xf32>
    %sub3A_172 = arith.subf %sub3A_171, %div3A_163 : vector<8x1280xf32>
    %jit3A_173 = arith.constant 0.000000e+00 : f32
    %broadcast_in_dim3A_174 = vector.broadcast %jit3A_173 : f32 to vector<8x1280xf32>
    %select_n3A_175 = arith.select %lt3A_166, %sub3A_172, %broadcast_in_dim3A_174 : vector<8x1280xi1>, vector<8x1280xf32>
    %concatenate3A = tpu.concatenate %select_n3A, %select_n3A_14, %select_n3A_31, %select_n3A_37, %select_n3A_54, %select_n3A_60, %select_n3A_77, %select_n3A_83, %select_n3A_100, %select_n3A_106, %select_n3A_123, %select_n3A_129, %select_n3A_146, %select_n3A_152, %select_n3A_169, %select_n3A_175 in 0 : vector<8x1280xf32>, vector<8x1280xf32>, vector<8x1280xf32>, vector<8x1280xf32>, vector<8x1280xf32>, vector<8x1280xf32>, vector<8x1280xf32>, vector<8x1280xf32>, vector<8x1280xf32>, vector<8x1280xf32>, vector<8x1280xf32>, vector<8x1280xf32>, vector<8x1280xf32>, vector<8x1280xf32>, vector<8x1280xf32>, vector<8x1280xf32> -> vector<128x1280xf32>
    %transpose3A = tpu.transpose %concatenate3A, [1, 0] : vector<128x1280xf32> -> vector<1280x128xf32>
    %swap3A = arith.constant 0 : index
    %swap3A_176 = arith.constant 0 : index
    %swap3A_177 = vector.load %arg1[%swap3A, %swap3A_176] : memref<1280x128xf32, #tpu.memory_space<vmem>>, vector<1280x128xf32>
    tpu.vector_store %arg1[%swap3A, %swap3A_176], %transpose3A {strides = array<i32>} : memref<1280x128xf32, #tpu.memory_space<vmem>>, vector<1280x128xf32>,
    return
  }
}

module attributes {stable_mosaic.version = 14 : i64} {
  func.func @_reduce_body(%arg0: memref<2560x128xf32, #tpu.memory_space<vmem>>, %arg1: memref<1280x128xf32, #tpu.memory_space<vmem>>, %arg2: memref<1x1xf32, #tpu.memory_space<vmem>>) attributes {dimension_semantics = [], scalar_prefetch = 0 : i64, scratch_operands = 0 : i64, tpu.core_type = #tpu.core_type<tc>} {
    %get3A = arith.constant 0 : index
    %get3A_0 = arith.constant 0 : index
    %get3A_1 = vector.load %arg1[%get3A, %get3A_0] : memref<1280x128xf32, #tpu.memory_space<vmem>>, vector<1280x128xf32>
    %get3A_2 = arith.constant 0 : index
    %get3A_3 = arith.constant 0 : index
    %get3A_4 = vector.load %arg0[%get3A_2, %get3A_3] : memref<2560x128xf32, #tpu.memory_space<vmem>>, vector<1280x128xf32>
    %get3A_5 = arith.constant 1280 : index
    %get3A_6 = arith.constant 0 : index
    %get3A_7 = vector.load %arg0[%get3A_5, %get3A_6] : memref<2560x128xf32, #tpu.memory_space<vmem>>, vector<1280x128xf32>
    %add3A = arith.addf %get3A_4, %get3A_7 : vector<1280x128xf32>
    %sub3A = arith.subf %add3A, %get3A_1 : vector<1280x128xf32>
    %iota3A = tpu.iota {dimensions = array<i32: 1>} : vector<1280x128xi32>
    %iota3A_8 = tpu.iota {dimensions = array<i32: 0>} : vector<1280x128xi32>
    %jit3A = arith.constant 16 : i32
    %div3A = vector.broadcast %jit3A : i32 to vector<1280x128xi32>
    %div3A_9 = arith.divsi %iota3A, %div3A : vector<1280x128xi32>
    %sign3A = arith.constant 0 : i32
    %sign3A_10 = vector.broadcast %sign3A : i32 to vector<1280x128xi32>
    %sign3A_11 = arith.cmpi sgt, %iota3A, %sign3A_10 : vector<1280x128xi32>
    %sign3A_12 = arith.extui %sign3A_11 : vector<1280x128xi1> to vector<1280x128xi32>
    %sign3A_13 = arith.constant 0 : i32
    %sign3A_14 = vector.broadcast %sign3A_13 : i32 to vector<1280x128xi32>
    %sign3A_15 = arith.cmpi slt, %iota3A, %sign3A_14 : vector<1280x128xi32>
    %sign3A_16 = arith.extui %sign3A_15 : vector<1280x128xi1> to vector<1280x128xi32>
    %sign3A_17 = arith.subi %sign3A_12, %sign3A_16 : vector<1280x128xi32>
    %sign3A_18 = arith.constant 0 : i32
    %sign3A_19 = arith.cmpi sgt, %jit3A, %sign3A_18 : i32
    %sign3A_20 = arith.extui %sign3A_19 : i1 to i32
    %sign3A_21 = arith.constant 0 : i32
    %sign3A_22 = arith.cmpi slt, %jit3A, %sign3A_21 : i32
    %sign3A_23 = arith.extui %sign3A_22 : i1 to i32
    %sign3A_24 = arith.subi %sign3A_20, %sign3A_23 : i32
    %ne3A = vector.broadcast %sign3A_24 : i32 to vector<1280x128xi32>
    %ne3A_25 = arith.cmpi ne, %sign3A_17, %ne3A : vector<1280x128xi32>
    %rem3A = vector.broadcast %jit3A : i32 to vector<1280x128xi32>
    %rem3A_26 = arith.remsi %iota3A, %rem3A : vector<1280x128xi32>
    %ne3A_27 = arith.constant 0 : i32
    %ne3A_28 = vector.broadcast %ne3A_27 : i32 to vector<1280x128xi32>
    %ne3A_29 = arith.cmpi ne, %rem3A_26, %ne3A_28 : vector<1280x128xi32>
    %and3A = arith.andi %ne3A_25, %ne3A_29 : vector<1280x128xi1>
    %sub3A_30 = arith.constant 1 : i32
    %sub3A_31 = vector.broadcast %sub3A_30 : i32 to vector<1280x128xi32>
    %sub3A_32 = arith.subi %div3A_9, %sub3A_31 : vector<1280x128xi32>
    %select_n3A = arith.select %and3A, %sub3A_32, %div3A_9 : vector<1280x128xi1>, vector<1280x128xi32>
    %mul3A = arith.constant 1280 : i32
    %mul3A_33 = vector.broadcast %mul3A : i32 to vector<1280x128xi32>
    %mul3A_34 = arith.muli %mul3A_33, %select_n3A : vector<1280x128xi32>
    %sub3A_35 = arith.constant 10000 : i32
    %sub3A_36 = vector.broadcast %sub3A_35 : i32 to vector<1280x128xi32>
    %sub3A_37 = arith.subi %sub3A_36, %mul3A_34 : vector<1280x128xi32>
    %lt3A = arith.cmpi slt, %iota3A_8, %sub3A_37 : vector<1280x128xi32>
    %jit3A_38 = arith.constant 0.000000e+00 : f32
    %broadcast_in_dim3A = vector.broadcast %jit3A_38 : f32 to vector<1280x128xf32>
    %select_n3A_39 = arith.select %lt3A, %sub3A, %broadcast_in_dim3A : vector<1280x128xi1>, vector<1280x128xf32>
    %jit3A_40 = arith.constant 0.000000e+00 : f32
    %broadcast_in_dim3A_41 = vector.broadcast %jit3A_40 : f32 to vector<1280x128xf32>
    %select_n3A_42 = arith.select %lt3A, %get3A_1, %broadcast_in_dim3A_41 : vector<1280x128xi1>, vector<1280x128xf32>
    %reduce_max3A = arith.constant dense<0xFF800000> : vector<128xf32>
    %reduce_max3A_43 = vector.multi_reduction <maximumf>, %select_n3A_39, %reduce_max3A [0] : vector<1280x128xf32> to vector<128xf32>
    %broadcast_in_dim3A_44 = vector.shape_cast %reduce_max3A_43 : vector<128xf32> to vector<1x128xf32>
    %slice3A = vector.extract_strided_slice %broadcast_in_dim3A_44 {offsets = [0, 0], sizes = [1, 16], strides = [1, 1]} : vector<1x128xf32> to vector<1x16xf32>
    %slice3A_45 = vector.extract_strided_slice %broadcast_in_dim3A_44 {offsets = [0, 16], sizes = [1, 16], strides = [1, 1]} : vector<1x128xf32> to vector<1x16xf32>
    %max3A = arith.maximumf %slice3A, %slice3A_45 : vector<1x16xf32>
    %slice3A_46 = vector.extract_strided_slice %broadcast_in_dim3A_44 {offsets = [0, 32], sizes = [1, 16], strides = [1, 1]} : vector<1x128xf32> to vector<1x16xf32>
    %max3A_47 = arith.maximumf %max3A, %slice3A_46 : vector<1x16xf32>
    %slice3A_48 = vector.extract_strided_slice %broadcast_in_dim3A_44 {offsets = [0, 48], sizes = [1, 16], strides = [1, 1]} : vector<1x128xf32> to vector<1x16xf32>
    %max3A_49 = arith.maximumf %max3A_47, %slice3A_48 : vector<1x16xf32>
    %slice3A_50 = vector.extract_strided_slice %broadcast_in_dim3A_44 {offsets = [0, 64], sizes = [1, 16], strides = [1, 1]} : vector<1x128xf32> to vector<1x16xf32>
    %max3A_51 = arith.maximumf %max3A_49, %slice3A_50 : vector<1x16xf32>
    %slice3A_52 = vector.extract_strided_slice %broadcast_in_dim3A_44 {offsets = [0, 80], sizes = [1, 16], strides = [1, 1]} : vector<1x128xf32> to vector<1x16xf32>
    %max3A_53 = arith.maximumf %max3A_51, %slice3A_52 : vector<1x16xf32>
    %slice3A_54 = vector.extract_strided_slice %broadcast_in_dim3A_44 {offsets = [0, 96], sizes = [1, 16], strides = [1, 1]} : vector<1x128xf32> to vector<1x16xf32>
    %max3A_55 = arith.maximumf %max3A_53, %slice3A_54 : vector<1x16xf32>
    %slice3A_56 = vector.extract_strided_slice %broadcast_in_dim3A_44 {offsets = [0, 112], sizes = [1, 16], strides = [1, 1]} : vector<1x128xf32> to vector<1x16xf32>
    %max3A_57 = arith.maximumf %max3A_55, %slice3A_56 : vector<1x16xf32>
    %reduce_sum3A = arith.constant dense<0.000000e+00> : vector<128xf32>
    %reduce_sum3A_58 = vector.multi_reduction <add>, %select_n3A_39, %reduce_sum3A [0] : vector<1280x128xf32> to vector<128xf32>
    %broadcast_in_dim3A_59 = vector.shape_cast %reduce_sum3A_58 : vector<128xf32> to vector<1x128xf32>
    %slice3A_60 = vector.extract_strided_slice %broadcast_in_dim3A_59 {offsets = [0, 0], sizes = [1, 16], strides = [1, 1]} : vector<1x128xf32> to vector<1x16xf32>
    %slice3A_61 = vector.extract_strided_slice %broadcast_in_dim3A_59 {offsets = [0, 16], sizes = [1, 16], strides = [1, 1]} : vector<1x128xf32> to vector<1x16xf32>
    %add3A_62 = arith.addf %slice3A_60, %slice3A_61 : vector<1x16xf32>
    %slice3A_63 = vector.extract_strided_slice %broadcast_in_dim3A_59 {offsets = [0, 32], sizes = [1, 16], strides = [1, 1]} : vector<1x128xf32> to vector<1x16xf32>
    %add3A_64 = arith.addf %add3A_62, %slice3A_63 : vector<1x16xf32>
    %slice3A_65 = vector.extract_strided_slice %broadcast_in_dim3A_59 {offsets = [0, 48], sizes = [1, 16], strides = [1, 1]} : vector<1x128xf32> to vector<1x16xf32>
    %add3A_66 = arith.addf %add3A_64, %slice3A_65 : vector<1x16xf32>
    %slice3A_67 = vector.extract_strided_slice %broadcast_in_dim3A_59 {offsets = [0, 64], sizes = [1, 16], strides = [1, 1]} : vector<1x128xf32> to vector<1x16xf32>
    %add3A_68 = arith.addf %add3A_66, %slice3A_67 : vector<1x16xf32>
    %slice3A_69 = vector.extract_strided_slice %broadcast_in_dim3A_59 {offsets = [0, 80], sizes = [1, 16], strides = [1, 1]} : vector<1x128xf32> to vector<1x16xf32>
    %add3A_70 = arith.addf %add3A_68, %slice3A_69 : vector<1x16xf32>
    %slice3A_71 = vector.extract_strided_slice %broadcast_in_dim3A_59 {offsets = [0, 96], sizes = [1, 16], strides = [1, 1]} : vector<1x128xf32> to vector<1x16xf32>
    %add3A_72 = arith.addf %add3A_70, %slice3A_71 : vector<1x16xf32>
    %slice3A_73 = vector.extract_strided_slice %broadcast_in_dim3A_59 {offsets = [0, 112], sizes = [1, 16], strides = [1, 1]} : vector<1x128xf32> to vector<1x16xf32>
    %add3A_74 = arith.addf %add3A_72, %slice3A_73 : vector<1x16xf32>
    %concatenate3A = tpu.concatenate %max3A_57, %max3A_57, %max3A_57, %max3A_57, %max3A_57, %max3A_57, %max3A_57, %max3A_57 in 1 : vector<1x16xf32>, vector<1x16xf32>, vector<1x16xf32>, vector<1x16xf32>, vector<1x16xf32>, vector<1x16xf32>, vector<1x16xf32>, vector<1x16xf32> -> vector<1x128xf32>
    %add3A_75 = arith.constant 9.99999997E-7 : f32
    %add3A_76 = vector.broadcast %add3A_75 : f32 to vector<1x128xf32>
    %add3A_77 = arith.addf %concatenate3A, %add3A_76 : vector<1x128xf32>
    %div3A_78 = vector.broadcast %add3A_77 : vector<1x128xf32> to vector<1280x128xf32>
    %div3A_79 = arith.divf %select_n3A_39, %div3A_78 : vector<1280x128xf32>
    %sub3A_80 = arith.subf %select_n3A_42, %div3A_79 : vector<1280x128xf32>
    %abs3A = math.absf %sub3A_80 : vector<1280x128xf32>
    %reduce_sum3A_81 = arith.constant dense<0.000000e+00> : vector<128xf32>
    %reduce_sum3A_82 = vector.multi_reduction <add>, %abs3A, %reduce_sum3A_81 [0] : vector<1280x128xf32> to vector<128xf32>
    %broadcast_in_dim3A_83 = vector.shape_cast %reduce_sum3A_82 : vector<128xf32> to vector<1x128xf32>
    %slice3A_84 = vector.extract_strided_slice %broadcast_in_dim3A_83 {offsets = [0, 0], sizes = [1, 16], strides = [1, 1]} : vector<1x128xf32> to vector<1x16xf32>
    %slice3A_85 = vector.extract_strided_slice %broadcast_in_dim3A_83 {offsets = [0, 16], sizes = [1, 16], strides = [1, 1]} : vector<1x128xf32> to vector<1x16xf32>
    %add3A_86 = arith.addf %slice3A_84, %slice3A_85 : vector<1x16xf32>
    %slice3A_87 = vector.extract_strided_slice %broadcast_in_dim3A_83 {offsets = [0, 32], sizes = [1, 16], strides = [1, 1]} : vector<1x128xf32> to vector<1x16xf32>
    %add3A_88 = arith.addf %add3A_86, %slice3A_87 : vector<1x16xf32>
    %slice3A_89 = vector.extract_strided_slice %broadcast_in_dim3A_83 {offsets = [0, 48], sizes = [1, 16], strides = [1, 1]} : vector<1x128xf32> to vector<1x16xf32>
    %add3A_90 = arith.addf %add3A_88, %slice3A_89 : vector<1x16xf32>
    %slice3A_91 = vector.extract_strided_slice %broadcast_in_dim3A_83 {offsets = [0, 64], sizes = [1, 16], strides = [1, 1]} : vector<1x128xf32> to vector<1x16xf32>
    %add3A_92 = arith.addf %add3A_90, %slice3A_91 : vector<1x16xf32>
    %slice3A_93 = vector.extract_strided_slice %broadcast_in_dim3A_83 {offsets = [0, 80], sizes = [1, 16], strides = [1, 1]} : vector<1x128xf32> to vector<1x16xf32>
    %add3A_94 = arith.addf %add3A_92, %slice3A_93 : vector<1x16xf32>
    %slice3A_95 = vector.extract_strided_slice %broadcast_in_dim3A_83 {offsets = [0, 96], sizes = [1, 16], strides = [1, 1]} : vector<1x128xf32> to vector<1x16xf32>
    %add3A_96 = arith.addf %add3A_94, %slice3A_95 : vector<1x16xf32>
    %slice3A_97 = vector.extract_strided_slice %broadcast_in_dim3A_83 {offsets = [0, 112], sizes = [1, 16], strides = [1, 1]} : vector<1x128xf32> to vector<1x16xf32>
    %add3A_98 = arith.addf %add3A_96, %slice3A_97 : vector<1x16xf32>
    %slice3A_99 = vector.extract_strided_slice %add3A_98 {offsets = [0, 0], sizes = [1, 8], strides = [1, 1]} : vector<1x16xf32> to vector<1x8xf32>
    %slice3A_100 = vector.extract_strided_slice %add3A_98 {offsets = [0, 8], sizes = [1, 8], strides = [1, 1]} : vector<1x16xf32> to vector<1x8xf32>
    %add3A_101 = arith.addf %slice3A_99, %slice3A_100 : vector<1x8xf32>
    %slice3A_102 = vector.extract_strided_slice %add3A_74 {offsets = [0, 0], sizes = [1, 8], strides = [1, 1]} : vector<1x16xf32> to vector<1x8xf32>
    %slice3A_103 = vector.extract_strided_slice %add3A_74 {offsets = [0, 8], sizes = [1, 8], strides = [1, 1]} : vector<1x16xf32> to vector<1x8xf32>
    %add3A_104 = arith.addf %slice3A_102, %slice3A_103 : vector<1x8xf32>
    %add3A_105 = arith.constant 1.000000e-03 : f32
    %add3A_106 = vector.broadcast %add3A_105 : f32 to vector<1x8xf32>
    %add3A_107 = arith.addf %add3A_104, %add3A_106 : vector<1x8xf32>
    %div3A_108 = arith.divf %add3A_101, %add3A_107 : vector<1x8xf32>
    %log1p3A = math.log1p %div3A_108 : vector<1x8xf32>
    %reduce_sum3A_109 = vector.shape_cast %log1p3A : vector<1x8xf32> to vector<1x1x8xf32>
    %reduce_sum3A_110 = arith.constant dense<0.000000e+00> : vector<1xf32>
    %reduce_sum3A_111 = vector.multi_reduction <add>, %reduce_sum3A_109, %reduce_sum3A_110 [1, 2] : vector<1x1x8xf32> to vector<1xf32>
    %reduce_sum3A_112 = vector.shape_cast %reduce_sum3A_111 : vector<1xf32> to vector<1x1x1xf32>
    %reduce_sum3A_113 = vector.extract %reduce_sum3A_112[0, 0, 0] : f32 from vector<1x1x1xf32>
    %div3A_114 = arith.constant 8.000000e+00 : f32
    %div3A_115 = arith.divf %reduce_sum3A_113, %div3A_114 : f32
    %reshape3A = vector.broadcast %div3A_115 : f32 to vector<1x1xf32>
    %swap3A = arith.constant 0 : index
    %swap3A_116 = arith.constant 0 : index
    %swap3A_117 = vector.load %arg2[%swap3A, %swap3A_116] : memref<1x1xf32, #tpu.memory_space<vmem>>, vector<1x1xf32>
    tpu.vector_store %arg2[%swap3A, %swap3A_116], %reshape3A {strides = array<i32>} : memref<1x1xf32, #tpu.memory_space<vmem>>, vector<1x1xf32>,
    return
  }
}

</mosaic_0001>

<sc_bundles>
// kernel: kernel.5.cloned.1.call-start
scs
__scs_entry_jumppad:
0x0: {  	(pc) =	sbr.rel $0x88, $3  }
0x1: {  	(tag) =	ssettag $0x0;
	lr =	simm.s32 $0x1  }
0x2: {  	[smem:$0x3F9F] =	sst lr;
	_ =	strace $0xD0000000  }
0x3: {  	_ = 	snop  }
0x4: {  	_ = 	snop  }
0x5: {  	_ = 	snop  }
0x6: {  	_ = 	snop  }
0x7: {  	_ = 	snop  }
__scs_overlays_trampoline_lowered:
0x8: {  	[smem:$0x3FAE] =	sst s0  }
0x9: {  	[smem:$0x3FAF] =	sst s1  }
0xa: {  	[smem:$0x3FB0] =	sst s2  }
0xb: {  	[smem:$0x3FB1] =	sst s3  }
0xc: {  	[smem:$0x3FB2] =	sst s4  }
0xd: {  	[smem:$0x3FB3] =	sst s5  }
0xe: {  	[smem:$0x3FB4] =	sst s6  }
0xf: {  	[smem:$0x3FB5] =	sst s7  }
0x10: {  	[smem:$0x3FB6] =	sst s8  }
0x11: {  	[smem:$0x3FB7] =	sst s9;
	s0 =	simm.s32 @!p0 $0x0  }
0x12: {  	s1 =	sld [smem:$0x3F9D];
	s0 =	simm.s32 @p0 $0x1  }
0x13: {  	[smem:$0x3FB8] =	sst s0;
	s0 =	simm.s32 @!p1 $0x0  }
0x14: {  	s2 =	sld [smem:$0x3F9C];
	s0 =	simm.s32 @p1 $0x1  }
0x15: {  	[smem:$0x3FB9] =	sst s0;
	s0 =	simm.s32 @!p2 $0x0  }
0x16: {  	s3 =	sld [smem:$0x3FDB];
	s0 =	simm.s32 @p2 $0x1  }
0x17: {  	s4 =	simm.s32 $0x1BF5;
	[smem:$0x3FBB] =	sst s0  }
0x18: {  	s0 =	sld [smem:$0x3F9E];
	_ =	swait.ge [sflag:s4], $0x0  }
0x19: {  	s7 =	sld [smem:$0x3F9F]  }
0x1a: {  	s8 =	sadd.s32 $0xFFFFE003, lr  }
0x1b: {  	s9 =	sadd.s32 $0xFFFFFEF7, lr;
	s5 =	simm.s32 $0xFFFFFFFF;
	p2 =	slt.u32 s8, $0xFFFFF086  }
0x1c: {  	p1 =	slt.u32 s9, $0xF7A;
	s5 =	simm.s32 @!p2 $0x0  }
0x1d: {  	s5 =	simm.s32 @p1 $0x1;
	p0 =	seq.s32 s7, s2  }
0x1e: {  	s7 =	smul.u32 @!p0 $0xF7A, s2;
	p2 =	seq.s32 @!p0 s5, $0x0  }
0x1f: {  	s9 =	smul.u32 $0xF7A, s1;
	s8 =	simm.s32 @!p0 $0x1BF5;
	p2 =	por !p2, p0  }
0x20: {  	[sflag:s8] =	ssyncset.s32 @!p0 $0xFFFFF086;
	s6 =	sadd.s32 @!p0 s3, s7;
	s7 =	simm.s32 @!p0 $0x108  }
0x21: {  	s3 =	sadd.s32 s3, s9;
	s6 =	sadd.s32 @!p0 $0x88, s6;
	s7 =	simm.s32 @p2 $0x1082  }
0x22: {  	[simem:s7], [sflag:s8] =	dma.local @!p0 [hbm:s6], $0xF7A  }
0x23: {  	s9 =	sor.u32 $0xD0000000, s2;
	s6 =	simm.s32 $0x108;
	_ =	swait.ge @!p0 [sflag:s8], $0x0  }
0x24: {  	s3 =	sadd.s32 $0x88, s3;
	s6 =	simm.s32 @!p1 $0x1082;
	[sflag:s4] =	ssyncset.s32 $0xFFFFF086  }
0x25: {  	[simem:s6], [sflag:s4] =	dma.local [hbm:s3], $0xF7A  }
0x26: {  	[smem:$0x3F9F] =	sst s1;
	(tag) =	ssettag s2;
	_ =	strace s9  }
0x27: {  	s1 =	sld [smem:$0x3FAF]  }
0x28: {  	s2 =	sld [smem:$0x3FB0]  }
0x29: {  	s4 =	sld [smem:$0x3FB2]  }
0x2a: {  	p0 =	seq.s32 s5, $0x0;
	s5 =	sld [smem:$0x3FB3]  }
0x2b: {  	s6 =	sld [smem:$0x3FB4]  }
0x2c: {  	s7 =	sld [smem:$0x3FB5]  }
0x2d: {  	s3 =	simm.s32 $0x108;
	s8 =	sld [smem:$0x3FB6]  }
0x2e: {  	s3 =	simm.s32 @!p0 $0x1082;
	s9 =	sld [smem:$0x3FB7]  }
0x2f: {  	lr =	sadd.s32 s0, s3;
	s0 =	sld [smem:$0x3FAE]  }
0x30: {  	s3 =	sld [smem:$0x3FB1]  }
0x31: {  	[smem:$0x3FBA] =	sst s10  }
0x32: {  	s10 =	sld [smem:$0x3FB8];
	_ =	sdelay $0x3  }
0x33: {  	p0 =	seq.s32 s10, $0x1;
	s10 =	sld [smem:$0x3FBA];
	_ =	sdelay $0x3  }
0x34: {  	[smem:$0x3FBA] =	sst s10  }
0x35: {  	s10 =	sld [smem:$0x3FB9];
	_ =	sdelay $0x3  }
0x36: {  	p1 =	seq.s32 s10, $0x1;
	s10 =	sld [smem:$0x3FBA];
	_ =	sdelay $0x3  }
0x37: {  	[smem:$0x3FBA] =	sst s10  }
0x38: {  	s10 =	sld [smem:$0x3FBB]  }
0x39: {  	_ = 	snop;
	(pc) =	sbr.ind lr, $3  }
0x3a: {  	_ = 	snop  }
0x3b: {  	_ = 	snop  }
0x3c: {  	p2 =	seq.s32 s10, $0x1;
	s10 =	sld [smem:$0x3FBA]  }
0x3d: {  	_ =	shalt  }
0x3e: {  	_ =	shalt  }
0x3f: {  	_ =	shalt  }
0x40: {  	_ =	shalt  }
0x41: {  	_ =	shalt  }
0x42: {  	_ =	shalt  }
0x43: {  	_ =	shalt  }
0x44: {  	_ =	shalt  }
0x45: {  	_ =	shalt  }
0x46: {  	_ =	shalt  }
0x47: {  	_ =	shalt  }
0x48: {  	_ =	shalt  }
0x49: {  	_ =	shalt  }
0x4a: {  	_ =	shalt  }
0x4b: {  	_ =	shalt  }
0x4c: {  	_ =	shalt  }
0x4d: {  	_ =	shalt  }
0x4e: {  	_ =	shalt  }
0x4f: {  	_ =	shalt  }
0x50: {  	_ =	shalt  }
0x51: {  	_ =	shalt  }
0x52: {  	_ =	shalt  }
0x53: {  	_ =	shalt  }
0x54: {  	_ =	shalt  }
0x55: {  	_ =	shalt  }
0x56: {  	_ =	shalt  }
0x57: {  	_ =	shalt  }
0x58: {  	_ =	shalt  }
0x59: {  	_ =	shalt  }
0x5a: {  	_ =	shalt  }
0x5b: {  	_ =	shalt  }
0x5c: {  	_ =	shalt  }
0x5d: {  	_ =	shalt  }
0x5e: {  	_ =	shalt  }
0x5f: {  	_ =	shalt  }
0x60: {  	_ =	shalt  }
0x61: {  	_ =	shalt  }
0x62: {  	_ =	shalt  }
0x63: {  	_ =	shalt  }
0x64: {  	_ =	shalt  }
0x65: {  	_ =	shalt  }
0x66: {  	_ =	shalt  }
0x67: {  	_ =	shalt  }
0x68: {  	_ =	shalt  }
0x69: {  	_ =	shalt  }
0x6a: {  	_ =	shalt  }
0x6b: {  	_ =	shalt  }
0x6c: {  	_ =	shalt  }
0x6d: {  	_ =	shalt  }
0x6e: {  	_ =	shalt  }
0x6f: {  	_ =	shalt  }
0x70: {  	_ =	shalt  }
0x71: {  	_ =	shalt  }
0x72: {  	_ =	shalt  }
0x73: {  	_ =	shalt  }
0x74: {  	_ =	shalt  }
0x75: {  	_ =	shalt  }
0x76: {  	_ =	shalt  }
0x77: {  	_ =	shalt  }
0x78: {  	_ =	shalt  }
0x79: {  	_ =	shalt  }
0x7a: {  	_ =	shalt  }
0x7b: {  	_ =	shalt  }
0x7c: {  	_ =	shalt  }
0x7d: {  	_ =	shalt  }
0x7e: {  	_ =	shalt  }
0x7f: {  	_ =	shalt  }
0x80: {  	_ =	shalt  }
0x81: {  	_ =	shalt  }
0x82: {  	_ =	shalt  }
0x83: {  	_ =	shalt  }
0x84: {  	_ =	shalt  }
0x85: {  	_ =	shalt  }
0x86: {  	_ =	shalt  }
0x87: {  	_ =	shalt  }
.Lfunc_end0:
.L_simem_size_0:
called_computation_lowered:
.L_overlay_start_0:
0x88: {  	s2 =	sld [smem:$0x3FD9]  }
0x89: {  	s3 =	sld [smem:$0x3FFE];
	_ =	sdelay $0x1  }
0x8a: {  	s1 =	srdreg.scid  }
0x8b: {  	s0 =	sand.u32 $0x1, s1  }
0x8c: {  	s16 =	sshll.u32 s0, $0xA;
	s2 =	sadd.s32 s3, s2  }
0x8d: {  	s2 =	sadd.s32 s2, s16  }
0x8e: {  	[smem:$0x3FC6] =	sst s2  }
0x8f: {  	_ = 	snop  }
0x90: {  	(tm) =	ssettm $0x1  }
0x91: {  	s17 =	sld [smem:$0x3FFB];
	_ =	sdelay $0x3  }
0x92: {  	_ =	strace s17  }
0x93: {  	s2 =	sld [smem:$0x3FFC];
	_ =	sdelay $0x3  }
0x94: {  	_ =	strace s2  }
0x95: {  	s2 =	sld [smem:$0x3FFD];
	_ =	sdelay $0x3  }
0x96: {  	_ =	strace s2  }
0x97: {  	_ =	strace $0x8FFFFFFF  }
0x98: {  	s18 =	sld [smem:$0x3FDB];
	_ =	sdelay $0x1  }
0x99: {  	s19 =	simm.s32 $_scs_section_size  }
0x9a: {  	s4 =	simm.s32 $_size__tile_overlayer_lowered;
	s5 =	simm.s32 $_tile_overlayer_lowered  }
0x9b: {  	s22 =	simm.s32 $0x1BFF;
	s21 =	sshll.u32 s5, $0x1;
	s2 =	sadd.s32 s19, s18  }
0x9c: {  	s6 =	simm.s32 $0x0;
	s20 =	sshll.u32 s4, $0x1;
	s4 =	sadd.s32 s21, s2  }
0x9d: {  	[timem:s6], [sflag:s22] =	dma.local [hbm:s4], s20  }
0x9e: {  	_ =	swait.ge [sflag:s22], s20  }
0x9f: {  	s3 =	ssub.s32 $0x0, s20;
	[sflag:s22] =	ssyncset.done $0x0  }
0xa0: {  	[sflag:s22] =	ssyncadd.s32 s3;
	_ =	sdelay $0x1  }
0xa1: {  	s23 =	simm.s32 $0x1B8B  }
0xa2: {  	_ =	swait.ge [sflag:s23], $0x1  }
0xa3: {  	[sflag:s23] =	ssyncset.done $0x0  }
0xa4: {  	s25 =	simm.s32 $0x1B8E;
	s24 =	sld [smem:$0x3FFE];
	[sflag:s23] =	ssyncadd.s32 $0xFFFFFFFF  }
0xa5: {  	s26 =	simm.s32 $execute0_lowered;
	[smem:$0x3FD2] =	sst s25  }
0xa6: {  	s4 =	sshll.u32 s26, $0x1;
	_ =	strace $0x80000046;
	[dreg:$0x1] =	wrdreg $0xFFFFFFFF  }
0xa7: {  	s28 =	simm.s32 $_size_execute0_lowered;
	s2 =	sadd.s32 s2, s4;
	[dreg:$0x0] =	wrdreg $0x0  }
0xa8: {  	s4 =	sshll.u32 s28, $0x1;
	[dreg:$0x2] =	wrdreg s2  }
0xa9: {  	[dreg:$0x3] =	wrdreg s4  }
0xaa: {  	[dreg:$0x4] =	wrdreg $0xC0  }
0xab: {  	_ =	task [dreg:s6], $0x5FFFF  }
0xac: {  	[dreg:$0x1] =	wrdreg $0xFFFFFFFF  }
0xad: {  	[dreg:$0x0] =	wrdreg $0x60  }
0xae: {  	[dreg:$0x2] =	wrdreg s24  }
0xaf: {  	[dreg:$0x3] =	wrdreg $0x27800  }
0xb0: {  	[dreg:$0x4] =	wrdreg $0x4F800  }
0xb1: {  	[dreg:$0x5] =	wrdreg $0x9  }
0xb2: {  	_ =	task.clear_ibuf [dreg:s6], $0x6FFFF;
	_ =	strace $0x90000046  }
0xb3: {  	s29 =	simm.s32 $0x9;
	_ =	strace $0x80000048  }
0xb4: {  	_ =	swait.ge [sflag:s29], $0x1  }
0xb5: {  	[sflag:s29] =	ssyncadd.s32 $0xFFFFFFFF  }
0xb6: {  	_ =	strace $0x90000048  }
0xb7: {  	_ =	sfence  }
0xb8: {  	s30 =	sld [smem:$0x0];
	_ =	sdelay $0x2  }
0xb9: {  	s31 =	sshll.u32 s1, $0xD;
	s1 =	sshrl.u32 s1, $0x2  }
0xba: {  	s3 =	sand.u32 $0x4000, s31;
	s1 =	sadd.s32 s1, s30  }
0xbb: {  	s0 =	sor.u32 s3, s0;
	s1 =	sshll.u32 s1, $0x11  }
0xbc: {  	s0 =	sor.u32 s1, s0  }
0xbd: {  	s0 =	sadd.s32 $0x8F2B, s0  }
0xbe: {  	[sflag:s0] =	ssyncadd.remote.s32 $0x1  }
0xbf: {  	_ =	sfence.sel $0xFFFF  }
0xc0: {  	[dreg:$0x0] =	wrdreg $0xFFFFFFFF;
	(pc) =	sbr.abs _section_cstart, $3  }
0xc1: {  	[dreg:$0x1] =	wrdreg $0xFFFFFFFF  }
0xc2: {  	_ =	task.clear_ibuf [dreg:s6], $0x2FFFF;
	_ =	strace $0x9FFFFFFF  }
0xc3: {  	(tm) =	ssettm $0x7FFFFFFF  }
tec
execute0_lowered:
.L_overlay_start_1:
0x0: {  	(tag) =	ssettag $0x1  }
0x1: {  	s5 =	rddreg [dreg:$0x0]  }
0x2: {  	s2 =	rddreg [dreg:$0x1];
	s0 =	srdreg.scid  }
0x3: {  	s3 =	rddreg [dreg:$0x2];
	s1 =	stileid.u32;
	s0 =	sand.u32 $0x1, s0  }
0x4: {  	s4 =	simm.s32 $0x0;
	s9 =	smul.u32 $0x2800, s1;
	s6 =	sshll.u32 s0, $0x4  }
0x5: {  	[smem:$0x7FF] =	sst s4;
	s7 =	smul.u32 $0x28000, s0;
	s6 =	sor.u32 s1, s6  }
0x6: {  	s25 =	sshll.u32 s1, $0x6;
	_ =	strace $0x80000047;
	s6 =	smul.u32 $0xF0, s6  }
0x7: {  	s8 =	sshrl.u32 s9, $0x3;
	s10 =	sadd.s32 s9, s2;
	s7 =	sadd.s32 s9, s7  }
0x8: {  	s8 =	sadd.s32 s8, s5;
	s7 =	sshrl.u32 s7, $0x3;
	s6 =	sadd.s32 s6, s5  }
0x9: {  	s7 =	sadd.s32 s7, s5;
	s5 =	sadd.s32 $0x1000, s8;
	s11 =	sadd.s32 $0x6000, s6  }
0xa: {  	s8 =	sshrl.u32 s10, $0x3;
	s7 =	sadd.s32 $0x7E00, s7;
	[dreg:$0x4] =	wrdreg s11  }
0xb: {  	s6 =	sor.u32 $0x1C03, s25;
	[dreg:$0x5] =	wrdreg s7;
	s7 =	simm.s32 $0x3  }
0xc: {  	[spmem:s8], [sflag:s6] =	dma.local [hbm:s5], $0x500  }
0xd: {  	_ =	swait.ge [sflag:s7], $0x500  }
0xe: {  	s9 =	sadd.s32 s9, s3;
	[sflag:s7] =	ssyncset.done $0x0  }
0xf: {  	s9 =	sshrl.u32 s9, $0x3;
	[sflag:s7] =	ssyncadd.s32 $0xFFFFFB00  }
0x10: {  	[spmem:s9], [sflag:s6] =	dma.local [hbm:s5], $0x500  }
0x11: {  	_ =	swait.ge [sflag:s7], $0x500  }
0x12: {  	[sflag:s7] =	ssyncset.done $0x0  }
0x13: {  	s10 =	simm.s32 $0x2000;
	s26 =	rddreg [dreg:$0x4];
	[sflag:s7] =	ssyncadd.s32 $0xFFFFFB00  }
0x14: {  	[tilespmem:s10], [sflag:$0x3] =	stream.linear.gather [hbm4b:s26+s4], $0x780, $0x38;
	[tilespmem:$0x7780] =	vst v63  }
0x15: {  	_ =	swait.ge [sflag:s7], $0x780  }
0x16: {  	[sflag:s7] =	ssyncset.done $0x0  }
0x17: {  	[sflag:s7] =	ssyncadd.s32 $0xFFFFF880  }
0x18: {  	s12 =	simm.s32 $0x2280;
	s11 =	simm.s32 $0x80;
	[bflag:$0x0] =	sbarrier.arrive $0xFFFF  }
0x19: {  	[tilespmem:s4], [sflag:$0x1] =	stream.indirect.gather [spmem:s2], $0x10, s12, s11, $0xb8;
	[tilespmem:$0x7780] =	vst v63  }
0x1a: {  	s13 =	simm.s32 $0x2300;
	s14 =	simm.s32 $0x800;
	s15 =	simm.s32 $0x1  }
0x1b: {  	[tilespmem:s14], [sflag:$0x2] =	stream.indirect.gather [spmem:s2], $0x10, s13, s11, $0xb8;
	[tilespmem:$0x7780] =	vst v63  }
0x1c: {  	_ =	swait.ge [sflag:s15], $0x800  }
0x1d: {  	[sflag:s15] =	ssyncset.done $0x0  }
0x1e: {  	[sflag:s15] =	ssyncadd.s32 $0xFFFFF800  }
0x1f: {  	[spmem:s3] =	stream.indirect.scatter.add.f32 [tilespmem:s4], [sflag:$0x3], $0x10, s10, s11, $0xb8;
	[tilespmem:$0x7780] =	vst v63  }
0x20: {  	_ =	swait.ge [sflag:s7], $0x800  }
0x21: {  	s16 =	simm.s32 $0x2380;
	[sflag:s7] =	ssyncset.done $0x0  }
0x22: {  	s17 =	simm.s32 $0x1000;
	s18 =	simm.s32 $0x2;
	[sflag:s7] =	ssyncadd.s32 $0xFFFFF800  }
0x23: {  	[tilespmem:s17], [sflag:$0x1] =	stream.indirect.gather [spmem:s2], $0x10, s16, s11, $0xb8;
	[tilespmem:$0x7780] =	vst v63  }
0x24: {  	_ =	swait.ge [sflag:s18], $0x800  }
0x25: {  	[sflag:s18] =	ssyncset.done $0x0  }
0x26: {  	s19 =	simm.s32 $0x2080;
	[sflag:s18] =	ssyncadd.s32 $0xFFFFF800  }
0x27: {  	[spmem:s3] =	stream.indirect.scatter.add.f32 [tilespmem:s14], [sflag:$0x3], $0x10, s19, s11, $0xb8;
	[tilespmem:$0x7780] =	vst v63  }
0x28: {  	_ =	swait.ge [sflag:s7], $0x800  }
0x29: {  	[sflag:s7] =	ssyncset.done $0x0  }
0x2a: {  	s20 =	simm.s32 $0x2400;
	s21 =	simm.s32 $0x1800;
	[sflag:s7] =	ssyncadd.s32 $0xFFFFF800  }
0x2b: {  	[tilespmem:s21], [sflag:$0x2] =	stream.indirect.gather [spmem:s2], $0x10, s20, s11, $0xb8;
	[tilespmem:$0x7780] =	vst v63  }
0x2c: {  	_ =	swait.ge [sflag:s15], $0x800  }
0x2d: {  	[sflag:s15] =	ssyncset.done $0x0  }
0x2e: {  	s22 =	simm.s32 $0x2100;
	[sflag:s15] =	ssyncadd.s32 $0xFFFFF800  }
0x2f: {  	[spmem:s3] =	stream.indirect.scatter.add.f32 [tilespmem:s17], [sflag:$0x3], $0x10, s22, s11, $0xb8;
	[tilespmem:$0x7780] =	vst v63  }
0x30: {  	_ =	swait.ge [sflag:s7], $0x800  }
0x31: {  	[sflag:s7] =	ssyncset.done $0x0  }
0x32: {  	s23 =	simm.s32 $0x2480;
	[sflag:s7] =	ssyncadd.s32 $0xFFFFF800  }
0x33: {  	[tilespmem:s4], [sflag:$0x1] =	stream.indirect.gather [spmem:s2], $0x10, s23, s11, $0xb8;
	[tilespmem:$0x7780] =	vst v63  }
0x34: {  	_ =	swait.ge [sflag:s18], $0x800  }
0x35: {  	[sflag:s18] =	ssyncset.done $0x0  }
0x36: {  	s24 =	simm.s32 $0x2180;
	[sflag:s18] =	ssyncadd.s32 $0xFFFFF800  }
0x37: {  	[spmem:s3] =	stream.indirect.scatter.add.f32 [tilespmem:s21], [sflag:$0x3], $0x10, s24, s11, $0xb8;
	[tilespmem:$0x7780] =	vst v63  }
0x38: {  	_ =	swait.ge [sflag:s7], $0x800  }
0x39: {  	[sflag:s7] =	ssyncset.done $0x0  }
0x3a: {  	s25 =	simm.s32 $0x2500;
	[sflag:s7] =	ssyncadd.s32 $0xFFFFF800  }
0x3b: {  	[tilespmem:s14], [sflag:$0x2] =	stream.indirect.gather [spmem:s2], $0x10, s25, s11, $0xb8;
	[tilespmem:$0x7780] =	vst v63  }
0x3c: {  	_ =	swait.ge [sflag:s15], $0x800  }
0x3d: {  	[sflag:s15] =	ssyncset.done $0x0  }
0x3e: {  	s26 =	simm.s32 $0x2200;
	[sflag:s15] =	ssyncadd.s32 $0xFFFFF800  }
0x3f: {  	[spmem:s3] =	stream.indirect.scatter.add.f32 [tilespmem:s4], [sflag:$0x3], $0x10, s26, s11, $0xb8;
	[tilespmem:$0x7780] =	vst v63  }
0x40: {  	_ =	swait.ge [sflag:s7], $0x800  }
0x41: {  	[sflag:s7] =	ssyncset.done $0x0  }
0x42: {  	s28 =	simm.s32 $0x2580;
	[sflag:s7] =	ssyncadd.s32 $0xFFFFF800  }
0x43: {  	[tilespmem:s17], [sflag:$0x1] =	stream.indirect.gather [spmem:s2], $0x10, s28, s11, $0xb8;
	[tilespmem:$0x7780] =	vst v63  }
0x44: {  	_ =	swait.ge [sflag:s18], $0x800  }
0x45: {  	[sflag:s18] =	ssyncset.done $0x0  }
0x46: {  	[sflag:s18] =	ssyncadd.s32 $0xFFFFF800  }
0x47: {  	[spmem:s3] =	stream.indirect.scatter.add.f32 [tilespmem:s14], [sflag:$0x3], $0x10, s12, s11, $0xb8;
	[tilespmem:$0x7780] =	vst v63  }
0x48: {  	_ =	swait.ge [sflag:s7], $0x800  }
0x49: {  	[sflag:s7] =	ssyncset.done $0x0  }
0x4a: {  	s29 =	simm.s32 $0x2600;
	[sflag:s7] =	ssyncadd.s32 $0xFFFFF800  }
0x4b: {  	[tilespmem:s21], [sflag:$0x2] =	stream.indirect.gather [spmem:s2], $0x10, s29, s11, $0xb8;
	[tilespmem:$0x7780] =	vst v63  }
0x4c: {  	_ =	swait.ge [sflag:s15], $0x800  }
0x4d: {  	[sflag:s15] =	ssyncset.done $0x0  }
0x4e: {  	[sflag:s15] =	ssyncadd.s32 $0xFFFFF800  }
0x4f: {  	[spmem:s3] =	stream.indirect.scatter.add.f32 [tilespmem:s17], [sflag:$0x3], $0x10, s13, s11, $0xb8;
	[tilespmem:$0x7780] =	vst v63  }
0x50: {  	_ =	swait.ge [sflag:s7], $0x800  }
0x51: {  	[sflag:s7] =	ssyncset.done $0x0  }
0x52: {  	s30 =	simm.s32 $0x2680;
	[sflag:s7] =	ssyncadd.s32 $0xFFFFF800  }
0x53: {  	[tilespmem:s4], [sflag:$0x1] =	stream.indirect.gather [spmem:s2], $0x10, s30, s11, $0xb8;
	[tilespmem:$0x7780] =	vst v63  }
0x54: {  	_ =	swait.ge [sflag:s18], $0x800  }
0x55: {  	[sflag:s18] =	ssyncset.done $0x0  }
0x56: {  	[sflag:s18] =	ssyncadd.s32 $0xFFFFF800  }
0x57: {  	[spmem:s3] =	stream.indirect.scatter.add.f32 [tilespmem:s21], [sflag:$0x3], $0x10, s16, s11, $0xb8;
	[tilespmem:$0x7780] =	vst v63  }
0x58: {  	_ =	swait.ge [sflag:s7], $0x800  }
0x59: {  	[sflag:s7] =	ssyncset.done $0x0  }
0x5a: {  	s31 =	simm.s32 $0x2700;
	[sflag:s7] =	ssyncadd.s32 $0xFFFFF800  }
0x5b: {  	[tilespmem:s14], [sflag:$0x2] =	stream.indirect.gather [spmem:s2], $0x10, s31, s11, $0xb8;
	[tilespmem:$0x7780] =	vst v63  }
0x5c: {  	_ =	swait.ge [sflag:s15], $0x800  }
0x5d: {  	[sflag:s15] =	ssyncset.done $0x0  }
0x5e: {  	[sflag:s15] =	ssyncadd.s32 $0xFFFFF800  }
0x5f: {  	[spmem:s3] =	stream.indirect.scatter.add.f32 [tilespmem:s4], [sflag:$0x3], $0x10, s20, s11, $0xb8;
	[tilespmem:$0x7780] =	vst v63  }
0x60: {  	_ =	swait.ge [sflag:s7], $0x800  }
0x61: {  	[sflag:s7] =	ssyncset.done $0x0  }
0x62: {  	[sflag:s7] =	ssyncadd.s32 $0xFFFFF800  }
0x63: {  	[tilespmem:s17], [sflag:$0x1] =	stream.indirect.gather [spmem:s2], $0x10, s10, s11, $0xb8;
	[tilespmem:$0x7780] =	vst v63  }
0x64: {  	_ =	swait.ge [sflag:s18], $0x800  }
0x65: {  	[sflag:s18] =	ssyncset.done $0x0  }
0x66: {  	[sflag:s18] =	ssyncadd.s32 $0xFFFFF800  }
0x67: {  	[spmem:s3] =	stream.indirect.scatter.add.f32 [tilespmem:s14], [sflag:$0x3], $0x10, s23, s11, $0xb8;
	[tilespmem:$0x7780] =	vst v63  }
0x68: {  	_ =	swait.ge [sflag:s7], $0x800  }
0x69: {  	[sflag:s7] =	ssyncset.done $0x0  }
0x6a: {  	[sflag:s7] =	ssyncadd.s32 $0xFFFFF800  }
0x6b: {  	[tilespmem:s21], [sflag:$0x2] =	stream.indirect.gather [spmem:s2], $0x10, s19, s11, $0xb8;
	[tilespmem:$0x7780] =	vst v63  }
0x6c: {  	_ =	swait.ge [sflag:s15], $0x800  }
0x6d: {  	[sflag:s15] =	ssyncset.done $0x0  }
0x6e: {  	[sflag:s15] =	ssyncadd.s32 $0xFFFFF800  }
0x6f: {  	[spmem:s3] =	stream.indirect.scatter.add.f32 [tilespmem:s17], [sflag:$0x3], $0x10, s25, s11, $0xb8;
	[tilespmem:$0x7780] =	vst v63  }
0x70: {  	_ =	swait.ge [sflag:s7], $0x800  }
0x71: {  	[sflag:s7] =	ssyncset.done $0x0  }
0x72: {  	[sflag:s7] =	ssyncadd.s32 $0xFFFFF800  }
0x73: {  	[tilespmem:s4], [sflag:$0x1] =	stream.indirect.gather [spmem:s2], $0x10, s22, s11, $0xb8;
	[tilespmem:$0x7780] =	vst v63  }
0x74: {  	_ =	swait.ge [sflag:s18], $0x800  }
0x75: {  	[sflag:s18] =	ssyncset.done $0x0  }
0x76: {  	[sflag:s18] =	ssyncadd.s32 $0xFFFFF800  }
0x77: {  	[spmem:s3] =	stream.indirect.scatter.add.f32 [tilespmem:s21], [sflag:$0x3], $0x10, s28, s11, $0xb8;
	[tilespmem:$0x7780] =	vst v63  }
0x78: {  	_ =	swait.ge [sflag:s7], $0x800  }
0x79: {  	[sflag:s7] =	ssyncset.done $0x0  }
0x7a: {  	[sflag:s7] =	ssyncadd.s32 $0xFFFFF800  }
0x7b: {  	[tilespmem:s14], [sflag:$0x2] =	stream.indirect.gather [spmem:s2], $0x10, s24, s11, $0xb8;
	[tilespmem:$0x7780] =	vst v63  }
0x7c: {  	_ =	swait.ge [sflag:s15], $0x800  }
0x7d: {  	[sflag:s15] =	ssyncset.done $0x0  }
0x7e: {  	[sflag:s15] =	ssyncadd.s32 $0xFFFFF800  }
0x7f: {  	[spmem:s3] =	stream.indirect.scatter.add.f32 [tilespmem:s4], [sflag:$0x3], $0x10, s29, s11, $0xb8;
	[tilespmem:$0x7780] =	vst v63  }
0x80: {  	_ =	swait.ge [sflag:s7], $0x800  }
0x81: {  	[sflag:s7] =	ssyncset.done $0x0  }
0x82: {  	[sflag:s7] =	ssyncadd.s32 $0xFFFFF800  }
0x83: {  	[tilespmem:s17], [sflag:$0x1] =	stream.indirect.gather [spmem:s2], $0x10, s26, s11, $0xb8;
	[tilespmem:$0x7780] =	vst v63  }
0x84: {  	_ =	swait.ge [sflag:s18], $0x800  }
0x85: {  	[sflag:s18] =	ssyncset.done $0x0  }
0x86: {  	[sflag:s18] =	ssyncadd.s32 $0xFFFFF800  }
0x87: {  	[spmem:s3] =	stream.indirect.scatter.add.f32 [tilespmem:s14], [sflag:$0x3], $0x10, s30, s11, $0xb8;
	[tilespmem:$0x7780] =	vst v63  }
0x88: {  	_ =	swait.ge [sflag:s7], $0x800  }
0x89: {  	[sflag:s7] =	ssyncset.done $0x0  }
0x8a: {  	[sflag:s7] =	ssyncadd.s32 $0xFFFFF800  }
0x8b: {  	[tilespmem:s21], [sflag:$0x2] =	stream.indirect.gather [spmem:s2], $0x10, s10, s11, $0xb8;
	[tilespmem:$0x7780] =	vst v63  }
0x8c: {  	_ =	swait.ge [sflag:s15], $0x800  }
0x8d: {  	[sflag:s15] =	ssyncset.done $0x0  }
0x8e: {  	[sflag:s15] =	ssyncadd.s32 $0xFFFFF800  }
0x8f: {  	[spmem:s3] =	stream.indirect.scatter.add.f32 [tilespmem:s17], [sflag:$0x3], $0x10, s31, s11, $0xb8;
	[tilespmem:$0x7780] =	vst v63  }
0x90: {  	_ =	swait.ge [sflag:s7], $0x800  }
0x91: {  	[sflag:s7] =	ssyncset.done $0x0  }
0x92: {  	[sflag:s7] =	ssyncadd.s32 $0xFFFFF800  }
0x93: {  	[tilespmem:s4], [sflag:$0x1] =	stream.indirect.gather [spmem:s2], $0x10, s19, s11, $0xb8;
	[tilespmem:$0x7780] =	vst v63  }
0x94: {  	_ =	swait.ge [sflag:s18], $0x800  }
0x95: {  	[sflag:s18] =	ssyncset.done $0x0  }
0x96: {  	[sflag:s18] =	ssyncadd.s32 $0xFFFFF800  }
0x97: {  	[spmem:s3] =	stream.indirect.scatter.add.f32 [tilespmem:s21], [sflag:$0x3], $0x10, s12, s11, $0xb8;
	[tilespmem:$0x7780] =	vst v63  }
0x98: {  	_ =	swait.ge [sflag:s7], $0x800  }
0x99: {  	[sflag:s7] =	ssyncset.done $0x0  }
0x9a: {  	[sflag:s7] =	ssyncadd.s32 $0xFFFFF800  }
0x9b: {  	[tilespmem:s14], [sflag:$0x2] =	stream.indirect.gather [spmem:s2], $0x10, s22, s11, $0xb8;
	[tilespmem:$0x7780] =	vst v63  }
0x9c: {  	_ =	swait.ge [sflag:s15], $0x800  }
0x9d: {  	[sflag:s15] =	ssyncset.done $0x0  }
0x9e: {  	[sflag:s15] =	ssyncadd.s32 $0xFFFFF800  }
0x9f: {  	[spmem:s3] =	stream.indirect.scatter.add.f32 [tilespmem:s4], [sflag:$0x3], $0x10, s13, s11, $0xb8;
	[tilespmem:$0x7780] =	vst v63  }
0xa0: {  	_ =	swait.ge [sflag:s7], $0x800  }
0xa1: {  	[sflag:s7] =	ssyncset.done $0x0  }
0xa2: {  	[sflag:s7] =	ssyncadd.s32 $0xFFFFF800  }
0xa3: {  	[tilespmem:s17], [sflag:$0x1] =	stream.indirect.gather [spmem:s2], $0x10, s24, s11, $0xb8;
	[tilespmem:$0x7780] =	vst v63  }
0xa4: {  	_ =	swait.ge [sflag:s18], $0x800  }
0xa5: {  	[sflag:s18] =	ssyncset.done $0x0  }
0xa6: {  	[sflag:s18] =	ssyncadd.s32 $0xFFFFF800  }
0xa7: {  	[spmem:s3] =	stream.indirect.scatter.add.f32 [tilespmem:s14], [sflag:$0x3], $0x10, s16, s11, $0xb8;
	[tilespmem:$0x7780] =	vst v63  }
0xa8: {  	_ =	swait.ge [sflag:s7], $0x800  }
0xa9: {  	[sflag:s7] =	ssyncset.done $0x0  }
0xaa: {  	[sflag:s7] =	ssyncadd.s32 $0xFFFFF800  }
0xab: {  	[tilespmem:s21], [sflag:$0x2] =	stream.indirect.gather [spmem:s2], $0x10, s26, s11, $0xb8;
	[tilespmem:$0x7780] =	vst v63  }
0xac: {  	_ =	swait.ge [sflag:s15], $0x800  }
0xad: {  	[sflag:s15] =	ssyncset.done $0x0  }
0xae: {  	[sflag:s15] =	ssyncadd.s32 $0xFFFFF800  }
0xaf: {  	[spmem:s3] =	stream.indirect.scatter.add.f32 [tilespmem:s17], [sflag:$0x3], $0x10, s20, s11, $0xb8;
	[tilespmem:$0x7780] =	vst v63  }
0xb0: {  	_ =	swait.ge [sflag:s7], $0x800  }
0xb1: {  	[sflag:s7] =	ssyncset.done $0x0  }
0xb2: {  	[sflag:s7] =	ssyncadd.s32 $0xFFFFF800  }
0xb3: {  	[tilespmem:s4], [sflag:$0x1] =	stream.indirect.gather [spmem:s2], $0x10, s12, s11, $0xb8;
	[tilespmem:$0x7780] =	vst v63  }
0xb4: {  	_ =	swait.ge [sflag:s18], $0x800  }
0xb5: {  	[sflag:s18] =	ssyncset.done $0x0  }
0xb6: {  	[sflag:s18] =	ssyncadd.s32 $0xFFFFF800  }
0xb7: {  	[spmem:s3] =	stream.indirect.scatter.add.f32 [tilespmem:s21], [sflag:$0x3], $0x10, s23, s11, $0xb8;
	[tilespmem:$0x7780] =	vst v63  }
0xb8: {  	_ =	swait.ge [sflag:s7], $0x800  }
0xb9: {  	[sflag:s7] =	ssyncset.done $0x0  }
0xba: {  	[sflag:s7] =	ssyncadd.s32 $0xFFFFF800  }
0xbb: {  	[tilespmem:s14], [sflag:$0x2] =	stream.indirect.gather [spmem:s2], $0x10, s13, s11, $0xb8;
	[tilespmem:$0x7780] =	vst v63  }
0xbc: {  	_ =	swait.ge [sflag:s15], $0x800  }
0xbd: {  	[sflag:s15] =	ssyncset.done $0x0  }
0xbe: {  	[sflag:s15] =	ssyncadd.s32 $0xFFFFF800  }
0xbf: {  	[spmem:s3] =	stream.indirect.scatter.add.f32 [tilespmem:s4], [sflag:$0x3], $0x10, s25, s11, $0xb8;
	[tilespmem:$0x7780] =	vst v63  }
0xc0: {  	_ =	swait.ge [sflag:s7], $0x800  }
0xc1: {  	[sflag:s7] =	ssyncset.done $0x0  }
0xc2: {  	[sflag:s7] =	ssyncadd.s32 $0xFFFFF800  }
0xc3: {  	[tilespmem:s17], [sflag:$0x1] =	stream.indirect.gather [spmem:s2], $0x10, s16, s11, $0xb8;
	[tilespmem:$0x7780] =	vst v63  }
0xc4: {  	_ =	swait.ge [sflag:s18], $0x800  }
0xc5: {  	[sflag:s18] =	ssyncset.done $0x0  }
0xc6: {  	[sflag:s18] =	ssyncadd.s32 $0xFFFFF800  }
0xc7: {  	[spmem:s3] =	stream.indirect.scatter.add.f32 [tilespmem:s14], [sflag:$0x3], $0x10, s28, s11, $0xb8;
	[tilespmem:$0x7780] =	vst v63  }
0xc8: {  	_ =	swait.ge [sflag:s7], $0x800  }
0xc9: {  	[sflag:s7] =	ssyncset.done $0x0  }
0xca: {  	[sflag:s7] =	ssyncadd.s32 $0xFFFFF800  }
0xcb: {  	[tilespmem:s21], [sflag:$0x2] =	stream.indirect.gather [spmem:s2], $0x10, s20, s11, $0xb8;
	[tilespmem:$0x7780] =	vst v63  }
0xcc: {  	_ =	swait.ge [sflag:s15], $0x800  }
0xcd: {  	[sflag:s15] =	ssyncset.done $0x0  }
0xce: {  	[sflag:s15] =	ssyncadd.s32 $0xFFFFF800  }
0xcf: {  	[spmem:s3] =	stream.indirect.scatter.add.f32 [tilespmem:s17], [sflag:$0x3], $0x10, s29, s11, $0xb8;
	[tilespmem:$0x7780] =	vst v63  }
0xd0: {  	_ =	swait.ge [sflag:s7], $0x800  }
0xd1: {  	[sflag:s7] =	ssyncset.done $0x0  }
0xd2: {  	[sflag:s7] =	ssyncadd.s32 $0xFFFFF800  }
0xd3: {  	[tilespmem:s4], [sflag:$0x1] =	stream.indirect.gather [spmem:s2], $0x10, s23, s11, $0xb8;
	[tilespmem:$0x7780] =	vst v63  }
0xd4: {  	_ =	swait.ge [sflag:s18], $0x800  }
0xd5: {  	[sflag:s18] =	ssyncset.done $0x0  }
0xd6: {  	[sflag:s18] =	ssyncadd.s32 $0xFFFFF800  }
0xd7: {  	[spmem:s3] =	stream.indirect.scatter.add.f32 [tilespmem:s21], [sflag:$0x3], $0x10, s30, s11, $0xb8;
	[tilespmem:$0x7780] =	vst v63  }
0xd8: {  	_ =	swait.ge [sflag:s7], $0x800  }
0xd9: {  	[sflag:s7] =	ssyncset.done $0x0  }
0xda: {  	[sflag:s7] =	ssyncadd.s32 $0xFFFFF800  }
0xdb: {  	[tilespmem:s14], [sflag:$0x2] =	stream.indirect.gather [spmem:s2], $0x10, s25, s11, $0xb8;
	[tilespmem:$0x7780] =	vst v63  }
0xdc: {  	_ =	swait.ge [sflag:s15], $0x800  }
0xdd: {  	[sflag:s15] =	ssyncset.done $0x0  }
0xde: {  	[sflag:s15] =	ssyncadd.s32 $0xFFFFF800  }
0xdf: {  	[spmem:s3] =	stream.indirect.scatter.add.f32 [tilespmem:s4], [sflag:$0x3], $0x10, s31, s11, $0xb8;
	[tilespmem:$0x7780] =	vst v63  }
0xe0: {  	_ =	swait.ge [sflag:s7], $0x800  }
0xe1: {  	[sflag:s7] =	ssyncset.done $0x0  }
0xe2: {  	[sflag:s7] =	ssyncadd.s32 $0xFFFFF800  }
0xe3: {  	[tilespmem:s17], [sflag:$0x1] =	stream.indirect.gather [spmem:s2], $0x10, s28, s11, $0xb8;
	[tilespmem:$0x7780] =	vst v63  }
0xe4: {  	_ =	swait.ge [sflag:s18], $0x800  }
0xe5: {  	[sflag:s18] =	ssyncset.done $0x0  }
0xe6: {  	[sflag:s18] =	ssyncadd.s32 $0xFFFFF800  }
0xe7: {  	[spmem:s3] =	stream.indirect.scatter.add.f32 [tilespmem:s14], [sflag:$0x3], $0x10, s10, s11, $0xb8;
	[tilespmem:$0x7780] =	vst v63  }
0xe8: {  	_ =	swait.ge [sflag:s7], $0x800  }
0xe9: {  	[sflag:s7] =	ssyncset.done $0x0  }
0xea: {  	[sflag:s7] =	ssyncadd.s32 $0xFFFFF800  }
0xeb: {  	[tilespmem:s21], [sflag:$0x2] =	stream.indirect.gather [spmem:s2], $0x10, s29, s11, $0xb8;
	[tilespmem:$0x7780] =	vst v63  }
0xec: {  	_ =	swait.ge [sflag:s15], $0x800  }
0xed: {  	[sflag:s15] =	ssyncset.done $0x0  }
0xee: {  	[sflag:s15] =	ssyncadd.s32 $0xFFFFF800  }
0xef: {  	[spmem:s3] =	stream.indirect.scatter.add.f32 [tilespmem:s17], [sflag:$0x3], $0x10, s19, s11, $0xb8;
	[tilespmem:$0x7780] =	vst v63  }
0xf0: {  	_ =	swait.ge [sflag:s7], $0x800  }
0xf1: {  	[sflag:s7] =	ssyncset.done $0x0  }
0xf2: {  	[sflag:s7] =	ssyncadd.s32 $0xFFFFF800  }
0xf3: {  	[tilespmem:s4], [sflag:$0x1] =	stream.indirect.gather [spmem:s2], $0x10, s30, s11, $0xb8;
	[tilespmem:$0x7780] =	vst v63  }
0xf4: {  	_ =	swait.ge [sflag:s18], $0x800  }
0xf5: {  	[sflag:s18] =	ssyncset.done $0x0  }
0xf6: {  	[sflag:s18] =	ssyncadd.s32 $0xFFFFF800  }
0xf7: {  	[spmem:s3] =	stream.indirect.scatter.add.f32 [tilespmem:s21], [sflag:$0x3], $0x10, s22, s11, $0xb8;
	[tilespmem:$0x7780] =	vst v63  }
0xf8: {  	_ =	swait.ge [sflag:s7], $0x800  }
0xf9: {  	[sflag:s7] =	ssyncset.done $0x0  }
0xfa: {  	[sflag:s7] =	ssyncadd.s32 $0xFFFFF800  }
0xfb: {  	[tilespmem:s14], [sflag:$0x2] =	stream.indirect.gather [spmem:s2], $0x10, s31, s11, $0xb8;
	[tilespmem:$0x7780] =	vst v63  }
0xfc: {  	_ =	swait.ge [sflag:s15], $0x800  }
0xfd: {  	[sflag:s15] =	ssyncset.done $0x0  }
0xfe: {  	[sflag:s15] =	ssyncadd.s32 $0xFFFFF800  }
0xff: {  	[spmem:s3] =	stream.indirect.scatter.add.f32 [tilespmem:s4], [sflag:$0x3], $0x10, s24, s11, $0xb8;
	[tilespmem:$0x7780] =	vst v63  }
0x100: {  	_ =	swait.ge [sflag:s7], $0x800  }
0x101: {  	[sflag:s7] =	ssyncset.done $0x0  }
0x102: {  	[sflag:s7] =	ssyncadd.s32 $0xFFFFF800  }
0x103: {  	_ =	swait.ge [sflag:s18], $0x800  }
0x104: {  	[sflag:s18] =	ssyncset.done $0x0  }
0x105: {  	[sflag:s18] =	ssyncadd.s32 $0xFFFFF800  }
0x106: {  	[spmem:s3] =	stream.indirect.scatter.add.f32 [tilespmem:s14], [sflag:$0x3], $0x10, s26, s11, $0xb8;
	[tilespmem:$0x7780] =	vst v63  }
0x107: {  	_ =	swait.ge [sflag:s7], $0x800  }
0x108: {  	[sflag:s7] =	ssyncset.done $0x0  }
0x109: {  	[sflag:s7] =	ssyncadd.s32 $0xFFFFF800  }
0x10a: {  	[bflag:$0x0] =	sbarrier.arrive $0xFFFF  }
0x10b: {  	s0 =	ssub.s32 $0x2, s0;
	s1 =	rddreg [dreg:$0x5]  }
0x10c: {  	[dreg:$0x6] =	wrdreg s1;
	s1 =	sshrl.u32 s0, $0x1  }
0x10d: {  	s0 =	ssub.s32 s0, s1  }
0x10e: {  	s0 =	smax.u32 s0, $0x1  }
0x10f: {  	p0 =	sne.s32 s0, $0x1  }
.Ltmp0:
0x110: {  	_ = 	snop;
	(pc) =	sbr.rel @!p0 .LBB2_2-.Ltmp0, $4  }
0x111: {  	s1 =	rddreg [dreg:$0x6]  }
0x112: {  	[hbm:s1], [sflag:s6] =	dma.local [spmem:s9], $0x500  }
0x113: {  	_ =	swait.ge [sflag:s7], $0x500  }
0x114: {  	s0 =	sadd.s32 $0xFFFFFFFF, s0;
	[sflag:s7] =	ssyncset.done $0x0  }
.LBB2_1:
0x115: {  	[sflag:s7] =	ssyncadd.s32 $0xFFFFFB00  }
0x116: {  	[spmem:s8], [sflag:s6] =	dma.local [hbm:s5], $0x500  }
0x117: {  	_ =	swait.ge [sflag:s7], $0x500  }
0x118: {  	[sflag:s7] =	ssyncset.done $0x0  }
0x119: {  	[sflag:s7] =	ssyncadd.s32 $0xFFFFFB00  }
0x11a: {  	[spmem:s9], [sflag:s6] =	dma.local [hbm:s5], $0x500  }
0x11b: {  	_ =	swait.ge [sflag:s7], $0x500  }
0x11c: {  	[sflag:s7] =	ssyncset.done $0x0  }
0x11d: {  	s1 =	rddreg [dreg:$0x4];
	[sflag:s7] =	ssyncadd.s32 $0xFFFFFB00  }
0x11e: {  	[tilespmem:s10], [sflag:$0x3] =	stream.linear.gather [hbm4b:s1+s4], $0x780, $0x38;
	[tilespmem:$0x7780] =	vst v63  }
0x11f: {  	_ =	swait.ge [sflag:s7], $0x780  }
0x120: {  	[sflag:s7] =	ssyncset.done $0x0  }
0x121: {  	[sflag:s7] =	ssyncadd.s32 $0xFFFFF880  }
0x122: {  	[bflag:$0x0] =	sbarrier.arrive $0xFFFF  }
0x123: {  	[tilespmem:s4], [sflag:$0x1] =	stream.indirect.gather [spmem:s2], $0x10, s12, s11, $0xb8;
	[tilespmem:$0x7780] =	vst v63  }
0x124: {  	_ = 	snop  }
0x125: {  	[tilespmem:s14], [sflag:$0x2] =	stream.indirect.gather [spmem:s2], $0x10, s13, s11, $0xb8;
	[tilespmem:$0x7780] =	vst v63  }
0x126: {  	_ =	swait.ge [sflag:s15], $0x800  }
0x127: {  	[sflag:s15] =	ssyncset.done $0x0  }
0x128: {  	[sflag:s15] =	ssyncadd.s32 $0xFFFFF800  }
0x129: {  	[spmem:s3] =	stream.indirect.scatter.add.f32 [tilespmem:s4], [sflag:$0x3], $0x10, s10, s11, $0xb8;
	[tilespmem:$0x7780] =	vst v63  }
0x12a: {  	_ =	swait.ge [sflag:s7], $0x800  }
0x12b: {  	[sflag:s7] =	ssyncset.done $0x0  }
0x12c: {  	[sflag:s7] =	ssyncadd.s32 $0xFFFFF800  }
0x12d: {  	[tilespmem:s17], [sflag:$0x1] =	stream.indirect.gather [spmem:s2], $0x10, s16, s11, $0xb8;
	[tilespmem:$0x7780] =	vst v63  }
0x12e: {  	_ =	swait.ge [sflag:s18], $0x800  }
0x12f: {  	[sflag:s18] =	ssyncset.done $0x0  }
0x130: {  	[sflag:s18] =	ssyncadd.s32 $0xFFFFF800  }
0x131: {  	[spmem:s3] =	stream.indirect.scatter.add.f32 [tilespmem:s14], [sflag:$0x3], $0x10, s19, s11, $0xb8;
	[tilespmem:$0x7780] =	vst v63  }
0x132: {  	_ =	swait.ge [sflag:s7], $0x800  }
0x133: {  	[sflag:s7] =	ssyncset.done $0x0  }
0x134: {  	[sflag:s7] =	ssyncadd.s32 $0xFFFFF800  }
0x135: {  	[tilespmem:s21], [sflag:$0x2] =	stream.indirect.gather [spmem:s2], $0x10, s20, s11, $0xb8;
	[tilespmem:$0x7780] =	vst v63  }
0x136: {  	_ =	swait.ge [sflag:s15], $0x800  }
0x137: {  	[sflag:s15] =	ssyncset.done $0x0  }
0x138: {  	[sflag:s15] =	ssyncadd.s32 $0xFFFFF800  }
0x139: {  	[spmem:s3] =	stream.indirect.scatter.add.f32 [tilespmem:s17], [sflag:$0x3], $0x10, s22, s11, $0xb8;
	[tilespmem:$0x7780] =	vst v63  }
0x13a: {  	_ =	swait.ge [sflag:s7], $0x800  }
0x13b: {  	[sflag:s7] =	ssyncset.done $0x0  }
0x13c: {  	[sflag:s7] =	ssyncadd.s32 $0xFFFFF800  }
0x13d: {  	[tilespmem:s4], [sflag:$0x1] =	stream.indirect.gather [spmem:s2], $0x10, s23, s11, $0xb8;
	[tilespmem:$0x7780] =	vst v63  }
0x13e: {  	_ =	swait.ge [sflag:s18], $0x800  }
0x13f: {  	[sflag:s18] =	ssyncset.done $0x0  }
0x140: {  	[sflag:s18] =	ssyncadd.s32 $0xFFFFF800  }
0x141: {  	[spmem:s3] =	stream.indirect.scatter.add.f32 [tilespmem:s21], [sflag:$0x3], $0x10, s24, s11, $0xb8;
	[tilespmem:$0x7780] =	vst v63  }
0x142: {  	_ =	swait.ge [sflag:s7], $0x800  }
0x143: {  	[sflag:s7] =	ssyncset.done $0x0  }
0x144: {  	[sflag:s7] =	ssyncadd.s32 $0xFFFFF800  }
0x145: {  	[tilespmem:s14], [sflag:$0x2] =	stream.indirect.gather [spmem:s2], $0x10, s25, s11, $0xb8;
	[tilespmem:$0x7780] =	vst v63  }
0x146: {  	_ =	swait.ge [sflag:s15], $0x800  }
0x147: {  	[sflag:s15] =	ssyncset.done $0x0  }
0x148: {  	[sflag:s15] =	ssyncadd.s32 $0xFFFFF800  }
0x149: {  	[spmem:s3] =	stream.indirect.scatter.add.f32 [tilespmem:s4], [sflag:$0x3], $0x10, s26, s11, $0xb8;
	[tilespmem:$0x7780] =	vst v63  }
0x14a: {  	_ =	swait.ge [sflag:s7], $0x800  }
0x14b: {  	[sflag:s7] =	ssyncset.done $0x0  }
0x14c: {  	[sflag:s7] =	ssyncadd.s32 $0xFFFFF800  }
0x14d: {  	[tilespmem:s17], [sflag:$0x1] =	stream.indirect.gather [spmem:s2], $0x10, s28, s11, $0xb8;
	[tilespmem:$0x7780] =	vst v63  }
0x14e: {  	_ =	swait.ge [sflag:s18], $0x800  }
0x14f: {  	[sflag:s18] =	ssyncset.done $0x0  }
0x150: {  	[sflag:s18] =	ssyncadd.s32 $0xFFFFF800  }
0x151: {  	[spmem:s3] =	stream.indirect.scatter.add.f32 [tilespmem:s14], [sflag:$0x3], $0x10, s12, s11, $0xb8;
	[tilespmem:$0x7780] =	vst v63  }
0x152: {  	_ =	swait.ge [sflag:s7], $0x800  }
0x153: {  	[sflag:s7] =	ssyncset.done $0x0  }
0x154: {  	[sflag:s7] =	ssyncadd.s32 $0xFFFFF800  }
0x155: {  	[tilespmem:s21], [sflag:$0x2] =	stream.indirect.gather [spmem:s2], $0x10, s29, s11, $0xb8;
	[tilespmem:$0x7780] =	vst v63  }
0x156: {  	_ =	swait.ge [sflag:s15], $0x800  }
0x157: {  	[sflag:s15] =	ssyncset.done $0x0  }
0x158: {  	[sflag:s15] =	ssyncadd.s32 $0xFFFFF800  }
0x159: {  	[spmem:s3] =	stream.indirect.scatter.add.f32 [tilespmem:s17], [sflag:$0x3], $0x10, s13, s11, $0xb8;
	[tilespmem:$0x7780] =	vst v63  }
0x15a: {  	_ =	swait.ge [sflag:s7], $0x800  }
0x15b: {  	[sflag:s7] =	ssyncset.done $0x0  }
0x15c: {  	[sflag:s7] =	ssyncadd.s32 $0xFFFFF800  }
0x15d: {  	[tilespmem:s4], [sflag:$0x1] =	stream.indirect.gather [spmem:s2], $0x10, s30, s11, $0xb8;
	[tilespmem:$0x7780] =	vst v63  }
0x15e: {  	_ =	swait.ge [sflag:s18], $0x800  }
0x15f: {  	[sflag:s18] =	ssyncset.done $0x0  }
0x160: {  	[sflag:s18] =	ssyncadd.s32 $0xFFFFF800  }
0x161: {  	[spmem:s3] =	stream.indirect.scatter.add.f32 [tilespmem:s21], [sflag:$0x3], $0x10, s16, s11, $0xb8;
	[tilespmem:$0x7780] =	vst v63  }
0x162: {  	_ =	swait.ge [sflag:s7], $0x800  }
0x163: {  	[sflag:s7] =	ssyncset.done $0x0  }
0x164: {  	[sflag:s7] =	ssyncadd.s32 $0xFFFFF800  }
0x165: {  	[tilespmem:s14], [sflag:$0x2] =	stream.indirect.gather [spmem:s2], $0x10, s31, s11, $0xb8;
	[tilespmem:$0x7780] =	vst v63  }
0x166: {  	_ =	swait.ge [sflag:s15], $0x800  }
0x167: {  	[sflag:s15] =	ssyncset.done $0x0  }
0x168: {  	[sflag:s15] =	ssyncadd.s32 $0xFFFFF800  }
0x169: {  	[spmem:s3] =	stream.indirect.scatter.add.f32 [tilespmem:s4], [sflag:$0x3], $0x10, s20, s11, $0xb8;
	[tilespmem:$0x7780] =	vst v63  }
0x16a: {  	_ =	swait.ge [sflag:s7], $0x800  }
0x16b: {  	[sflag:s7] =	ssyncset.done $0x0  }
0x16c: {  	[sflag:s7] =	ssyncadd.s32 $0xFFFFF800  }
0x16d: {  	[tilespmem:s17], [sflag:$0x1] =	stream.indirect.gather [spmem:s2], $0x10, s10, s11, $0xb8;
	[tilespmem:$0x7780] =	vst v63  }
0x16e: {  	_ =	swait.ge [sflag:s18], $0x800  }
0x16f: {  	[sflag:s18] =	ssyncset.done $0x0  }
0x170: {  	[sflag:s18] =	ssyncadd.s32 $0xFFFFF800  }
0x171: {  	[spmem:s3] =	stream.indirect.scatter.add.f32 [tilespmem:s14], [sflag:$0x3], $0x10, s23, s11, $0xb8;
	[tilespmem:$0x7780] =	vst v63  }
0x172: {  	_ =	swait.ge [sflag:s7], $0x800  }
0x173: {  	[sflag:s7] =	ssyncset.done $0x0  }
0x174: {  	[sflag:s7] =	ssyncadd.s32 $0xFFFFF800  }
0x175: {  	[tilespmem:s21], [sflag:$0x2] =	stream.indirect.gather [spmem:s2], $0x10, s19, s11, $0xb8;
	[tilespmem:$0x7780] =	vst v63  }
0x176: {  	_ =	swait.ge [sflag:s15], $0x800  }
0x177: {  	[sflag:s15] =	ssyncset.done $0x0  }
0x178: {  	[sflag:s15] =	ssyncadd.s32 $0xFFFFF800  }
0x179: {  	[spmem:s3] =	stream.indirect.scatter.add.f32 [tilespmem:s17], [sflag:$0x3], $0x10, s25, s11, $0xb8;
	[tilespmem:$0x7780] =	vst v63  }
0x17a: {  	_ =	swait.ge [sflag:s7], $0x800  }
0x17b: {  	[sflag:s7] =	ssyncset.done $0x0  }
0x17c: {  	[sflag:s7] =	ssyncadd.s32 $0xFFFFF800  }
0x17d: {  	[tilespmem:s4], [sflag:$0x1] =	stream.indirect.gather [spmem:s2], $0x10, s22, s11, $0xb8;
	[tilespmem:$0x7780] =	vst v63  }
0x17e: {  	_ =	swait.ge [sflag:s18], $0x800  }
0x17f: {  	[sflag:s18] =	ssyncset.done $0x0  }
0x180: {  	[sflag:s18] =	ssyncadd.s32 $0xFFFFF800  }
0x181: {  	[spmem:s3] =	stream.indirect.scatter.add.f32 [tilespmem:s21], [sflag:$0x3], $0x10, s28, s11, $0xb8;
	[tilespmem:$0x7780] =	vst v63  }
0x182: {  	_ =	swait.ge [sflag:s7], $0x800  }
0x183: {  	[sflag:s7] =	ssyncset.done $0x0  }
0x184: {  	[sflag:s7] =	ssyncadd.s32 $0xFFFFF800  }
0x185: {  	[tilespmem:s14], [sflag:$0x2] =	stream.indirect.gather [spmem:s2], $0x10, s24, s11, $0xb8;
	[tilespmem:$0x7780] =	vst v63  }
0x186: {  	_ =	swait.ge [sflag:s15], $0x800  }
0x187: {  	[sflag:s15] =	ssyncset.done $0x0  }
0x188: {  	[sflag:s15] =	ssyncadd.s32 $0xFFFFF800  }
0x189: {  	[spmem:s3] =	stream.indirect.scatter.add.f32 [tilespmem:s4], [sflag:$0x3], $0x10, s29, s11, $0xb8;
	[tilespmem:$0x7780] =	vst v63  }
0x18a: {  	_ =	swait.ge [sflag:s7], $0x800  }
0x18b: {  	[sflag:s7] =	ssyncset.done $0x0  }
0x18c: {  	[sflag:s7] =	ssyncadd.s32 $0xFFFFF800  }
0x18d: {  	[tilespmem:s17], [sflag:$0x1] =	stream.indirect.gather [spmem:s2], $0x10, s26, s11, $0xb8;
	[tilespmem:$0x7780] =	vst v63  }
0x18e: {  	_ =	swait.ge [sflag:s18], $0x800  }
0x18f: {  	[sflag:s18] =	ssyncset.done $0x0  }
0x190: {  	[sflag:s18] =	ssyncadd.s32 $0xFFFFF800  }
0x191: {  	[spmem:s3] =	stream.indirect.scatter.add.f32 [tilespmem:s14], [sflag:$0x3], $0x10, s30, s11, $0xb8;
	[tilespmem:$0x7780] =	vst v63  }
0x192: {  	_ =	swait.ge [sflag:s7], $0x800  }
0x193: {  	[sflag:s7] =	ssyncset.done $0x0  }
0x194: {  	[sflag:s7] =	ssyncadd.s32 $0xFFFFF800  }
0x195: {  	[tilespmem:s21], [sflag:$0x2] =	stream.indirect.gather [spmem:s2], $0x10, s10, s11, $0xb8;
	[tilespmem:$0x7780] =	vst v63  }
0x196: {  	_ =	swait.ge [sflag:s15], $0x800  }
0x197: {  	[sflag:s15] =	ssyncset.done $0x0  }
0x198: {  	[sflag:s15] =	ssyncadd.s32 $0xFFFFF800  }
0x199: {  	[spmem:s3] =	stream.indirect.scatter.add.f32 [tilespmem:s17], [sflag:$0x3], $0x10, s31, s11, $0xb8;
	[tilespmem:$0x7780] =	vst v63  }
0x19a: {  	_ =	swait.ge [sflag:s7], $0x800  }
0x19b: {  	[sflag:s7] =	ssyncset.done $0x0  }
0x19c: {  	[sflag:s7] =	ssyncadd.s32 $0xFFFFF800  }
0x19d: {  	[tilespmem:s4], [sflag:$0x1] =	stream.indirect.gather [spmem:s2], $0x10, s19, s11, $0xb8;
	[tilespmem:$0x7780] =	vst v63  }
0x19e: {  	_ =	swait.ge [sflag:s18], $0x800  }
0x19f: {  	[sflag:s18] =	ssyncset.done $0x0  }
0x1a0: {  	[sflag:s18] =	ssyncadd.s32 $0xFFFFF800  }
0x1a1: {  	[spmem:s3] =	stream.indirect.scatter.add.f32 [tilespmem:s21], [sflag:$0x3], $0x10, s12, s11, $0xb8;
	[tilespmem:$0x7780] =	vst v63  }
0x1a2: {  	_ =	swait.ge [sflag:s7], $0x800  }
0x1a3: {  	[sflag:s7] =	ssyncset.done $0x0  }
0x1a4: {  	[sflag:s7] =	ssyncadd.s32 $0xFFFFF800  }
0x1a5: {  	[tilespmem:s14], [sflag:$0x2] =	stream.indirect.gather [spmem:s2], $0x10, s22, s11, $0xb8;
	[tilespmem:$0x7780] =	vst v63  }
0x1a6: {  	_ =	swait.ge [sflag:s15], $0x800  }
0x1a7: {  	[sflag:s15] =	ssyncset.done $0x0  }
0x1a8: {  	[sflag:s15] =	ssyncadd.s32 $0xFFFFF800  }
0x1a9: {  	[spmem:s3] =	stream.indirect.scatter.add.f32 [tilespmem:s4], [sflag:$0x3], $0x10, s13, s11, $0xb8;
	[tilespmem:$0x7780] =	vst v63  }
0x1aa: {  	_ =	swait.ge [sflag:s7], $0x800  }
0x1ab: {  	[sflag:s7] =	ssyncset.done $0x0  }
0x1ac: {  	[sflag:s7] =	ssyncadd.s32 $0xFFFFF800  }
0x1ad: {  	[tilespmem:s17], [sflag:$0x1] =	stream.indirect.gather [spmem:s2], $0x10, s24, s11, $0xb8;
	[tilespmem:$0x7780] =	vst v63  }
0x1ae: {  	_ =	swait.ge [sflag:s18], $0x800  }
0x1af: {  	[sflag:s18] =	ssyncset.done $0x0  }
0x1b0: {  	[sflag:s18] =	ssyncadd.s32 $0xFFFFF800  }
0x1b1: {  	[spmem:s3] =	stream.indirect.scatter.add.f32 [tilespmem:s14], [sflag:$0x3], $0x10, s16, s11, $0xb8;
	[tilespmem:$0x7780] =	vst v63  }
0x1b2: {  	_ =	swait.ge [sflag:s7], $0x800  }
0x1b3: {  	[sflag:s7] =	ssyncset.done $0x0  }
0x1b4: {  	[sflag:s7] =	ssyncadd.s32 $0xFFFFF800  }
0x1b5: {  	[tilespmem:s21], [sflag:$0x2] =	stream.indirect.gather [spmem:s2], $0x10, s26, s11, $0xb8;
	[tilespmem:$0x7780] =	vst v63  }
0x1b6: {  	_ =	swait.ge [sflag:s15], $0x800  }
0x1b7: {  	[sflag:s15] =	ssyncset.done $0x0  }
0x1b8: {  	[sflag:s15] =	ssyncadd.s32 $0xFFFFF800  }
0x1b9: {  	[spmem:s3] =	stream.indirect.scatter.add.f32 [tilespmem:s17], [sflag:$0x3], $0x10, s20, s11, $0xb8;
	[tilespmem:$0x7780] =	vst v63  }
0x1ba: {  	_ =	swait.ge [sflag:s7], $0x800  }
0x1bb: {  	[sflag:s7] =	ssyncset.done $0x0  }
0x1bc: {  	[sflag:s7] =	ssyncadd.s32 $0xFFFFF800  }
0x1bd: {  	[tilespmem:s4], [sflag:$0x1] =	stream.indirect.gather [spmem:s2], $0x10, s12, s11, $0xb8;
	[tilespmem:$0x7780] =	vst v63  }
0x1be: {  	_ =	swait.ge [sflag:s18], $0x800  }
0x1bf: {  	[sflag:s18] =	ssyncset.done $0x0  }
0x1c0: {  	[sflag:s18] =	ssyncadd.s32 $0xFFFFF800  }
0x1c1: {  	[spmem:s3] =	stream.indirect.scatter.add.f32 [tilespmem:s21], [sflag:$0x3], $0x10, s23, s11, $0xb8;
	[tilespmem:$0x7780] =	vst v63  }
0x1c2: {  	_ =	swait.ge [sflag:s7], $0x800  }
0x1c3: {  	[sflag:s7] =	ssyncset.done $0x0  }
0x1c4: {  	[sflag:s7] =	ssyncadd.s32 $0xFFFFF800  }
0x1c5: {  	[tilespmem:s14], [sflag:$0x2] =	stream.indirect.gather [spmem:s2], $0x10, s13, s11, $0xb8;
	[tilespmem:$0x7780] =	vst v63  }
0x1c6: {  	_ =	swait.ge [sflag:s15], $0x800  }
0x1c7: {  	[sflag:s15] =	ssyncset.done $0x0  }
0x1c8: {  	[sflag:s15] =	ssyncadd.s32 $0xFFFFF800  }
0x1c9: {  	[spmem:s3] =	stream.indirect.scatter.add.f32 [tilespmem:s4], [sflag:$0x3], $0x10, s25, s11, $0xb8;
	[tilespmem:$0x7780] =	vst v63  }
0x1ca: {  	_ =	swait.ge [sflag:s7], $0x800  }
0x1cb: {  	[sflag:s7] =	ssyncset.done $0x0  }
0x1cc: {  	[sflag:s7] =	ssyncadd.s32 $0xFFFFF800  }
0x1cd: {  	[tilespmem:s17], [sflag:$0x1] =	stream.indirect.gather [spmem:s2], $0x10, s16, s11, $0xb8;
	[tilespmem:$0x7780] =	vst v63  }
0x1ce: {  	_ =	swait.ge [sflag:s18], $0x800  }
0x1cf: {  	[sflag:s18] =	ssyncset.done $0x0  }
0x1d0: {  	[sflag:s18] =	ssyncadd.s32 $0xFFFFF800  }
0x1d1: {  	[spmem:s3] =	stream.indirect.scatter.add.f32 [tilespmem:s14], [sflag:$0x3], $0x10, s28, s11, $0xb8;
	[tilespmem:$0x7780] =	vst v63  }
0x1d2: {  	_ =	swait.ge [sflag:s7], $0x800  }
0x1d3: {  	[sflag:s7] =	ssyncset.done $0x0  }
0x1d4: {  	[sflag:s7] =	ssyncadd.s32 $0xFFFFF800  }
0x1d5: {  	[tilespmem:s21], [sflag:$0x2] =	stream.indirect.gather [spmem:s2], $0x10, s20, s11, $0xb8;
	[tilespmem:$0x7780] =	vst v63  }
0x1d6: {  	_ =	swait.ge [sflag:s15], $0x800  }
0x1d7: {  	[sflag:s15] =	ssyncset.done $0x0  }
0x1d8: {  	[sflag:s15] =	ssyncadd.s32 $0xFFFFF800  }
0x1d9: {  	[spmem:s3] =	stream.indirect.scatter.add.f32 [tilespmem:s17], [sflag:$0x3], $0x10, s29, s11, $0xb8;
	[tilespmem:$0x7780] =	vst v63  }
0x1da: {  	_ =	swait.ge [sflag:s7], $0x800  }
0x1db: {  	[sflag:s7] =	ssyncset.done $0x0  }
0x1dc: {  	[sflag:s7] =	ssyncadd.s32 $0xFFFFF800  }
0x1dd: {  	[tilespmem:s4], [sflag:$0x1] =	stream.indirect.gather [spmem:s2], $0x10, s23, s11, $0xb8;
	[tilespmem:$0x7780] =	vst v63  }
0x1de: {  	_ =	swait.ge [sflag:s18], $0x800  }
0x1df: {  	[sflag:s18] =	ssyncset.done $0x0  }
0x1e0: {  	[sflag:s18] =	ssyncadd.s32 $0xFFFFF800  }
0x1e1: {  	[spmem:s3] =	stream.indirect.scatter.add.f32 [tilespmem:s21], [sflag:$0x3], $0x10, s30, s11, $0xb8;
	[tilespmem:$0x7780] =	vst v63  }
0x1e2: {  	_ =	swait.ge [sflag:s7], $0x800  }
0x1e3: {  	[sflag:s7] =	ssyncset.done $0x0  }
0x1e4: {  	[sflag:s7] =	ssyncadd.s32 $0xFFFFF800  }
0x1e5: {  	[tilespmem:s14], [sflag:$0x2] =	stream.indirect.gather [spmem:s2], $0x10, s25, s11, $0xb8;
	[tilespmem:$0x7780] =	vst v63  }
0x1e6: {  	_ =	swait.ge [sflag:s15], $0x800  }
0x1e7: {  	[sflag:s15] =	ssyncset.done $0x0  }
0x1e8: {  	[sflag:s15] =	ssyncadd.s32 $0xFFFFF800  }
0x1e9: {  	[spmem:s3] =	stream.indirect.scatter.add.f32 [tilespmem:s4], [sflag:$0x3], $0x10, s31, s11, $0xb8;
	[tilespmem:$0x7780] =	vst v63  }
0x1ea: {  	_ =	swait.ge [sflag:s7], $0x800  }
0x1eb: {  	[sflag:s7] =	ssyncset.done $0x0  }
0x1ec: {  	[sflag:s7] =	ssyncadd.s32 $0xFFFFF800  }
0x1ed: {  	[tilespmem:s17], [sflag:$0x1] =	stream.indirect.gather [spmem:s2], $0x10, s28, s11, $0xb8;
	[tilespmem:$0x7780] =	vst v63  }
0x1ee: {  	_ =	swait.ge [sflag:s18], $0x800  }
0x1ef: {  	[sflag:s18] =	ssyncset.done $0x0  }
0x1f0: {  	[sflag:s18] =	ssyncadd.s32 $0xFFFFF800  }
0x1f1: {  	[spmem:s3] =	stream.indirect.scatter.add.f32 [tilespmem:s14], [sflag:$0x3], $0x10, s10, s11, $0xb8;
	[tilespmem:$0x7780] =	vst v63  }
0x1f2: {  	_ =	swait.ge [sflag:s7], $0x800  }
0x1f3: {  	[sflag:s7] =	ssyncset.done $0x0  }
0x1f4: {  	[sflag:s7] =	ssyncadd.s32 $0xFFFFF800  }
0x1f5: {  	[tilespmem:s21], [sflag:$0x2] =	stream.indirect.gather [spmem:s2], $0x10, s29, s11, $0xb8;
	[tilespmem:$0x7780] =	vst v63  }
0x1f6: {  	_ =	swait.ge [sflag:s15], $0x800  }
0x1f7: {  	[sflag:s15] =	ssyncset.done $0x0  }
0x1f8: {  	[sflag:s15] =	ssyncadd.s32 $0xFFFFF800  }
0x1f9: {  	[spmem:s3] =	stream.indirect.scatter.add.f32 [tilespmem:s17], [sflag:$0x3], $0x10, s19, s11, $0xb8;
	[tilespmem:$0x7780] =	vst v63  }
0x1fa: {  	_ =	swait.ge [sflag:s7], $0x800  }
0x1fb: {  	[sflag:s7] =	ssyncset.done $0x0  }
0x1fc: {  	[sflag:s7] =	ssyncadd.s32 $0xFFFFF800  }
0x1fd: {  	[tilespmem:s4], [sflag:$0x1] =	stream.indirect.gather [spmem:s2], $0x10, s30, s11, $0xb8;
	[tilespmem:$0x7780] =	vst v63  }
0x1fe: {  	_ =	swait.ge [sflag:s18], $0x800  }
0x1ff: {  	[sflag:s18] =	ssyncset.done $0x0  }
0x200: {  	[sflag:s18] =	ssyncadd.s32 $0xFFFFF800  }
0x201: {  	[spmem:s3] =	stream.indirect.scatter.add.f32 [tilespmem:s21], [sflag:$0x3], $0x10, s22, s11, $0xb8;
	[tilespmem:$0x7780] =	vst v63  }
0x202: {  	_ =	swait.ge [sflag:s7], $0x800  }
0x203: {  	[sflag:s7] =	ssyncset.done $0x0  }
0x204: {  	[sflag:s7] =	ssyncadd.s32 $0xFFFFF800  }
0x205: {  	[tilespmem:s14], [sflag:$0x2] =	stream.indirect.gather [spmem:s2], $0x10, s31, s11, $0xb8;
	[tilespmem:$0x7780] =	vst v63  }
0x206: {  	_ =	swait.ge [sflag:s15], $0x800  }
0x207: {  	[sflag:s15] =	ssyncset.done $0x0  }
0x208: {  	[sflag:s15] =	ssyncadd.s32 $0xFFFFF800  }
0x209: {  	[spmem:s3] =	stream.indirect.scatter.add.f32 [tilespmem:s4], [sflag:$0x3], $0x10, s24, s11, $0xb8;
	[tilespmem:$0x7780] =	vst v63  }
0x20a: {  	_ =	swait.ge [sflag:s7], $0x800  }
0x20b: {  	[sflag:s7] =	ssyncset.done $0x0  }
0x20c: {  	[sflag:s7] =	ssyncadd.s32 $0xFFFFF800  }
0x20d: {  	_ =	swait.ge [sflag:s18], $0x800  }
0x20e: {  	[sflag:s18] =	ssyncset.done $0x0  }
0x20f: {  	[sflag:s18] =	ssyncadd.s32 $0xFFFFF800  }
0x210: {  	[spmem:s3] =	stream.indirect.scatter.add.f32 [tilespmem:s14], [sflag:$0x3], $0x10, s26, s11, $0xb8;
	[tilespmem:$0x7780] =	vst v63  }
0x211: {  	_ =	swait.ge [sflag:s7], $0x800  }
0x212: {  	[sflag:s7] =	ssyncset.done $0x0  }
0x213: {  	p0 =	sne.s32 s0, $0x1;
	[sflag:s7] =	ssyncadd.s32 $0xFFFFF800  }
.Ltmp1:
0x214: {  	[bflag:$0x0] =	sbarrier.arrive $0xFFFF;
	(pc) =	sbr.rel @p0 .LBB2_1-.Ltmp1, $4  }
0x215: {  	s1 =	rddreg [dreg:$0x5]  }
0x216: {  	[hbm:s1], [sflag:s6] =	dma.local [spmem:s9], $0x500  }
0x217: {  	_ =	swait.ge [sflag:s7], $0x500  }
0x218: {  	s0 =	sadd.s32 $0xFFFFFFFF, s0;
	[sflag:s7] =	ssyncset.done $0x0  }
.LBB2_2:
0x219: {  	[sflag:s7] =	ssyncadd.s32 $0xFFFFFB00  }
0x21a: {  	_ =	sfence.sel $0x180000  }
0x21b: {  	[bflag:$0x0] =	sbarrier.arrive $0xFFFF  }
0x21c: {  	_ =	strace $0x90000047  }
0x21d: {  	s0 =	stileid.u32;
	[bflag:$0x2] =	sbarrier.arrive $0xFFFF  }
0x21e: {  	p0 =	sne.s32 s0, $0x0;
	s0 =	rddreg [dreg:$0x3]  }
0x21f: {  	s0 =	sadd.s32 @!p0 $0x100000, s0  }
0x220: {  	[sflag:s0] =	ssyncadd.tile.s32 @!p0 $0x1;
	_ =	shalt  }
.Lfunc_end2:
_tile_overlayer_lowered:
.L_overlay_start_2:
0x221: {  	(tag) =	ssettag $0x2  }
0x222: {  	s0 =	rddreg [dreg:$0x0];
	s2 =	stileid.u32  }
0x223: {  	s1 =	rddreg [dreg:$0x1];
	p0 =	sne.s32 s2, $0x0  }
0x224: {  	s3 =	rddreg [dreg:$0x2];
	[bflag:$0x3] =	sbarrier.arrive $0xFFFF;
	s2 =	simm.s32 @!p0 $0x1C03  }
0x225: {  	[timem:s3], [sflag:s2] =	dma.local @!p0 [hbm:s0], s1  }
0x226: {  	s0 =	simm.s32 @!p0 $0x3  }
0x227: {  	_ =	swait.ge @!p0 [sflag:s0], s1  }
0x228: {  	s1 =	ssub.s32 @!p0 $0x0, s1;
	[sflag:s0] =	ssyncset.done @!p0 $0x0  }
0x229: {  	[sflag:s0] =	ssyncadd.s32 @!p0 s1  }
0x22a: {  	[bflag:$0x3] =	sbarrier.arrive $0xFFFF  }
0x22b: {  	_ =	shalt  }

</sc_bundles>
